<compile_context>
chip_gen: v7x
topology: tpu7x:2x2x1
jax: 0.10.2.dev20260603
libtpu: 0.0.44.dev20260713+nightly
codegen_flags: <defaults>
</compile_context>

<pallas_src>
import jax
import jax.numpy as jnp
from jax import lax
from jax.experimental import pallas as pl
from jax.experimental.pallas import tpu as pltpu
from jax.experimental.pallas import tpu_sc as plsc

_DIM = 33
_DIM2 = _DIM * _DIM
_TBL = _DIM ** 3
_TBLP = 35944
_BINSIZE = 1.000001 / (_DIM - 1)
_W = 512
_CROWS = 2
_NCHUNK = 128 // _CROWS
_L = 16

_buf = lambda: pltpu.VMEM((_CROWS, _W), jnp.float32)


@pl.kernel(
    out_type=jax.ShapeDtypeStruct((8, 3, 512, 512), jnp.float32),
    mesh=plsc.VectorSubcoreMesh(core_axis_name="c", subcore_axis_name="s"),
    compiler_params=pltpu.CompilerParams(needs_layout_passes=False),
    scratch_types=[pltpu.VMEM((3 * _TBLP,), jnp.int32)]
    + [_buf() for _ in range(12)]
    + [pltpu.SemaphoreType.DMA for _ in range(4)],
)
def _lut3d_sc(lut_hbm, x_hbm, out_hbm, lut_v,
              i00, i01, i02, i10, i11, i12,
              o00, o01, o02, o10, o11, o12,
              sin0, sin1, sout0, sout1):
    wid = lax.axis_index("s") * 2 + lax.axis_index("c")
    img = wid // 4
    rows0 = (wid % 4) * 128

    ins = ((i00, i01, i02), (i10, i11, i12))
    outs = ((o00, o01, o02), (o10, o11, o12))
    sins = (sin0, sin1)
    souts = (sout0, sout1)

    def in_copies(ci, p):
        row = rows0 + ci * _CROWS
        return [pltpu.make_async_copy(
            x_hbm.at[img, c, pl.ds(row, _CROWS), :], ins[p][c], sins[p])
            for c in range(3)]

    def out_copies(ci, p):
        row = rows0 + ci * _CROWS
        return [pltpu.make_async_copy(
            outs[p][c], out_hbm.at[img, c, pl.ds(row, _CROWS), :], souts[p])
            for c in range(3)]

    for cp in in_copies(0, 0):
        cp.start()
    pltpu.sync_copy(lut_hbm, lut_v)
    inv = 1.0 / _BINSIZE

    @pl.loop(0, _NCHUNK, step=2)
    def chunk_pair(base):
        for b in range(2):
            ci = base + b
            p, q = b, 1 - b

            @pl.when(ci + 1 < _NCHUNK)
            def _prefetch():
                for cp in in_copies(ci + 1, q):
                    cp.start()

            for cp in in_copies(ci, p):
                cp.wait()

            @pl.when(ci >= 2)
            def _drain():
                for cp in out_copies(ci - 2, p):
                    cp.wait()

            rv, gv, bv = ins[p]
            ov0, ov1, ov2 = outs[p]

            @plsc.parallel_loop(0, _W, _L, unroll=2)
            def vec_body(s):
                for jj in range(_CROWS):
                    r = rv[jj, pl.ds(s, _L)]
                    g = gv[jj, pl.ds(s, _L)]
                    b_ = bv[jj, pl.ds(s, _L)]
                    rs = r * inv
                    gs = g * inv
                    bs = b_ * inv
                    ri = rs.astype(jnp.int32)
                    gi = gs.astype(jnp.int32)
                    bi = bs.astype(jnp.int32)
                    rd = rs - ri.astype(jnp.float32)
                    gd = gs - gi.astype(jnp.float32)
                    bd = bs - bi.astype(jnp.float32)
                    base_id = ri + gi * _DIM + bi * _DIM2

                    def gat(off, idx):
                        return plsc.load_gather(
                            lut_v.at[pl.ds(off, 3 * _TBLP - off)], [idx])

                    b1 = base_id + 1
                    b2 = base_id + 2
                    rm = 1.0 - rd
                    gm = 1.0 - gd
                    bm = 1.0 - bd
                    q00 = gm * bm
                    q10 = gd * bm
                    q01 = gm * bd
                    q11 = gd * bd
                    fmt = plsc.PackFormat.INTERLEAVED
                    wr = plsc.pack(rm, rd, format=fmt)
                    w00 = wr * plsc.pack(q00, q00, format=fmt)
                    w10 = wr * plsc.pack(q10, q10, format=fmt)
                    w01 = wr * plsc.pack(q01, q01, format=fmt)
                    w11 = wr * plsc.pack(q11, q11, format=fmt)
                    res = []
                    for c in range(3):
                        ct = c * _TBLP
                        p = (w00 * plsc.bitcast(gat(ct, base_id), jnp.bfloat16)
                             + w10 * plsc.bitcast(gat(ct + 32, b1),
                                                  jnp.bfloat16)) \
                            + (w01 * plsc.bitcast(gat(ct + 1088, b1),
                                                  jnp.bfloat16)
                               + w11 * plsc.bitcast(gat(ct + 1120, b2),
                                                    jnp.bfloat16))
                        ai = plsc.bitcast(p, jnp.int32)
                        lo = plsc.bitcast(ai << 16, jnp.float32)
                        hi = plsc.bitcast(ai, jnp.float32)
                        res.append(lo + hi)
                    ov0[jj, pl.ds(s, _L)] = res[0]
                    ov1[jj, pl.ds(s, _L)] = res[1]
                    ov2[jj, pl.ds(s, _L)] = res[2]

            for cp in out_copies(ci, p):
                cp.start()

    for cp in out_copies(_NCHUNK - 2, 0):
        cp.wait()
    for cp in out_copies(_NCHUNK - 1, 1):
        cp.wait()


def _pack_pairs(lut):
    t = lut.reshape(3, _TBL)
    tn = jnp.concatenate([t[:, 1:], t[:, -1:]], axis=1)
    lo = lax.bitcast_convert_type(t.astype(jnp.bfloat16), jnp.uint16)
    hi = lax.bitcast_convert_type(tn.astype(jnp.bfloat16), jnp.uint16)
    packed = lo.astype(jnp.uint32) | (hi.astype(jnp.uint32) << 16)
    packed = jnp.pad(packed, ((0, 0), (0, _TBLP - _TBL)))
    return lax.bitcast_convert_type(packed, jnp.int32).reshape(3 * _TBLP)


def kernel(lut, x):
    return _lut3d_sc(_pack_pairs(lut), x)

# --- scband reference (transcript-rebuilt; emitter-appended) ---
"""Pipeline reference for scband-lut3-d-52810917872156 (READ-ONLY COPY).

The authoritative reference and input builder live on the scoring server;
editing this copy changes nothing except your own understanding.
"""

import jax, jax.numpy as jnp
import numpy as np

DIM = 33

def setup_inputs(seed: int = 0) -> dict:
    key = jax.random.key(seed)
    k1, k2 = jax.random.split(key)
    x = jax.random.uniform(k1, (8, 3, 512, 512), dtype=jnp.float32)
    lut = jax.random.uniform(k2, (3, DIM, DIM, DIM), dtype=jnp.float32)
    return {"lut": lut, "x": x}


def _trilinear(lut, x):
    dim = lut.shape[-1]
    binsize = 1.000001 / (dim - 1)
    r = x[:, 0]
    g = x[:, 1]
    b = x[:, 2]
    r_idf = jnp.floor(r / binsize)
    g_idf = jnp.floor(g / binsize)
    b_idf = jnp.floor(b / binsize)
    r_d = r / binsize - r_idf
    g_d = g / binsize - g_idf
    b_d = b / binsize - b_idf
    r_id = r_idf.astype(jnp.int32)
    g_id = g_idf.astype(jnp.int32)
    b_id = b_idf.astype(jnp.int32)
    id000 = r_id + g_id * dim + b_id * dim * dim
    id100 = id000 + 1
    id010 = id000 + dim
    id110 = id000 + dim + 1
    id001 = id000 + dim * dim
    id101 = id001 + 1
    id011 = id001 + dim
    id111 = id001 + dim + 1
    w000 = (1 - r_d) * (1 - g_d) * (1 - b_d)
    w100 = r_d * (1 - g_d) * (1 - b_d)
    w010 = (1 - r_d) * g_d * (1 - b_d)
    w110 = r_d * g_d * (1 - b_d)
    w001 = (1 - r_d) * (1 - g_d) * b_d
    w101 = r_d * (1 - g_d) * b_d
    w011 = (1 - r_d) * g_d * b_d
    w111 = r_d * g_d * b_d
    lut_flat = lut.reshape(3, -1)

    def interp_channel(tbl):
        return (w000 * jnp.take(tbl, id000)
                + w100 * jnp.take(tbl, id100)
                + w010 * jnp.take(tbl, id010)
                + w110 * jnp.take(tbl, id110)
                + w001 * jnp.take(tbl, id001)
                + w101 * jnp.take(tbl, id101)
                + w011 * jnp.take(tbl, id011)
                + w111 * jnp.take(tbl, id111))

    out = jnp.stack([interp_channel(lut_flat[c]) for c in range(3)], axis=1)
    return out


def reference(lut, x):
    # Lut3D.forward: trilinear interpolation of x through the learned 3D LUT.
    return _trilinear(lut, x)

if __name__ == "__main__":
    import jax
    _d = setup_inputs()
    print(jax.jit(kernel)(*tuple(_d.values())))

</pallas_src>

<mosaic_0001>
#map = affine_map<(d0, d1) -> (0)>
#map1 = affine_map<(d0, d1) -> (0, 0, 0, 0)>
module attributes {stable_mosaic.version = 14 : i64} {
  func.func @_lut3d_sc(%arg0: i32, %arg1: i32, %arg2: memref<107832xi32, #tpu.memory_space<hbm>>, %arg3: memref<8x3x512x512xf32, #tpu.memory_space<hbm>>, %arg4: memref<8x3x512x512xf32, #tpu.memory_space<hbm>>, %arg5: memref<107832xi32, #tpu.memory_space<vmem>>, %arg6: memref<2x512xf32, #tpu.memory_space<vmem>>, %arg7: memref<2x512xf32, #tpu.memory_space<vmem>>, %arg8: memref<2x512xf32, #tpu.memory_space<vmem>>, %arg9: memref<2x512xf32, #tpu.memory_space<vmem>>, %arg10: memref<2x512xf32, #tpu.memory_space<vmem>>, %arg11: memref<2x512xf32, #tpu.memory_space<vmem>>, %arg12: memref<2x512xf32, #tpu.memory_space<vmem>>, %arg13: memref<2x512xf32, #tpu.memory_space<vmem>>, %arg14: memref<2x512xf32, #tpu.memory_space<vmem>>, %arg15: memref<2x512xf32, #tpu.memory_space<vmem>>, %arg16: memref<2x512xf32, #tpu.memory_space<vmem>>, %arg17: memref<2x512xf32, #tpu.memory_space<vmem>>, %arg18: memref<!tpu.dma_semaphore, #tpu.memory_space<semaphore_mem>>, %arg19: memref<!tpu.dma_semaphore, #tpu.memory_space<semaphore_mem>>, %arg20: memref<!tpu.dma_semaphore, #tpu.memory_space<semaphore_mem>>, %arg21: memref<!tpu.dma_semaphore, #tpu.memory_space<semaphore_mem>>) attributes {dimension_semantics = [#tpu.dimension_semantics<core_parallel>, #tpu.dimension_semantics<subcore_parallel>], iteration_bounds = array<i64: 2, 16>, scalar_prefetch = 0 : i64, scratch_operands = 17 : i64, tpu.core_type = #tpu.core_type<sc_vector_subcore>, window_params = [{transform_indices = #map}, {transform_indices = #map1}, {transform_indices = #map1}]} {
    %mul3A = arith.constant 2 : i32
    %mul3A_0 = arith.muli %arg1, %mul3A : i32
    %add3A = arith.addi %mul3A_0, %arg0 : i32
    %jit3A = arith.constant 4 : i32
    %div3A = arith.divsi %add3A, %jit3A : i32
    %sign3A = arith.constant 0 : i32
    %sign3A_1 = arith.cmpi sgt, %add3A, %sign3A : i32
    %sign3A_2 = arith.extui %sign3A_1 : i1 to i32
    %sign3A_3 = arith.constant 0 : i32
    %sign3A_4 = arith.cmpi slt, %add3A, %sign3A_3 : i32
    %sign3A_5 = arith.extui %sign3A_4 : i1 to i32
    %sign3A_6 = arith.subi %sign3A_2, %sign3A_5 : i32
    %sign3A_7 = arith.constant 0 : i32
    %sign3A_8 = arith.cmpi sgt, %jit3A, %sign3A_7 : i32
    %sign3A_9 = arith.extui %sign3A_8 : i1 to i32
    %sign3A_10 = arith.constant 0 : i32
    %sign3A_11 = arith.cmpi slt, %jit3A, %sign3A_10 : i32
    %sign3A_12 = arith.extui %sign3A_11 : i1 to i32
    %sign3A_13 = arith.subi %sign3A_9, %sign3A_12 : i32
    %ne3A = arith.cmpi ne, %sign3A_6, %sign3A_13 : i32
    %rem3A = arith.remsi %add3A, %jit3A : i32
    %ne3A_14 = arith.constant 0 : i32
    %ne3A_15 = arith.cmpi ne, %rem3A, %ne3A_14 : i32
    %and3A = arith.andi %ne3A, %ne3A_15 : i1
    %sub3A = arith.constant 1 : i32
    %sub3A_16 = arith.subi %div3A, %sub3A : i32
    %select_n3A = arith.select %and3A, %sub3A_16, %div3A : i32
    %jit3A_17 = arith.constant 4 : i32
    %eq3A = arith.constant 0 : i32
    %eq3A_18 = arith.cmpi eq, %jit3A_17, %eq3A : i32
    %jit3A_19 = arith.constant 1 : i32
    %select_n3A_20 = arith.select %eq3A_18, %jit3A_19, %jit3A_17 : i32
    %rem3A_21 = arith.remsi %add3A, %select_n3A_20 : i32
    %ne3A_22 = arith.constant 0 : i32
    %ne3A_23 = arith.cmpi ne, %rem3A_21, %ne3A_22 : i32
    %lt3A = arith.constant 0 : i32
    %lt3A_24 = arith.cmpi slt, %rem3A_21, %lt3A : i32
    %lt3A_25 = arith.constant 0 : i32
    %lt3A_26 = arith.cmpi slt, %select_n3A_20, %lt3A_25 : i32
    %ne3A_27 = arith.xori %lt3A_24, %lt3A_26 : i1
    %and3A_28 = arith.andi %ne3A_27, %ne3A_23 : i1
    %add3A_29 = arith.addi %rem3A_21, %select_n3A_20 : i32
    %select_n3A_30 = arith.select %and3A_28, %add3A_29, %rem3A_21 : i32
    %mul3A_31 = arith.constant 128 : i32
    %mul3A_32 = arith.muli %select_n3A_30, %mul3A_31 : i32
    %add3A_33 = arith.constant 0 : i32
    %add3A_34 = arith.addi %mul3A_32, %add3A_33 : i32
    %dma_start3A = arith.constant 0 : i32
    %dma_start3A_35 = arith.constant 0 : i32
    %dma_start3A_36 = tpu.memref_slice %arg3[%select_n3A, %dma_start3A, %add3A_34, %dma_start3A_35] : memref<8x3x512x512xf32, #tpu.memory_space<hbm>> -> memref<1x1x2x512xf32, #tpu.memory_space<hbm>>
    %dma_start3A_37 = tpu.memref_squeeze %dma_start3A_36 : memref<1x1x2x512xf32, #tpu.memory_space<hbm>> -> memref<2x512xf32, #tpu.memory_space<hbm>>
    %dma_start3A_38 = arith.constant 0 : i32
    %dma_start3A_39 = tpu.memref_slice %arg3[%select_n3A, %dma_start3A, %add3A_34, %dma_start3A_38] : memref<8x3x512x512xf32, #tpu.memory_space<hbm>> -> memref<1x1x2x512xf32, #tpu.memory_space<hbm>>
    %dma_start3A_40 = tpu.memref_squeeze %dma_start3A_39 : memref<1x1x2x512xf32, #tpu.memory_space<hbm>> -> memref<2x512xf32, #tpu.memory_space<hbm>>
    tpu.enqueue_dma source(%dma_start3A_40 : memref<2x512xf32, #tpu.memory_space<hbm>>) target(%arg6 : memref<2x512xf32, #tpu.memory_space<vmem>>) target_semaphore(%arg18 : memref<!tpu.dma_semaphore, #tpu.memory_space<semaphore_mem>>)
    %dma_start3A_41 = arith.constant 1 : i32
    %dma_start3A_42 = arith.constant 0 : i32
    %dma_start3A_43 = tpu.memref_slice %arg3[%select_n3A, %dma_start3A_41, %add3A_34, %dma_start3A_42] : memref<8x3x512x512xf32, #tpu.memory_space<hbm>> -> memref<1x1x2x512xf32, #tpu.memory_space<hbm>>
    %dma_start3A_44 = tpu.memref_squeeze %dma_start3A_43 : memref<1x1x2x512xf32, #tpu.memory_space<hbm>> -> memref<2x512xf32, #tpu.memory_space<hbm>>
    %dma_start3A_45 = arith.constant 0 : i32
    %dma_start3A_46 = tpu.memref_slice %arg3[%select_n3A, %dma_start3A_41, %add3A_34, %dma_start3A_45] : memref<8x3x512x512xf32, #tpu.memory_space<hbm>> -> memref<1x1x2x512xf32, #tpu.memory_space<hbm>>
    %dma_start3A_47 = tpu.memref_squeeze %dma_start3A_46 : memref<1x1x2x512xf32, #tpu.memory_space<hbm>> -> memref<2x512xf32, #tpu.memory_space<hbm>>
    tpu.enqueue_dma source(%dma_start3A_47 : memref<2x512xf32, #tpu.memory_space<hbm>>) target(%arg7 : memref<2x512xf32, #tpu.memory_space<vmem>>) target_semaphore(%arg18 : memref<!tpu.dma_semaphore, #tpu.memory_space<semaphore_mem>>)
    %dma_start3A_48 = arith.constant 2 : i32
    %dma_start3A_49 = arith.constant 0 : i32
    %dma_start3A_50 = tpu.memref_slice %arg3[%select_n3A, %dma_start3A_48, %add3A_34, %dma_start3A_49] : memref<8x3x512x512xf32, #tpu.memory_space<hbm>> -> memref<1x1x2x512xf32, #tpu.memory_space<hbm>>
    %dma_start3A_51 = tpu.memref_squeeze %dma_start3A_50 : memref<1x1x2x512xf32, #tpu.memory_space<hbm>> -> memref<2x512xf32, #tpu.memory_space<hbm>>
    %dma_start3A_52 = arith.constant 0 : i32
    %dma_start3A_53 = tpu.memref_slice %arg3[%select_n3A, %dma_start3A_48, %add3A_34, %dma_start3A_52] : memref<8x3x512x512xf32, #tpu.memory_space<hbm>> -> memref<1x1x2x512xf32, #tpu.memory_space<hbm>>
    %dma_start3A_54 = tpu.memref_squeeze %dma_start3A_53 : memref<1x1x2x512xf32, #tpu.memory_space<hbm>> -> memref<2x512xf32, #tpu.memory_space<hbm>>
    tpu.enqueue_dma source(%dma_start3A_54 : memref<2x512xf32, #tpu.memory_space<hbm>>) target(%arg8 : memref<2x512xf32, #tpu.memory_space<vmem>>) target_semaphore(%arg18 : memref<!tpu.dma_semaphore, #tpu.memory_space<semaphore_mem>>)
    "tpu.region"() ({
      %run_scoped3A = tpu.sem_alloc : memref<!tpu.dma_semaphore, #tpu.memory_space<semaphore_mem>>
      tpu.enqueue_dma source(%arg2 : memref<107832xi32, #tpu.memory_space<hbm>>) target(%arg5 : memref<107832xi32, #tpu.memory_space<vmem>>) target_semaphore(%run_scoped3A : memref<!tpu.dma_semaphore, #tpu.memory_space<semaphore_mem>>)
      tpu.wait_dma2 semaphore(%run_scoped3A : memref<!tpu.dma_semaphore, #tpu.memory_space<semaphore_mem>>) src(%arg2 : memref<107832xi32, #tpu.memory_space<hbm>>) dst(%arg5 : memref<107832xi32, #tpu.memory_space<vmem>>)
      tpu.yield
    }) : () -> ()
    %scan3A = arith.constant 0 : i32
    %scan3A_55 = arith.constant 32 : i32
    %scan3A_56 = arith.addi %scan3A, %scan3A_55 : i32
    %scan3A_57 = arith.constant 1 : i32
    scf.for %scan3A_104 = %scan3A to %scan3A_56 step %scan3A_57  : i32 {
      %mul3A_105 = arith.constant 2 : i32
      %mul3A_106 = arith.muli %scan3A_104, %mul3A_105 : i32
      %add3A_107 = arith.constant 0 : i32
      %add3A_108 = arith.addi %add3A_107, %mul3A_106 : i32
      %add3A_109 = arith.constant 0 : i32
      %add3A_110 = arith.addi %add3A_108, %add3A_109 : i32
      %add3A_111 = arith.constant 1 : i32
      %add3A_112 = arith.addi %add3A_110, %add3A_111 : i32
      %lt3A_113 = arith.constant 64 : i32
      %lt3A_114 = arith.cmpi slt, %add3A_112, %lt3A_113 : i32
      %convert_element_type3A = arith.extui %lt3A_114 : i1 to i32
      %cond3A = arith.constant 0 : i32
      %cond3A_115 = arith.cmpi ne, %convert_element_type3A, %cond3A : i32
      scf.if %cond3A_115 {
        %add3A_235 = arith.constant 1 : i32
        %add3A_236 = arith.addi %add3A_110, %add3A_235 : i32
        %mul3A_237 = arith.constant 2 : i32
        %mul3A_238 = arith.muli %add3A_236, %mul3A_237 : i32
        %add3A_239 = arith.addi %mul3A_32, %mul3A_238 : i32
        %dma_start3A_240 = arith.constant 0 : i32
        %dma_start3A_241 = arith.constant 0 : i32
        %dma_start3A_242 = tpu.memref_slice %arg3[%select_n3A, %dma_start3A_240, %add3A_239, %dma_start3A_241] : memref<8x3x512x512xf32, #tpu.memory_space<hbm>> -> memref<1x1x2x512xf32, #tpu.memory_space<hbm>>
        %dma_start3A_243 = tpu.memref_squeeze %dma_start3A_242 : memref<1x1x2x512xf32, #tpu.memory_space<hbm>> -> memref<2x512xf32, #tpu.memory_space<hbm>>
        %dma_start3A_244 = arith.constant 0 : i32
        %dma_start3A_245 = tpu.memref_slice %arg3[%select_n3A, %dma_start3A_240, %add3A_239, %dma_start3A_244] : memref<8x3x512x512xf32, #tpu.memory_space<hbm>> -> memref<1x1x2x512xf32, #tpu.memory_space<hbm>>
        %dma_start3A_246 = tpu.memref_squeeze %dma_start3A_245 : memref<1x1x2x512xf32, #tpu.memory_space<hbm>> -> memref<2x512xf32, #tpu.memory_space<hbm>>
        tpu.enqueue_dma source(%dma_start3A_246 : memref<2x512xf32, #tpu.memory_space<hbm>>) target(%arg9 : memref<2x512xf32, #tpu.memory_space<vmem>>) target_semaphore(%arg19 : memref<!tpu.dma_semaphore, #tpu.memory_space<semaphore_mem>>)
        %dma_start3A_247 = arith.constant 1 : i32
        %dma_start3A_248 = arith.constant 0 : i32
        %dma_start3A_249 = tpu.memref_slice %arg3[%select_n3A, %dma_start3A_247, %add3A_239, %dma_start3A_248] : memref<8x3x512x512xf32, #tpu.memory_space<hbm>> -> memref<1x1x2x512xf32, #tpu.memory_space<hbm>>
        %dma_start3A_250 = tpu.memref_squeeze %dma_start3A_249 : memref<1x1x2x512xf32, #tpu.memory_space<hbm>> -> memref<2x512xf32, #tpu.memory_space<hbm>>
        %dma_start3A_251 = arith.constant 0 : i32
        %dma_start3A_252 = tpu.memref_slice %arg3[%select_n3A, %dma_start3A_247, %add3A_239, %dma_start3A_251] : memref<8x3x512x512xf32, #tpu.memory_space<hbm>> -> memref<1x1x2x512xf32, #tpu.memory_space<hbm>>
        %dma_start3A_253 = tpu.memref_squeeze %dma_start3A_252 : memref<1x1x2x512xf32, #tpu.memory_space<hbm>> -> memref<2x512xf32, #tpu.memory_space<hbm>>
        tpu.enqueue_dma source(%dma_start3A_253 : memref<2x512xf32, #tpu.memory_space<hbm>>) target(%arg10 : memref<2x512xf32, #tpu.memory_space<vmem>>) target_semaphore(%arg19 : memref<!tpu.dma_semaphore, #tpu.memory_space<semaphore_mem>>)
        %dma_start3A_254 = arith.constant 2 : i32
        %dma_start3A_255 = arith.constant 0 : i32
        %dma_start3A_256 = tpu.memref_slice %arg3[%select_n3A, %dma_start3A_254, %add3A_239, %dma_start3A_255] : memref<8x3x512x512xf32, #tpu.memory_space<hbm>> -> memref<1x1x2x512xf32, #tpu.memory_space<hbm>>
        %dma_start3A_257 = tpu.memref_squeeze %dma_start3A_256 : memref<1x1x2x512xf32, #tpu.memory_space<hbm>> -> memref<2x512xf32, #tpu.memory_space<hbm>>
        %dma_start3A_258 = arith.constant 0 : i32
        %dma_start3A_259 = tpu.memref_slice %arg3[%select_n3A, %dma_start3A_254, %add3A_239, %dma_start3A_258] : memref<8x3x512x512xf32, #tpu.memory_space<hbm>> -> memref<1x1x2x512xf32, #tpu.memory_space<hbm>>
        %dma_start3A_260 = tpu.memref_squeeze %dma_start3A_259 : memref<1x1x2x512xf32, #tpu.memory_space<hbm>> -> memref<2x512xf32, #tpu.memory_space<hbm>>
        tpu.enqueue_dma source(%dma_start3A_260 : memref<2x512xf32, #tpu.memory_space<hbm>>) target(%arg11 : memref<2x512xf32, #tpu.memory_space<vmem>>) target_semaphore(%arg19 : memref<!tpu.dma_semaphore, #tpu.memory_space<semaphore_mem>>)
      } else {
      }
      %mul3A_116 = arith.constant 2 : i32
      %mul3A_117 = arith.muli %add3A_110, %mul3A_116 : i32
      %add3A_118 = arith.addi %mul3A_32, %mul3A_117 : i32
      %dma_wait3A_119 = arith.constant 0 : i32
      %dma_wait3A_120 = arith.constant 0 : i32
      %dma_wait3A_121 = tpu.memref_slice %arg3[%select_n3A, %dma_wait3A_119, %add3A_118, %dma_wait3A_120] : memref<8x3x512x512xf32, #tpu.memory_space<hbm>> -> memref<1x1x2x512xf32, #tpu.memory_space<hbm>>
      %dma_wait3A_122 = tpu.memref_squeeze %dma_wait3A_121 : memref<1x1x2x512xf32, #tpu.memory_space<hbm>> -> memref<2x512xf32, #tpu.memory_space<hbm>>
      %dma_wait3A_123 = arith.constant 0 : i32
      %dma_wait3A_124 = tpu.memref_slice %arg3[%select_n3A, %dma_wait3A_119, %add3A_118, %dma_wait3A_123] : memref<8x3x512x512xf32, #tpu.memory_space<hbm>> -> memref<1x1x2x512xf32, #tpu.memory_space<hbm>>
      %dma_wait3A_125 = tpu.memref_squeeze %dma_wait3A_124 : memref<1x1x2x512xf32, #tpu.memory_space<hbm>> -> memref<2x512xf32, #tpu.memory_space<hbm>>
      tpu.wait_dma2 semaphore(%arg18 : memref<!tpu.dma_semaphore, #tpu.memory_space<semaphore_mem>>) src(%dma_wait3A_125 : memref<2x512xf32, #tpu.memory_space<hbm>>) dst(%arg6 : memref<2x512xf32, #tpu.memory_space<vmem>>)
      %dma_wait3A_126 = arith.constant 1 : i32
      %dma_wait3A_127 = arith.constant 0 : i32
      %dma_wait3A_128 = tpu.memref_slice %arg3[%select_n3A, %dma_wait3A_126, %add3A_118, %dma_wait3A_127] : memref<8x3x512x512xf32, #tpu.memory_space<hbm>> -> memref<1x1x2x512xf32, #tpu.memory_space<hbm>>
      %dma_wait3A_129 = tpu.memref_squeeze %dma_wait3A_128 : memref<1x1x2x512xf32, #tpu.memory_space<hbm>> -> memref<2x512xf32, #tpu.memory_space<hbm>>
      %dma_wait3A_130 = arith.constant 0 : i32
      %dma_wait3A_131 = tpu.memref_slice %arg3[%select_n3A, %dma_wait3A_126, %add3A_118, %dma_wait3A_130] : memref<8x3x512x512xf32, #tpu.memory_space<hbm>> -> memref<1x1x2x512xf32, #tpu.memory_space<hbm>>
      %dma_wait3A_132 = tpu.memref_squeeze %dma_wait3A_131 : memref<1x1x2x512xf32, #tpu.memory_space<hbm>> -> memref<2x512xf32, #tpu.memory_space<hbm>>
      tpu.wait_dma2 semaphore(%arg18 : memref<!tpu.dma_semaphore, #tpu.memory_space<semaphore_mem>>) src(%dma_wait3A_132 : memref<2x512xf32, #tpu.memory_space<hbm>>) dst(%arg7 : memref<2x512xf32, #tpu.memory_space<vmem>>)
      %dma_wait3A_133 = arith.constant 2 : i32
      %dma_wait3A_134 = arith.constant 0 : i32
      %dma_wait3A_135 = tpu.memref_slice %arg3[%select_n3A, %dma_wait3A_133, %add3A_118, %dma_wait3A_134] : memref<8x3x512x512xf32, #tpu.memory_space<hbm>> -> memref<1x1x2x512xf32, #tpu.memory_space<hbm>>
      %dma_wait3A_136 = tpu.memref_squeeze %dma_wait3A_135 : memref<1x1x2x512xf32, #tpu.memory_space<hbm>> -> memref<2x512xf32, #tpu.memory_space<hbm>>
      %dma_wait3A_137 = arith.constant 0 : i32
      %dma_wait3A_138 = tpu.memref_slice %arg3[%select_n3A, %dma_wait3A_133, %add3A_118, %dma_wait3A_137] : memref<8x3x512x512xf32, #tpu.memory_space<hbm>> -> memref<1x1x2x512xf32, #tpu.memory_space<hbm>>
      %dma_wait3A_139 = tpu.memref_squeeze %dma_wait3A_138 : memref<1x1x2x512xf32, #tpu.memory_space<hbm>> -> memref<2x512xf32, #tpu.memory_space<hbm>>
      tpu.wait_dma2 semaphore(%arg18 : memref<!tpu.dma_semaphore, #tpu.memory_space<semaphore_mem>>) src(%dma_wait3A_139 : memref<2x512xf32, #tpu.memory_space<hbm>>) dst(%arg8 : memref<2x512xf32, #tpu.memory_space<vmem>>)
      %ge3A = arith.constant 2 : i32
      %ge3A_140 = arith.cmpi sge, %add3A_110, %ge3A : i32
      %convert_element_type3A_141 = arith.extui %ge3A_140 : i1 to i32
      %cond3A_142 = arith.constant 0 : i32
      %cond3A_143 = arith.cmpi ne, %convert_element_type3A_141, %cond3A_142 : i32
      scf.if %cond3A_143 {
        %sub3A_235 = arith.constant 2 : i32
        %sub3A_236 = arith.subi %add3A_110, %sub3A_235 : i32
        %mul3A_237 = arith.constant 2 : i32
        %mul3A_238 = arith.muli %sub3A_236, %mul3A_237 : i32
        %add3A_239 = arith.addi %mul3A_32, %mul3A_238 : i32
        %dma_wait3A_240 = arith.constant 0 : i32
        %dma_wait3A_241 = arith.constant 0 : i32
        %dma_wait3A_242 = tpu.memref_slice %arg4[%select_n3A, %dma_wait3A_240, %add3A_239, %dma_wait3A_241] : memref<8x3x512x512xf32, #tpu.memory_space<hbm>> -> memref<1x1x2x512xf32, #tpu.memory_space<hbm>>
        %dma_wait3A_243 = tpu.memref_squeeze %dma_wait3A_242 : memref<1x1x2x512xf32, #tpu.memory_space<hbm>> -> memref<2x512xf32, #tpu.memory_space<hbm>>
        %dma_wait3A_244 = arith.constant 0 : i32
        %dma_wait3A_245 = tpu.memref_slice %arg4[%select_n3A, %dma_wait3A_240, %add3A_239, %dma_wait3A_244] : memref<8x3x512x512xf32, #tpu.memory_space<hbm>> -> memref<1x1x2x512xf32, #tpu.memory_space<hbm>>
        %dma_wait3A_246 = tpu.memref_squeeze %dma_wait3A_245 : memref<1x1x2x512xf32, #tpu.memory_space<hbm>> -> memref<2x512xf32, #tpu.memory_space<hbm>>
        tpu.wait_dma2 semaphore(%arg20 : memref<!tpu.dma_semaphore, #tpu.memory_space<semaphore_mem>>) src(%arg12 : memref<2x512xf32, #tpu.memory_space<vmem>>) dst(%dma_wait3A_246 : memref<2x512xf32, #tpu.memory_space<hbm>>)
        %dma_wait3A_247 = arith.constant 1 : i32
        %dma_wait3A_248 = arith.constant 0 : i32
        %dma_wait3A_249 = tpu.memref_slice %arg4[%select_n3A, %dma_wait3A_247, %add3A_239, %dma_wait3A_248] : memref<8x3x512x512xf32, #tpu.memory_space<hbm>> -> memref<1x1x2x512xf32, #tpu.memory_space<hbm>>
        %dma_wait3A_250 = tpu.memref_squeeze %dma_wait3A_249 : memref<1x1x2x512xf32, #tpu.memory_space<hbm>> -> memref<2x512xf32, #tpu.memory_space<hbm>>
        %dma_wait3A_251 = arith.constant 0 : i32
        %dma_wait3A_252 = tpu.memref_slice %arg4[%select_n3A, %dma_wait3A_247, %add3A_239, %dma_wait3A_251] : memref<8x3x512x512xf32, #tpu.memory_space<hbm>> -> memref<1x1x2x512xf32, #tpu.memory_space<hbm>>
        %dma_wait3A_253 = tpu.memref_squeeze %dma_wait3A_252 : memref<1x1x2x512xf32, #tpu.memory_space<hbm>> -> memref<2x512xf32, #tpu.memory_space<hbm>>
        tpu.wait_dma2 semaphore(%arg20 : memref<!tpu.dma_semaphore, #tpu.memory_space<semaphore_mem>>) src(%arg13 : memref<2x512xf32, #tpu.memory_space<vmem>>) dst(%dma_wait3A_253 : memref<2x512xf32, #tpu.memory_space<hbm>>)
        %dma_wait3A_254 = arith.constant 2 : i32
        %dma_wait3A_255 = arith.constant 0 : i32
        %dma_wait3A_256 = tpu.memref_slice %arg4[%select_n3A, %dma_wait3A_254, %add3A_239, %dma_wait3A_255] : memref<8x3x512x512xf32, #tpu.memory_space<hbm>> -> memref<1x1x2x512xf32, #tpu.memory_space<hbm>>
        %dma_wait3A_257 = tpu.memref_squeeze %dma_wait3A_256 : memref<1x1x2x512xf32, #tpu.memory_space<hbm>> -> memref<2x512xf32, #tpu.memory_space<hbm>>
        %dma_wait3A_258 = arith.constant 0 : i32
        %dma_wait3A_259 = tpu.memref_slice %arg4[%select_n3A, %dma_wait3A_254, %add3A_239, %dma_wait3A_258] : memref<8x3x512x512xf32, #tpu.memory_space<hbm>> -> memref<1x1x2x512xf32, #tpu.memory_space<hbm>>
        %dma_wait3A_260 = tpu.memref_squeeze %dma_wait3A_259 : memref<1x1x2x512xf32, #tpu.memory_space<hbm>> -> memref<2x512xf32, #tpu.memory_space<hbm>>
        tpu.wait_dma2 semaphore(%arg20 : memref<!tpu.dma_semaphore, #tpu.memory_space<semaphore_mem>>) src(%arg14 : memref<2x512xf32, #tpu.memory_space<vmem>>) dst(%dma_wait3A_260 : memref<2x512xf32, #tpu.memory_space<hbm>>)
      } else {
      }
      %parallel_loop3A = arith.constant 0 : i32
      %parallel_loop3A_144 = arith.constant 512 : i32
      %parallel_loop3A_145 = arith.constant 16 : i32
      scf.for %parallel_loop3A_235 = %parallel_loop3A to %parallel_loop3A_144 step %parallel_loop3A_145  : i32 {
        %parallel_loop3A_236 = arith.constant 0 : i32
        %parallel_loop3A_237 = arith.index_cast %parallel_loop3A_236 : i32 to index
        %parallel_loop3A_238 = arith.index_cast %parallel_loop3A_235 : i32 to index
        %parallel_loop3A_239 = tpu.vector_load %arg6[%parallel_loop3A_237, %parallel_loop3A_238] {strides = array<i32>} : memref<2x512xf32, #tpu.memory_space<vmem>>, vector<16xf32>,
        %parallel_loop3A_240 = arith.constant 0 : i32
        %parallel_loop3A_241 = arith.index_cast %parallel_loop3A_240 : i32 to index
        %parallel_loop3A_242 = arith.index_cast %parallel_loop3A_235 : i32 to index
        %parallel_loop3A_243 = tpu.vector_load %arg7[%parallel_loop3A_241, %parallel_loop3A_242] {strides = array<i32>} : memref<2x512xf32, #tpu.memory_space<vmem>>, vector<16xf32>,
        %parallel_loop3A_244 = arith.constant 0 : i32
        %parallel_loop3A_245 = arith.index_cast %parallel_loop3A_244 : i32 to index
        %parallel_loop3A_246 = arith.index_cast %parallel_loop3A_235 : i32 to index
        %parallel_loop3A_247 = tpu.vector_load %arg8[%parallel_loop3A_245, %parallel_loop3A_246] {strides = array<i32>} : memref<2x512xf32, #tpu.memory_space<vmem>>, vector<16xf32>,
        %parallel_loop3A_248 = arith.constant 31.9999676 : f32
        %parallel_loop3A_249 = vector.broadcast %parallel_loop3A_248 : f32 to vector<16xf32>
        %parallel_loop3A_250 = arith.mulf %parallel_loop3A_239, %parallel_loop3A_249 : vector<16xf32>
        %parallel_loop3A_251 = arith.constant 31.9999676 : f32
        %parallel_loop3A_252 = vector.broadcast %parallel_loop3A_251 : f32 to vector<16xf32>
        %parallel_loop3A_253 = arith.mulf %parallel_loop3A_243, %parallel_loop3A_252 : vector<16xf32>
        %parallel_loop3A_254 = arith.constant 31.9999676 : f32
        %parallel_loop3A_255 = vector.broadcast %parallel_loop3A_254 : f32 to vector<16xf32>
        %parallel_loop3A_256 = arith.mulf %parallel_loop3A_247, %parallel_loop3A_255 : vector<16xf32>
        %parallel_loop3A_257 = arith.fptosi %parallel_loop3A_250 : vector<16xf32> to vector<16xi32>
        %parallel_loop3A_258 = arith.fptosi %parallel_loop3A_253 : vector<16xf32> to vector<16xi32>
        %parallel_loop3A_259 = arith.fptosi %parallel_loop3A_256 : vector<16xf32> to vector<16xi32>
        %parallel_loop3A_260 = arith.sitofp %parallel_loop3A_257 : vector<16xi32> to vector<16xf32>
        %parallel_loop3A_261 = arith.subf %parallel_loop3A_250, %parallel_loop3A_260 : vector<16xf32>
        %parallel_loop3A_262 = arith.sitofp %parallel_loop3A_258 : vector<16xi32> to vector<16xf32>
        %parallel_loop3A_263 = arith.subf %parallel_loop3A_253, %parallel_loop3A_262 : vector<16xf32>
        %parallel_loop3A_264 = arith.sitofp %parallel_loop3A_259 : vector<16xi32> to vector<16xf32>
        %parallel_loop3A_265 = arith.subf %parallel_loop3A_256, %parallel_loop3A_264 : vector<16xf32>
        %parallel_loop3A_266 = arith.constant 33 : i32
        %parallel_loop3A_267 = vector.broadcast %parallel_loop3A_266 : i32 to vector<16xi32>
        %parallel_loop3A_268 = arith.muli %parallel_loop3A_258, %parallel_loop3A_267 : vector<16xi32>
        %parallel_loop3A_269 = arith.addi %parallel_loop3A_257, %parallel_loop3A_268 : vector<16xi32>
        %parallel_loop3A_270 = arith.constant 1089 : i32
        %parallel_loop3A_271 = vector.broadcast %parallel_loop3A_270 : i32 to vector<16xi32>
        %parallel_loop3A_272 = arith.muli %parallel_loop3A_259, %parallel_loop3A_271 : vector<16xi32>
        %parallel_loop3A_273 = arith.addi %parallel_loop3A_269, %parallel_loop3A_272 : vector<16xi32>
        %parallel_loop3A_274 = arith.constant 1 : i32
        %parallel_loop3A_275 = vector.broadcast %parallel_loop3A_274 : i32 to vector<16xi32>
        %parallel_loop3A_276 = arith.addi %parallel_loop3A_273, %parallel_loop3A_275 : vector<16xi32>
        %parallel_loop3A_277 = arith.constant 2 : i32
        %parallel_loop3A_278 = vector.broadcast %parallel_loop3A_277 : i32 to vector<16xi32>
        %parallel_loop3A_279 = arith.addi %parallel_loop3A_273, %parallel_loop3A_278 : vector<16xi32>
        %parallel_loop3A_280 = arith.constant 1.000000e+00 : f32
        %parallel_loop3A_281 = vector.broadcast %parallel_loop3A_280 : f32 to vector<16xf32>
        %parallel_loop3A_282 = arith.subf %parallel_loop3A_281, %parallel_loop3A_261 : vector<16xf32>
        %parallel_loop3A_283 = arith.constant 1.000000e+00 : f32
        %parallel_loop3A_284 = vector.broadcast %parallel_loop3A_283 : f32 to vector<16xf32>
        %parallel_loop3A_285 = arith.subf %parallel_loop3A_284, %parallel_loop3A_263 : vector<16xf32>
        %parallel_loop3A_286 = arith.constant 1.000000e+00 : f32
        %parallel_loop3A_287 = vector.broadcast %parallel_loop3A_286 : f32 to vector<16xf32>
        %parallel_loop3A_288 = arith.subf %parallel_loop3A_287, %parallel_loop3A_265 : vector<16xf32>
        %parallel_loop3A_289 = arith.mulf %parallel_loop3A_285, %parallel_loop3A_288 : vector<16xf32>
        %parallel_loop3A_290 = arith.mulf %parallel_loop3A_263, %parallel_loop3A_288 : vector<16xf32>
        %parallel_loop3A_291 = arith.mulf %parallel_loop3A_285, %parallel_loop3A_265 : vector<16xf32>
        %parallel_loop3A_292 = arith.mulf %parallel_loop3A_263, %parallel_loop3A_265 : vector<16xf32>
        %parallel_loop3A_293 = tpu.pack_subelements %parallel_loop3A_282, %parallel_loop3A_261 {pack_format = #tpu.pack_format<interleaved>, positions = array<i32: 0, 1>} : vector<16xf32>, vector<16xf32> -> vector<32xbf16>
        %parallel_loop3A_294 = tpu.pack_subelements %parallel_loop3A_289, %parallel_loop3A_289 {pack_format = #tpu.pack_format<interleaved>, positions = array<i32: 0, 1>} : vector<16xf32>, vector<16xf32> -> vector<32xbf16>
        %parallel_loop3A_295 = arith.mulf %parallel_loop3A_293, %parallel_loop3A_294 : vector<32xbf16>
        %parallel_loop3A_296 = tpu.pack_subelements %parallel_loop3A_290, %parallel_loop3A_290 {pack_format = #tpu.pack_format<interleaved>, positions = array<i32: 0, 1>} : vector<16xf32>, vector<16xf32> -> vector<32xbf16>
        %parallel_loop3A_297 = arith.mulf %parallel_loop3A_293, %parallel_loop3A_296 : vector<32xbf16>
        %parallel_loop3A_298 = tpu.pack_subelements %parallel_loop3A_291, %parallel_loop3A_291 {pack_format = #tpu.pack_format<interleaved>, positions = array<i32: 0, 1>} : vector<16xf32>, vector<16xf32> -> vector<32xbf16>
        %parallel_loop3A_299 = arith.mulf %parallel_loop3A_293, %parallel_loop3A_298 : vector<32xbf16>
        %parallel_loop3A_300 = tpu.pack_subelements %parallel_loop3A_292, %parallel_loop3A_292 {pack_format = #tpu.pack_format<interleaved>, positions = array<i32: 0, 1>} : vector<16xf32>, vector<16xf32> -> vector<32xbf16>
        %parallel_loop3A_301 = arith.mulf %parallel_loop3A_293, %parallel_loop3A_300 : vector<32xbf16>
        %parallel_loop3A_302 = arith.constant 0 : i32
        %parallel_loop3A_303 = tpu.memref_slice %arg5[%parallel_loop3A_302] : memref<107832xi32, #tpu.memory_space<vmem>> -> memref<107832xi32, #tpu.memory_space<vmem>>
        %parallel_loop3A_304 = tpu.vector_load_idx %parallel_loop3A_303[%parallel_loop3A_273] : memref<107832xi32, #tpu.memory_space<vmem>>[vector<16xi32>], vector<16xi32>,
        %parallel_loop3A_305 = vector.bitcast %parallel_loop3A_304 : vector<16xi32> to vector<32xbf16>
        %parallel_loop3A_306 = arith.mulf %parallel_loop3A_295, %parallel_loop3A_305 : vector<32xbf16>
        %parallel_loop3A_307 = arith.constant 32 : i32
        %parallel_loop3A_308 = tpu.memref_slice %arg5[%parallel_loop3A_307] : memref<107832xi32, #tpu.memory_space<vmem>> -> memref<107800xi32, #tpu.memory_space<vmem>>
        %parallel_loop3A_309 = tpu.vector_load_idx %parallel_loop3A_308[%parallel_loop3A_276] : memref<107800xi32, #tpu.memory_space<vmem>>[vector<16xi32>], vector<16xi32>,
        %parallel_loop3A_310 = vector.bitcast %parallel_loop3A_309 : vector<16xi32> to vector<32xbf16>
        %parallel_loop3A_311 = arith.mulf %parallel_loop3A_297, %parallel_loop3A_310 : vector<32xbf16>
        %parallel_loop3A_312 = arith.addf %parallel_loop3A_306, %parallel_loop3A_311 : vector<32xbf16>
        %parallel_loop3A_313 = arith.constant 1088 : i32
        %parallel_loop3A_314 = tpu.memref_slice %arg5[%parallel_loop3A_313] : memref<107832xi32, #tpu.memory_space<vmem>> -> memref<106744xi32, #tpu.memory_space<vmem>>
        %parallel_loop3A_315 = tpu.vector_load_idx %parallel_loop3A_314[%parallel_loop3A_276] : memref<106744xi32, #tpu.memory_space<vmem>>[vector<16xi32>], vector<16xi32>,
        %parallel_loop3A_316 = vector.bitcast %parallel_loop3A_315 : vector<16xi32> to vector<32xbf16>
        %parallel_loop3A_317 = arith.mulf %parallel_loop3A_299, %parallel_loop3A_316 : vector<32xbf16>
        %parallel_loop3A_318 = arith.constant 1120 : i32
        %parallel_loop3A_319 = tpu.memref_slice %arg5[%parallel_loop3A_318] : memref<107832xi32, #tpu.memory_space<vmem>> -> memref<106712xi32, #tpu.memory_space<vmem>>
        %parallel_loop3A_320 = tpu.vector_load_idx %parallel_loop3A_319[%parallel_loop3A_279] : memref<106712xi32, #tpu.memory_space<vmem>>[vector<16xi32>], vector<16xi32>,
        %parallel_loop3A_321 = vector.bitcast %parallel_loop3A_320 : vector<16xi32> to vector<32xbf16>
        %parallel_loop3A_322 = arith.mulf %parallel_loop3A_301, %parallel_loop3A_321 : vector<32xbf16>
        %parallel_loop3A_323 = arith.addf %parallel_loop3A_317, %parallel_loop3A_322 : vector<32xbf16>
        %parallel_loop3A_324 = arith.addf %parallel_loop3A_312, %parallel_loop3A_323 : vector<32xbf16>
        %parallel_loop3A_325 = vector.bitcast %parallel_loop3A_324 : vector<32xbf16> to vector<16xi32>
        %parallel_loop3A_326 = arith.constant 16 : i32
        %parallel_loop3A_327 = vector.broadcast %parallel_loop3A_326 : i32 to vector<16xi32>
        %parallel_loop3A_328 = arith.shli %parallel_loop3A_325, %parallel_loop3A_327 : vector<16xi32>
        %parallel_loop3A_329 = vector.bitcast %parallel_loop3A_328 : vector<16xi32> to vector<16xf32>
        %parallel_loop3A_330 = vector.bitcast %parallel_loop3A_325 : vector<16xi32> to vector<16xf32>
        %parallel_loop3A_331 = arith.addf %parallel_loop3A_329, %parallel_loop3A_330 : vector<16xf32>
        %parallel_loop3A_332 = arith.constant 35944 : i32
        %parallel_loop3A_333 = tpu.memref_slice %arg5[%parallel_loop3A_332] : memref<107832xi32, #tpu.memory_space<vmem>> -> memref<71888xi32, #tpu.memory_space<vmem>>
        %parallel_loop3A_334 = tpu.vector_load_idx %parallel_loop3A_333[%parallel_loop3A_273] : memref<71888xi32, #tpu.memory_space<vmem>>[vector<16xi32>], vector<16xi32>,
        %parallel_loop3A_335 = vector.bitcast %parallel_loop3A_334 : vector<16xi32> to vector<32xbf16>
        %parallel_loop3A_336 = arith.mulf %parallel_loop3A_295, %parallel_loop3A_335 : vector<32xbf16>
        %parallel_loop3A_337 = arith.constant 35976 : i32
        %parallel_loop3A_338 = tpu.memref_slice %arg5[%parallel_loop3A_337] : memref<107832xi32, #tpu.memory_space<vmem>> -> memref<71856xi32, #tpu.memory_space<vmem>>
        %parallel_loop3A_339 = tpu.vector_load_idx %parallel_loop3A_338[%parallel_loop3A_276] : memref<71856xi32, #tpu.memory_space<vmem>>[vector<16xi32>], vector<16xi32>,
        %parallel_loop3A_340 = vector.bitcast %parallel_loop3A_339 : vector<16xi32> to vector<32xbf16>
        %parallel_loop3A_341 = arith.mulf %parallel_loop3A_297, %parallel_loop3A_340 : vector<32xbf16>
        %parallel_loop3A_342 = arith.addf %parallel_loop3A_336, %parallel_loop3A_341 : vector<32xbf16>
        %parallel_loop3A_343 = arith.constant 37032 : i32
        %parallel_loop3A_344 = tpu.memref_slice %arg5[%parallel_loop3A_343] : memref<107832xi32, #tpu.memory_space<vmem>> -> memref<70800xi32, #tpu.memory_space<vmem>>
        %parallel_loop3A_345 = tpu.vector_load_idx %parallel_loop3A_344[%parallel_loop3A_276] : memref<70800xi32, #tpu.memory_space<vmem>>[vector<16xi32>], vector<16xi32>,
        %parallel_loop3A_346 = vector.bitcast %parallel_loop3A_345 : vector<16xi32> to vector<32xbf16>
        %parallel_loop3A_347 = arith.mulf %parallel_loop3A_299, %parallel_loop3A_346 : vector<32xbf16>
        %parallel_loop3A_348 = arith.constant 37064 : i32
        %parallel_loop3A_349 = tpu.memref_slice %arg5[%parallel_loop3A_348] : memref<107832xi32, #tpu.memory_space<vmem>> -> memref<70768xi32, #tpu.memory_space<vmem>>
        %parallel_loop3A_350 = tpu.vector_load_idx %parallel_loop3A_349[%parallel_loop3A_279] : memref<70768xi32, #tpu.memory_space<vmem>>[vector<16xi32>], vector<16xi32>,
        %parallel_loop3A_351 = vector.bitcast %parallel_loop3A_350 : vector<16xi32> to vector<32xbf16>
        %parallel_loop3A_352 = arith.mulf %parallel_loop3A_301, %parallel_loop3A_351 : vector<32xbf16>
        %parallel_loop3A_353 = arith.addf %parallel_loop3A_347, %parallel_loop3A_352 : vector<32xbf16>
        %parallel_loop3A_354 = arith.addf %parallel_loop3A_342, %parallel_loop3A_353 : vector<32xbf16>
        %parallel_loop3A_355 = vector.bitcast %parallel_loop3A_354 : vector<32xbf16> to vector<16xi32>
        %parallel_loop3A_356 = arith.constant 16 : i32
        %parallel_loop3A_357 = vector.broadcast %parallel_loop3A_356 : i32 to vector<16xi32>
        %parallel_loop3A_358 = arith.shli %parallel_loop3A_355, %parallel_loop3A_357 : vector<16xi32>
        %parallel_loop3A_359 = vector.bitcast %parallel_loop3A_358 : vector<16xi32> to vector<16xf32>
        %parallel_loop3A_360 = vector.bitcast %parallel_loop3A_355 : vector<16xi32> to vector<16xf32>
        %parallel_loop3A_361 = arith.addf %parallel_loop3A_359, %parallel_loop3A_360 : vector<16xf32>
        %parallel_loop3A_362 = arith.constant 71888 : i32
        %parallel_loop3A_363 = tpu.memref_slice %arg5[%parallel_loop3A_362] : memref<107832xi32, #tpu.memory_space<vmem>> -> memref<35944xi32, #tpu.memory_space<vmem>>
        %parallel_loop3A_364 = tpu.vector_load_idx %parallel_loop3A_363[%parallel_loop3A_273] : memref<35944xi32, #tpu.memory_space<vmem>>[vector<16xi32>], vector<16xi32>,
        %parallel_loop3A_365 = vector.bitcast %parallel_loop3A_364 : vector<16xi32> to vector<32xbf16>
        %parallel_loop3A_366 = arith.mulf %parallel_loop3A_295, %parallel_loop3A_365 : vector<32xbf16>
        %parallel_loop3A_367 = arith.constant 71920 : i32
        %parallel_loop3A_368 = tpu.memref_slice %arg5[%parallel_loop3A_367] : memref<107832xi32, #tpu.memory_space<vmem>> -> memref<35912xi32, #tpu.memory_space<vmem>>
        %parallel_loop3A_369 = tpu.vector_load_idx %parallel_loop3A_368[%parallel_loop3A_276] : memref<35912xi32, #tpu.memory_space<vmem>>[vector<16xi32>], vector<16xi32>,
        %parallel_loop3A_370 = vector.bitcast %parallel_loop3A_369 : vector<16xi32> to vector<32xbf16>
        %parallel_loop3A_371 = arith.mulf %parallel_loop3A_297, %parallel_loop3A_370 : vector<32xbf16>
        %parallel_loop3A_372 = arith.addf %parallel_loop3A_366, %parallel_loop3A_371 : vector<32xbf16>
        %parallel_loop3A_373 = arith.constant 72976 : i32
        %parallel_loop3A_374 = tpu.memref_slice %arg5[%parallel_loop3A_373] : memref<107832xi32, #tpu.memory_space<vmem>> -> memref<34856xi32, #tpu.memory_space<vmem>>
        %parallel_loop3A_375 = tpu.vector_load_idx %parallel_loop3A_374[%parallel_loop3A_276] : memref<34856xi32, #tpu.memory_space<vmem>>[vector<16xi32>], vector<16xi32>,
        %parallel_loop3A_376 = vector.bitcast %parallel_loop3A_375 : vector<16xi32> to vector<32xbf16>
        %parallel_loop3A_377 = arith.mulf %parallel_loop3A_299, %parallel_loop3A_376 : vector<32xbf16>
        %parallel_loop3A_378 = arith.constant 73008 : i32
        %parallel_loop3A_379 = tpu.memref_slice %arg5[%parallel_loop3A_378] : memref<107832xi32, #tpu.memory_space<vmem>> -> memref<34824xi32, #tpu.memory_space<vmem>>
        %parallel_loop3A_380 = tpu.vector_load_idx %parallel_loop3A_379[%parallel_loop3A_279] : memref<34824xi32, #tpu.memory_space<vmem>>[vector<16xi32>], vector<16xi32>,
        %parallel_loop3A_381 = vector.bitcast %parallel_loop3A_380 : vector<16xi32> to vector<32xbf16>
        %parallel_loop3A_382 = arith.mulf %parallel_loop3A_301, %parallel_loop3A_381 : vector<32xbf16>
        %parallel_loop3A_383 = arith.addf %parallel_loop3A_377, %parallel_loop3A_382 : vector<32xbf16>
        %parallel_loop3A_384 = arith.addf %parallel_loop3A_372, %parallel_loop3A_383 : vector<32xbf16>
        %parallel_loop3A_385 = vector.bitcast %parallel_loop3A_384 : vector<32xbf16> to vector<16xi32>
        %parallel_loop3A_386 = arith.constant 16 : i32
        %parallel_loop3A_387 = vector.broadcast %parallel_loop3A_386 : i32 to vector<16xi32>
        %parallel_loop3A_388 = arith.shli %parallel_loop3A_385, %parallel_loop3A_387 : vector<16xi32>
        %parallel_loop3A_389 = vector.bitcast %parallel_loop3A_388 : vector<16xi32> to vector<16xf32>
        %parallel_loop3A_390 = vector.bitcast %parallel_loop3A_385 : vector<16xi32> to vector<16xf32>
        %parallel_loop3A_391 = arith.addf %parallel_loop3A_389, %parallel_loop3A_390 : vector<16xf32>
        %parallel_loop3A_392 = arith.constant 0 : i32
        %parallel_loop3A_393 = arith.index_cast %parallel_loop3A_392 : i32 to index
        %parallel_loop3A_394 = arith.index_cast %parallel_loop3A_235 : i32 to index
        %parallel_loop3A_395 = tpu.vector_load %arg12[%parallel_loop3A_393, %parallel_loop3A_394] {strides = array<i32>} : memref<2x512xf32, #tpu.memory_space<vmem>>, vector<16xf32>,
        tpu.vector_store %arg12[%parallel_loop3A_393, %parallel_loop3A_394], %parallel_loop3A_331 {strides = array<i32>} : memref<2x512xf32, #tpu.memory_space<vmem>>, vector<16xf32>,
        %parallel_loop3A_396 = arith.constant 0 : i32
        %parallel_loop3A_397 = arith.index_cast %parallel_loop3A_396 : i32 to index
        %parallel_loop3A_398 = arith.index_cast %parallel_loop3A_235 : i32 to index
        %parallel_loop3A_399 = tpu.vector_load %arg13[%parallel_loop3A_397, %parallel_loop3A_398] {strides = array<i32>} : memref<2x512xf32, #tpu.memory_space<vmem>>, vector<16xf32>,
        tpu.vector_store %arg13[%parallel_loop3A_397, %parallel_loop3A_398], %parallel_loop3A_361 {strides = array<i32>} : memref<2x512xf32, #tpu.memory_space<vmem>>, vector<16xf32>,
        %parallel_loop3A_400 = arith.constant 0 : i32
        %parallel_loop3A_401 = arith.index_cast %parallel_loop3A_400 : i32 to index
        %parallel_loop3A_402 = arith.index_cast %parallel_loop3A_235 : i32 to index
        %parallel_loop3A_403 = tpu.vector_load %arg14[%parallel_loop3A_401, %parallel_loop3A_402] {strides = array<i32>} : memref<2x512xf32, #tpu.memory_space<vmem>>, vector<16xf32>,
        tpu.vector_store %arg14[%parallel_loop3A_401, %parallel_loop3A_402], %parallel_loop3A_391 {strides = array<i32>} : memref<2x512xf32, #tpu.memory_space<vmem>>, vector<16xf32>,
        %parallel_loop3A_404 = arith.constant 1 : i32
        %parallel_loop3A_405 = arith.index_cast %parallel_loop3A_404 : i32 to index
        %parallel_loop3A_406 = arith.index_cast %parallel_loop3A_235 : i32 to index
        %parallel_loop3A_407 = tpu.vector_load %arg6[%parallel_loop3A_405, %parallel_loop3A_406] {strides = array<i32>} : memref<2x512xf32, #tpu.memory_space<vmem>>, vector<16xf32>,
        %parallel_loop3A_408 = arith.constant 1 : i32
        %parallel_loop3A_409 = arith.index_cast %parallel_loop3A_408 : i32 to index
        %parallel_loop3A_410 = arith.index_cast %parallel_loop3A_235 : i32 to index
        %parallel_loop3A_411 = tpu.vector_load %arg7[%parallel_loop3A_409, %parallel_loop3A_410] {strides = array<i32>} : memref<2x512xf32, #tpu.memory_space<vmem>>, vector<16xf32>,
        %parallel_loop3A_412 = arith.constant 1 : i32
        %parallel_loop3A_413 = arith.index_cast %parallel_loop3A_412 : i32 to index
        %parallel_loop3A_414 = arith.index_cast %parallel_loop3A_235 : i32 to index
        %parallel_loop3A_415 = tpu.vector_load %arg8[%parallel_loop3A_413, %parallel_loop3A_414] {strides = array<i32>} : memref<2x512xf32, #tpu.memory_space<vmem>>, vector<16xf32>,
        %parallel_loop3A_416 = arith.constant 31.9999676 : f32
        %parallel_loop3A_417 = vector.broadcast %parallel_loop3A_416 : f32 to vector<16xf32>
        %parallel_loop3A_418 = arith.mulf %parallel_loop3A_407, %parallel_loop3A_417 : vector<16xf32>
        %parallel_loop3A_419 = arith.constant 31.9999676 : f32
        %parallel_loop3A_420 = vector.broadcast %parallel_loop3A_419 : f32 to vector<16xf32>
        %parallel_loop3A_421 = arith.mulf %parallel_loop3A_411, %parallel_loop3A_420 : vector<16xf32>
        %parallel_loop3A_422 = arith.constant 31.9999676 : f32
        %parallel_loop3A_423 = vector.broadcast %parallel_loop3A_422 : f32 to vector<16xf32>
        %parallel_loop3A_424 = arith.mulf %parallel_loop3A_415, %parallel_loop3A_423 : vector<16xf32>
        %parallel_loop3A_425 = arith.fptosi %parallel_loop3A_418 : vector<16xf32> to vector<16xi32>
        %parallel_loop3A_426 = arith.fptosi %parallel_loop3A_421 : vector<16xf32> to vector<16xi32>
        %parallel_loop3A_427 = arith.fptosi %parallel_loop3A_424 : vector<16xf32> to vector<16xi32>
        %parallel_loop3A_428 = arith.sitofp %parallel_loop3A_425 : vector<16xi32> to vector<16xf32>
        %parallel_loop3A_429 = arith.subf %parallel_loop3A_418, %parallel_loop3A_428 : vector<16xf32>
        %parallel_loop3A_430 = arith.sitofp %parallel_loop3A_426 : vector<16xi32> to vector<16xf32>
        %parallel_loop3A_431 = arith.subf %parallel_loop3A_421, %parallel_loop3A_430 : vector<16xf32>
        %parallel_loop3A_432 = arith.sitofp %parallel_loop3A_427 : vector<16xi32> to vector<16xf32>
        %parallel_loop3A_433 = arith.subf %parallel_loop3A_424, %parallel_loop3A_432 : vector<16xf32>
        %parallel_loop3A_434 = arith.constant 33 : i32
        %parallel_loop3A_435 = vector.broadcast %parallel_loop3A_434 : i32 to vector<16xi32>
        %parallel_loop3A_436 = arith.muli %parallel_loop3A_426, %parallel_loop3A_435 : vector<16xi32>
        %parallel_loop3A_437 = arith.addi %parallel_loop3A_425, %parallel_loop3A_436 : vector<16xi32>
        %parallel_loop3A_438 = arith.constant 1089 : i32
        %parallel_loop3A_439 = vector.broadcast %parallel_loop3A_438 : i32 to vector<16xi32>
        %parallel_loop3A_440 = arith.muli %parallel_loop3A_427, %parallel_loop3A_439 : vector<16xi32>
        %parallel_loop3A_441 = arith.addi %parallel_loop3A_437, %parallel_loop3A_440 : vector<16xi32>
        %parallel_loop3A_442 = arith.constant 1 : i32
        %parallel_loop3A_443 = vector.broadcast %parallel_loop3A_442 : i32 to vector<16xi32>
        %parallel_loop3A_444 = arith.addi %parallel_loop3A_441, %parallel_loop3A_443 : vector<16xi32>
        %parallel_loop3A_445 = arith.constant 2 : i32
        %parallel_loop3A_446 = vector.broadcast %parallel_loop3A_445 : i32 to vector<16xi32>
        %parallel_loop3A_447 = arith.addi %parallel_loop3A_441, %parallel_loop3A_446 : vector<16xi32>
        %parallel_loop3A_448 = arith.constant 1.000000e+00 : f32
        %parallel_loop3A_449 = vector.broadcast %parallel_loop3A_448 : f32 to vector<16xf32>
        %parallel_loop3A_450 = arith.subf %parallel_loop3A_449, %parallel_loop3A_429 : vector<16xf32>
        %parallel_loop3A_451 = arith.constant 1.000000e+00 : f32
        %parallel_loop3A_452 = vector.broadcast %parallel_loop3A_451 : f32 to vector<16xf32>
        %parallel_loop3A_453 = arith.subf %parallel_loop3A_452, %parallel_loop3A_431 : vector<16xf32>
        %parallel_loop3A_454 = arith.constant 1.000000e+00 : f32
        %parallel_loop3A_455 = vector.broadcast %parallel_loop3A_454 : f32 to vector<16xf32>
        %parallel_loop3A_456 = arith.subf %parallel_loop3A_455, %parallel_loop3A_433 : vector<16xf32>
        %parallel_loop3A_457 = arith.mulf %parallel_loop3A_453, %parallel_loop3A_456 : vector<16xf32>
        %parallel_loop3A_458 = arith.mulf %parallel_loop3A_431, %parallel_loop3A_456 : vector<16xf32>
        %parallel_loop3A_459 = arith.mulf %parallel_loop3A_453, %parallel_loop3A_433 : vector<16xf32>
        %parallel_loop3A_460 = arith.mulf %parallel_loop3A_431, %parallel_loop3A_433 : vector<16xf32>
        %parallel_loop3A_461 = tpu.pack_subelements %parallel_loop3A_450, %parallel_loop3A_429 {pack_format = #tpu.pack_format<interleaved>, positions = array<i32: 0, 1>} : vector<16xf32>, vector<16xf32> -> vector<32xbf16>
        %parallel_loop3A_462 = tpu.pack_subelements %parallel_loop3A_457, %parallel_loop3A_457 {pack_format = #tpu.pack_format<interleaved>, positions = array<i32: 0, 1>} : vector<16xf32>, vector<16xf32> -> vector<32xbf16>
        %parallel_loop3A_463 = arith.mulf %parallel_loop3A_461, %parallel_loop3A_462 : vector<32xbf16>
        %parallel_loop3A_464 = tpu.pack_subelements %parallel_loop3A_458, %parallel_loop3A_458 {pack_format = #tpu.pack_format<interleaved>, positions = array<i32: 0, 1>} : vector<16xf32>, vector<16xf32> -> vector<32xbf16>
        %parallel_loop3A_465 = arith.mulf %parallel_loop3A_461, %parallel_loop3A_464 : vector<32xbf16>
        %parallel_loop3A_466 = tpu.pack_subelements %parallel_loop3A_459, %parallel_loop3A_459 {pack_format = #tpu.pack_format<interleaved>, positions = array<i32: 0, 1>} : vector<16xf32>, vector<16xf32> -> vector<32xbf16>
        %parallel_loop3A_467 = arith.mulf %parallel_loop3A_461, %parallel_loop3A_466 : vector<32xbf16>
        %parallel_loop3A_468 = tpu.pack_subelements %parallel_loop3A_460, %parallel_loop3A_460 {pack_format = #tpu.pack_format<interleaved>, positions = array<i32: 0, 1>} : vector<16xf32>, vector<16xf32> -> vector<32xbf16>
        %parallel_loop3A_469 = arith.mulf %parallel_loop3A_461, %parallel_loop3A_468 : vector<32xbf16>
        %parallel_loop3A_470 = arith.constant 0 : i32
        %parallel_loop3A_471 = tpu.memref_slice %arg5[%parallel_loop3A_470] : memref<107832xi32, #tpu.memory_space<vmem>> -> memref<107832xi32, #tpu.memory_space<vmem>>
        %parallel_loop3A_472 = tpu.vector_load_idx %parallel_loop3A_471[%parallel_loop3A_441] : memref<107832xi32, #tpu.memory_space<vmem>>[vector<16xi32>], vector<16xi32>,
        %parallel_loop3A_473 = vector.bitcast %parallel_loop3A_472 : vector<16xi32> to vector<32xbf16>
        %parallel_loop3A_474 = arith.mulf %parallel_loop3A_463, %parallel_loop3A_473 : vector<32xbf16>
        %parallel_loop3A_475 = arith.constant 32 : i32
        %parallel_loop3A_476 = tpu.memref_slice %arg5[%parallel_loop3A_475] : memref<107832xi32, #tpu.memory_space<vmem>> -> memref<107800xi32, #tpu.memory_space<vmem>>
        %parallel_loop3A_477 = tpu.vector_load_idx %parallel_loop3A_476[%parallel_loop3A_444] : memref<107800xi32, #tpu.memory_space<vmem>>[vector<16xi32>], vector<16xi32>,
        %parallel_loop3A_478 = vector.bitcast %parallel_loop3A_477 : vector<16xi32> to vector<32xbf16>
        %parallel_loop3A_479 = arith.mulf %parallel_loop3A_465, %parallel_loop3A_478 : vector<32xbf16>
        %parallel_loop3A_480 = arith.addf %parallel_loop3A_474, %parallel_loop3A_479 : vector<32xbf16>
        %parallel_loop3A_481 = arith.constant 1088 : i32
        %parallel_loop3A_482 = tpu.memref_slice %arg5[%parallel_loop3A_481] : memref<107832xi32, #tpu.memory_space<vmem>> -> memref<106744xi32, #tpu.memory_space<vmem>>
        %parallel_loop3A_483 = tpu.vector_load_idx %parallel_loop3A_482[%parallel_loop3A_444] : memref<106744xi32, #tpu.memory_space<vmem>>[vector<16xi32>], vector<16xi32>,
        %parallel_loop3A_484 = vector.bitcast %parallel_loop3A_483 : vector<16xi32> to vector<32xbf16>
        %parallel_loop3A_485 = arith.mulf %parallel_loop3A_467, %parallel_loop3A_484 : vector<32xbf16>
        %parallel_loop3A_486 = arith.constant 1120 : i32
        %parallel_loop3A_487 = tpu.memref_slice %arg5[%parallel_loop3A_486] : memref<107832xi32, #tpu.memory_space<vmem>> -> memref<106712xi32, #tpu.memory_space<vmem>>
        %parallel_loop3A_488 = tpu.vector_load_idx %parallel_loop3A_487[%parallel_loop3A_447] : memref<106712xi32, #tpu.memory_space<vmem>>[vector<16xi32>], vector<16xi32>,
        %parallel_loop3A_489 = vector.bitcast %parallel_loop3A_488 : vector<16xi32> to vector<32xbf16>
        %parallel_loop3A_490 = arith.mulf %parallel_loop3A_469, %parallel_loop3A_489 : vector<32xbf16>
        %parallel_loop3A_491 = arith.addf %parallel_loop3A_485, %parallel_loop3A_490 : vector<32xbf16>
        %parallel_loop3A_492 = arith.addf %parallel_loop3A_480, %parallel_loop3A_491 : vector<32xbf16>
        %parallel_loop3A_493 = vector.bitcast %parallel_loop3A_492 : vector<32xbf16> to vector<16xi32>
        %parallel_loop3A_494 = arith.constant 16 : i32
        %parallel_loop3A_495 = vector.broadcast %parallel_loop3A_494 : i32 to vector<16xi32>
        %parallel_loop3A_496 = arith.shli %parallel_loop3A_493, %parallel_loop3A_495 : vector<16xi32>
        %parallel_loop3A_497 = vector.bitcast %parallel_loop3A_496 : vector<16xi32> to vector<16xf32>
        %parallel_loop3A_498 = vector.bitcast %parallel_loop3A_493 : vector<16xi32> to vector<16xf32>
        %parallel_loop3A_499 = arith.addf %parallel_loop3A_497, %parallel_loop3A_498 : vector<16xf32>
        %parallel_loop3A_500 = arith.constant 35944 : i32
        %parallel_loop3A_501 = tpu.memref_slice %arg5[%parallel_loop3A_500] : memref<107832xi32, #tpu.memory_space<vmem>> -> memref<71888xi32, #tpu.memory_space<vmem>>
        %parallel_loop3A_502 = tpu.vector_load_idx %parallel_loop3A_501[%parallel_loop3A_441] : memref<71888xi32, #tpu.memory_space<vmem>>[vector<16xi32>], vector<16xi32>,
        %parallel_loop3A_503 = vector.bitcast %parallel_loop3A_502 : vector<16xi32> to vector<32xbf16>
        %parallel_loop3A_504 = arith.mulf %parallel_loop3A_463, %parallel_loop3A_503 : vector<32xbf16>
        %parallel_loop3A_505 = arith.constant 35976 : i32
        %parallel_loop3A_506 = tpu.memref_slice %arg5[%parallel_loop3A_505] : memref<107832xi32, #tpu.memory_space<vmem>> -> memref<71856xi32, #tpu.memory_space<vmem>>
        %parallel_loop3A_507 = tpu.vector_load_idx %parallel_loop3A_506[%parallel_loop3A_444] : memref<71856xi32, #tpu.memory_space<vmem>>[vector<16xi32>], vector<16xi32>,
        %parallel_loop3A_508 = vector.bitcast %parallel_loop3A_507 : vector<16xi32> to vector<32xbf16>
        %parallel_loop3A_509 = arith.mulf %parallel_loop3A_465, %parallel_loop3A_508 : vector<32xbf16>
        %parallel_loop3A_510 = arith.addf %parallel_loop3A_504, %parallel_loop3A_509 : vector<32xbf16>
        %parallel_loop3A_511 = arith.constant 37032 : i32
        %parallel_loop3A_512 = tpu.memref_slice %arg5[%parallel_loop3A_511] : memref<107832xi32, #tpu.memory_space<vmem>> -> memref<70800xi32, #tpu.memory_space<vmem>>
        %parallel_loop3A_513 = tpu.vector_load_idx %parallel_loop3A_512[%parallel_loop3A_444] : memref<70800xi32, #tpu.memory_space<vmem>>[vector<16xi32>], vector<16xi32>,
        %parallel_loop3A_514 = vector.bitcast %parallel_loop3A_513 : vector<16xi32> to vector<32xbf16>
        %parallel_loop3A_515 = arith.mulf %parallel_loop3A_467, %parallel_loop3A_514 : vector<32xbf16>
        %parallel_loop3A_516 = arith.constant 37064 : i32
        %parallel_loop3A_517 = tpu.memref_slice %arg5[%parallel_loop3A_516] : memref<107832xi32, #tpu.memory_space<vmem>> -> memref<70768xi32, #tpu.memory_space<vmem>>
        %parallel_loop3A_518 = tpu.vector_load_idx %parallel_loop3A_517[%parallel_loop3A_447] : memref<70768xi32, #tpu.memory_space<vmem>>[vector<16xi32>], vector<16xi32>,
        %parallel_loop3A_519 = vector.bitcast %parallel_loop3A_518 : vector<16xi32> to vector<32xbf16>
        %parallel_loop3A_520 = arith.mulf %parallel_loop3A_469, %parallel_loop3A_519 : vector<32xbf16>
        %parallel_loop3A_521 = arith.addf %parallel_loop3A_515, %parallel_loop3A_520 : vector<32xbf16>
        %parallel_loop3A_522 = arith.addf %parallel_loop3A_510, %parallel_loop3A_521 : vector<32xbf16>
        %parallel_loop3A_523 = vector.bitcast %parallel_loop3A_522 : vector<32xbf16> to vector<16xi32>
        %parallel_loop3A_524 = arith.constant 16 : i32
        %parallel_loop3A_525 = vector.broadcast %parallel_loop3A_524 : i32 to vector<16xi32>
        %parallel_loop3A_526 = arith.shli %parallel_loop3A_523, %parallel_loop3A_525 : vector<16xi32>
        %parallel_loop3A_527 = vector.bitcast %parallel_loop3A_526 : vector<16xi32> to vector<16xf32>
        %parallel_loop3A_528 = vector.bitcast %parallel_loop3A_523 : vector<16xi32> to vector<16xf32>
        %parallel_loop3A_529 = arith.addf %parallel_loop3A_527, %parallel_loop3A_528 : vector<16xf32>
        %parallel_loop3A_530 = arith.constant 71888 : i32
        %parallel_loop3A_531 = tpu.memref_slice %arg5[%parallel_loop3A_530] : memref<107832xi32, #tpu.memory_space<vmem>> -> memref<35944xi32, #tpu.memory_space<vmem>>
        %parallel_loop3A_532 = tpu.vector_load_idx %parallel_loop3A_531[%parallel_loop3A_441] : memref<35944xi32, #tpu.memory_space<vmem>>[vector<16xi32>], vector<16xi32>,
        %parallel_loop3A_533 = vector.bitcast %parallel_loop3A_532 : vector<16xi32> to vector<32xbf16>
        %parallel_loop3A_534 = arith.mulf %parallel_loop3A_463, %parallel_loop3A_533 : vector<32xbf16>
        %parallel_loop3A_535 = arith.constant 71920 : i32
        %parallel_loop3A_536 = tpu.memref_slice %arg5[%parallel_loop3A_535] : memref<107832xi32, #tpu.memory_space<vmem>> -> memref<35912xi32, #tpu.memory_space<vmem>>
        %parallel_loop3A_537 = tpu.vector_load_idx %parallel_loop3A_536[%parallel_loop3A_444] : memref<35912xi32, #tpu.memory_space<vmem>>[vector<16xi32>], vector<16xi32>,
        %parallel_loop3A_538 = vector.bitcast %parallel_loop3A_537 : vector<16xi32> to vector<32xbf16>
        %parallel_loop3A_539 = arith.mulf %parallel_loop3A_465, %parallel_loop3A_538 : vector<32xbf16>
        %parallel_loop3A_540 = arith.addf %parallel_loop3A_534, %parallel_loop3A_539 : vector<32xbf16>
        %parallel_loop3A_541 = arith.constant 72976 : i32
        %parallel_loop3A_542 = tpu.memref_slice %arg5[%parallel_loop3A_541] : memref<107832xi32, #tpu.memory_space<vmem>> -> memref<34856xi32, #tpu.memory_space<vmem>>
        %parallel_loop3A_543 = tpu.vector_load_idx %parallel_loop3A_542[%parallel_loop3A_444] : memref<34856xi32, #tpu.memory_space<vmem>>[vector<16xi32>], vector<16xi32>,
        %parallel_loop3A_544 = vector.bitcast %parallel_loop3A_543 : vector<16xi32> to vector<32xbf16>
        %parallel_loop3A_545 = arith.mulf %parallel_loop3A_467, %parallel_loop3A_544 : vector<32xbf16>
        %parallel_loop3A_546 = arith.constant 73008 : i32
        %parallel_loop3A_547 = tpu.memref_slice %arg5[%parallel_loop3A_546] : memref<107832xi32, #tpu.memory_space<vmem>> -> memref<34824xi32, #tpu.memory_space<vmem>>
        %parallel_loop3A_548 = tpu.vector_load_idx %parallel_loop3A_547[%parallel_loop3A_447] : memref<34824xi32, #tpu.memory_space<vmem>>[vector<16xi32>], vector<16xi32>,
        %parallel_loop3A_549 = vector.bitcast %parallel_loop3A_548 : vector<16xi32> to vector<32xbf16>
        %parallel_loop3A_550 = arith.mulf %parallel_loop3A_469, %parallel_loop3A_549 : vector<32xbf16>
        %parallel_loop3A_551 = arith.addf %parallel_loop3A_545, %parallel_loop3A_550 : vector<32xbf16>
        %parallel_loop3A_552 = arith.addf %parallel_loop3A_540, %parallel_loop3A_551 : vector<32xbf16>
        %parallel_loop3A_553 = vector.bitcast %parallel_loop3A_552 : vector<32xbf16> to vector<16xi32>
        %parallel_loop3A_554 = arith.constant 16 : i32
        %parallel_loop3A_555 = vector.broadcast %parallel_loop3A_554 : i32 to vector<16xi32>
        %parallel_loop3A_556 = arith.shli %parallel_loop3A_553, %parallel_loop3A_555 : vector<16xi32>
        %parallel_loop3A_557 = vector.bitcast %parallel_loop3A_556 : vector<16xi32> to vector<16xf32>
        %parallel_loop3A_558 = vector.bitcast %parallel_loop3A_553 : vector<16xi32> to vector<16xf32>
        %parallel_loop3A_559 = arith.addf %parallel_loop3A_557, %parallel_loop3A_558 : vector<16xf32>
        %parallel_loop3A_560 = arith.constant 1 : i32
        %parallel_loop3A_561 = arith.index_cast %parallel_loop3A_560 : i32 to index
        %parallel_loop3A_562 = arith.index_cast %parallel_loop3A_235 : i32 to index
        %parallel_loop3A_563 = tpu.vector_load %arg12[%parallel_loop3A_561, %parallel_loop3A_562] {strides = array<i32>} : memref<2x512xf32, #tpu.memory_space<vmem>>, vector<16xf32>,
        tpu.vector_store %arg12[%parallel_loop3A_561, %parallel_loop3A_562], %parallel_loop3A_499 {strides = array<i32>} : memref<2x512xf32, #tpu.memory_space<vmem>>, vector<16xf32>,
        %parallel_loop3A_564 = arith.constant 1 : i32
        %parallel_loop3A_565 = arith.index_cast %parallel_loop3A_564 : i32 to index
        %parallel_loop3A_566 = arith.index_cast %parallel_loop3A_235 : i32 to index
        %parallel_loop3A_567 = tpu.vector_load %arg13[%parallel_loop3A_565, %parallel_loop3A_566] {strides = array<i32>} : memref<2x512xf32, #tpu.memory_space<vmem>>, vector<16xf32>,
        tpu.vector_store %arg13[%parallel_loop3A_565, %parallel_loop3A_566], %parallel_loop3A_529 {strides = array<i32>} : memref<2x512xf32, #tpu.memory_space<vmem>>, vector<16xf32>,
        %parallel_loop3A_568 = arith.constant 1 : i32
        %parallel_loop3A_569 = arith.index_cast %parallel_loop3A_568 : i32 to index
        %parallel_loop3A_570 = arith.index_cast %parallel_loop3A_235 : i32 to index
        %parallel_loop3A_571 = tpu.vector_load %arg14[%parallel_loop3A_569, %parallel_loop3A_570] {strides = array<i32>} : memref<2x512xf32, #tpu.memory_space<vmem>>, vector<16xf32>,
        tpu.vector_store %arg14[%parallel_loop3A_569, %parallel_loop3A_570], %parallel_loop3A_559 {strides = array<i32>} : memref<2x512xf32, #tpu.memory_space<vmem>>, vector<16xf32>,
      } {sc.loop_unroll_factor = 2 : i64, sc.parallel_access}
      %mul3A_146 = arith.constant 2 : i32
      %mul3A_147 = arith.muli %add3A_110, %mul3A_146 : i32
      %add3A_148 = arith.addi %mul3A_32, %mul3A_147 : i32
      %dma_start3A_149 = arith.constant 0 : i32
      %dma_start3A_150 = arith.constant 0 : i32
      %dma_start3A_151 = tpu.memref_slice %arg4[%select_n3A, %dma_start3A_149, %add3A_148, %dma_start3A_150] : memref<8x3x512x512xf32, #tpu.memory_space<hbm>> -> memref<1x1x2x512xf32, #tpu.memory_space<hbm>>
      %dma_start3A_152 = tpu.memref_squeeze %dma_start3A_151 : memref<1x1x2x512xf32, #tpu.memory_space<hbm>> -> memref<2x512xf32, #tpu.memory_space<hbm>>
      %dma_start3A_153 = arith.constant 0 : i32
      %dma_start3A_154 = tpu.memref_slice %arg4[%select_n3A, %dma_start3A_149, %add3A_148, %dma_start3A_153] : memref<8x3x512x512xf32, #tpu.memory_space<hbm>> -> memref<1x1x2x512xf32, #tpu.memory_space<hbm>>
      %dma_start3A_155 = tpu.memref_squeeze %dma_start3A_154 : memref<1x1x2x512xf32, #tpu.memory_space<hbm>> -> memref<2x512xf32, #tpu.memory_space<hbm>>
      tpu.enqueue_dma source(%arg12 : memref<2x512xf32, #tpu.memory_space<vmem>>) target(%dma_start3A_155 : memref<2x512xf32, #tpu.memory_space<hbm>>) target_semaphore(%arg20 : memref<!tpu.dma_semaphore, #tpu.memory_space<semaphore_mem>>)
      %dma_start3A_156 = arith.constant 1 : i32
      %dma_start3A_157 = arith.constant 0 : i32
      %dma_start3A_158 = tpu.memref_slice %arg4[%select_n3A, %dma_start3A_156, %add3A_148, %dma_start3A_157] : memref<8x3x512x512xf32, #tpu.memory_space<hbm>> -> memref<1x1x2x512xf32, #tpu.memory_space<hbm>>
      %dma_start3A_159 = tpu.memref_squeeze %dma_start3A_158 : memref<1x1x2x512xf32, #tpu.memory_space<hbm>> -> memref<2x512xf32, #tpu.memory_space<hbm>>
      %dma_start3A_160 = arith.constant 0 : i32
      %dma_start3A_161 = tpu.memref_slice %arg4[%select_n3A, %dma_start3A_156, %add3A_148, %dma_start3A_160] : memref<8x3x512x512xf32, #tpu.memory_space<hbm>> -> memref<1x1x2x512xf32, #tpu.memory_space<hbm>>
      %dma_start3A_162 = tpu.memref_squeeze %dma_start3A_161 : memref<1x1x2x512xf32, #tpu.memory_space<hbm>> -> memref<2x512xf32, #tpu.memory_space<hbm>>
      tpu.enqueue_dma source(%arg13 : memref<2x512xf32, #tpu.memory_space<vmem>>) target(%dma_start3A_162 : memref<2x512xf32, #tpu.memory_space<hbm>>) target_semaphore(%arg20 : memref<!tpu.dma_semaphore, #tpu.memory_space<semaphore_mem>>)
      %dma_start3A_163 = arith.constant 2 : i32
      %dma_start3A_164 = arith.constant 0 : i32
      %dma_start3A_165 = tpu.memref_slice %arg4[%select_n3A, %dma_start3A_163, %add3A_148, %dma_start3A_164] : memref<8x3x512x512xf32, #tpu.memory_space<hbm>> -> memref<1x1x2x512xf32, #tpu.memory_space<hbm>>
      %dma_start3A_166 = tpu.memref_squeeze %dma_start3A_165 : memref<1x1x2x512xf32, #tpu.memory_space<hbm>> -> memref<2x512xf32, #tpu.memory_space<hbm>>
      %dma_start3A_167 = arith.constant 0 : i32
      %dma_start3A_168 = tpu.memref_slice %arg4[%select_n3A, %dma_start3A_163, %add3A_148, %dma_start3A_167] : memref<8x3x512x512xf32, #tpu.memory_space<hbm>> -> memref<1x1x2x512xf32, #tpu.memory_space<hbm>>
      %dma_start3A_169 = tpu.memref_squeeze %dma_start3A_168 : memref<1x1x2x512xf32, #tpu.memory_space<hbm>> -> memref<2x512xf32, #tpu.memory_space<hbm>>
      tpu.enqueue_dma source(%arg14 : memref<2x512xf32, #tpu.memory_space<vmem>>) target(%dma_start3A_169 : memref<2x512xf32, #tpu.memory_space<hbm>>) target_semaphore(%arg20 : memref<!tpu.dma_semaphore, #tpu.memory_space<semaphore_mem>>)
      %add3A_170 = arith.constant 1 : i32
      %add3A_171 = arith.addi %add3A_108, %add3A_170 : i32
      %add3A_172 = arith.constant 1 : i32
      %add3A_173 = arith.addi %add3A_171, %add3A_172 : i32
      %lt3A_174 = arith.constant 64 : i32
      %lt3A_175 = arith.cmpi slt, %add3A_173, %lt3A_174 : i32
      %convert_element_type3A_176 = arith.extui %lt3A_175 : i1 to i32
      %cond3A_177 = arith.constant 0 : i32
      %cond3A_178 = arith.cmpi ne, %convert_element_type3A_176, %cond3A_177 : i32
      scf.if %cond3A_178 {
        %add3A_235 = arith.constant 1 : i32
        %add3A_236 = arith.addi %add3A_171, %add3A_235 : i32
        %mul3A_237 = arith.constant 2 : i32
        %mul3A_238 = arith.muli %add3A_236, %mul3A_237 : i32
        %add3A_239 = arith.addi %mul3A_32, %mul3A_238 : i32
        %dma_start3A_240 = arith.constant 0 : i32
        %dma_start3A_241 = arith.constant 0 : i32
        %dma_start3A_242 = tpu.memref_slice %arg3[%select_n3A, %dma_start3A_240, %add3A_239, %dma_start3A_241] : memref<8x3x512x512xf32, #tpu.memory_space<hbm>> -> memref<1x1x2x512xf32, #tpu.memory_space<hbm>>
        %dma_start3A_243 = tpu.memref_squeeze %dma_start3A_242 : memref<1x1x2x512xf32, #tpu.memory_space<hbm>> -> memref<2x512xf32, #tpu.memory_space<hbm>>
        %dma_start3A_244 = arith.constant 0 : i32
        %dma_start3A_245 = tpu.memref_slice %arg3[%select_n3A, %dma_start3A_240, %add3A_239, %dma_start3A_244] : memref<8x3x512x512xf32, #tpu.memory_space<hbm>> -> memref<1x1x2x512xf32, #tpu.memory_space<hbm>>
        %dma_start3A_246 = tpu.memref_squeeze %dma_start3A_245 : memref<1x1x2x512xf32, #tpu.memory_space<hbm>> -> memref<2x512xf32, #tpu.memory_space<hbm>>
        tpu.enqueue_dma source(%dma_start3A_246 : memref<2x512xf32, #tpu.memory_space<hbm>>) target(%arg6 : memref<2x512xf32, #tpu.memory_space<vmem>>) target_semaphore(%arg18 : memref<!tpu.dma_semaphore, #tpu.memory_space<semaphore_mem>>)
        %dma_start3A_247 = arith.constant 1 : i32
        %dma_start3A_248 = arith.constant 0 : i32
        %dma_start3A_249 = tpu.memref_slice %arg3[%select_n3A, %dma_start3A_247, %add3A_239, %dma_start3A_248] : memref<8x3x512x512xf32, #tpu.memory_space<hbm>> -> memref<1x1x2x512xf32, #tpu.memory_space<hbm>>
        %dma_start3A_250 = tpu.memref_squeeze %dma_start3A_249 : memref<1x1x2x512xf32, #tpu.memory_space<hbm>> -> memref<2x512xf32, #tpu.memory_space<hbm>>
        %dma_start3A_251 = arith.constant 0 : i32
        %dma_start3A_252 = tpu.memref_slice %arg3[%select_n3A, %dma_start3A_247, %add3A_239, %dma_start3A_251] : memref<8x3x512x512xf32, #tpu.memory_space<hbm>> -> memref<1x1x2x512xf32, #tpu.memory_space<hbm>>
        %dma_start3A_253 = tpu.memref_squeeze %dma_start3A_252 : memref<1x1x2x512xf32, #tpu.memory_space<hbm>> -> memref<2x512xf32, #tpu.memory_space<hbm>>
        tpu.enqueue_dma source(%dma_start3A_253 : memref<2x512xf32, #tpu.memory_space<hbm>>) target(%arg7 : memref<2x512xf32, #tpu.memory_space<vmem>>) target_semaphore(%arg18 : memref<!tpu.dma_semaphore, #tpu.memory_space<semaphore_mem>>)
        %dma_start3A_254 = arith.constant 2 : i32
        %dma_start3A_255 = arith.constant 0 : i32
        %dma_start3A_256 = tpu.memref_slice %arg3[%select_n3A, %dma_start3A_254, %add3A_239, %dma_start3A_255] : memref<8x3x512x512xf32, #tpu.memory_space<hbm>> -> memref<1x1x2x512xf32, #tpu.memory_space<hbm>>
        %dma_start3A_257 = tpu.memref_squeeze %dma_start3A_256 : memref<1x1x2x512xf32, #tpu.memory_space<hbm>> -> memref<2x512xf32, #tpu.memory_space<hbm>>
        %dma_start3A_258 = arith.constant 0 : i32
        %dma_start3A_259 = tpu.memref_slice %arg3[%select_n3A, %dma_start3A_254, %add3A_239, %dma_start3A_258] : memref<8x3x512x512xf32, #tpu.memory_space<hbm>> -> memref<1x1x2x512xf32, #tpu.memory_space<hbm>>
        %dma_start3A_260 = tpu.memref_squeeze %dma_start3A_259 : memref<1x1x2x512xf32, #tpu.memory_space<hbm>> -> memref<2x512xf32, #tpu.memory_space<hbm>>
        tpu.enqueue_dma source(%dma_start3A_260 : memref<2x512xf32, #tpu.memory_space<hbm>>) target(%arg8 : memref<2x512xf32, #tpu.memory_space<vmem>>) target_semaphore(%arg18 : memref<!tpu.dma_semaphore, #tpu.memory_space<semaphore_mem>>)
      } else {
      }
      %mul3A_179 = arith.constant 2 : i32
      %mul3A_180 = arith.muli %add3A_171, %mul3A_179 : i32
      %add3A_181 = arith.addi %mul3A_32, %mul3A_180 : i32
      %dma_wait3A_182 = arith.constant 0 : i32
      %dma_wait3A_183 = arith.constant 0 : i32
      %dma_wait3A_184 = tpu.memref_slice %arg3[%select_n3A, %dma_wait3A_182, %add3A_181, %dma_wait3A_183] : memref<8x3x512x512xf32, #tpu.memory_space<hbm>> -> memref<1x1x2x512xf32, #tpu.memory_space<hbm>>
      %dma_wait3A_185 = tpu.memref_squeeze %dma_wait3A_184 : memref<1x1x2x512xf32, #tpu.memory_space<hbm>> -> memref<2x512xf32, #tpu.memory_space<hbm>>
      %dma_wait3A_186 = arith.constant 0 : i32
      %dma_wait3A_187 = tpu.memref_slice %arg3[%select_n3A, %dma_wait3A_182, %add3A_181, %dma_wait3A_186] : memref<8x3x512x512xf32, #tpu.memory_space<hbm>> -> memref<1x1x2x512xf32, #tpu.memory_space<hbm>>
      %dma_wait3A_188 = tpu.memref_squeeze %dma_wait3A_187 : memref<1x1x2x512xf32, #tpu.memory_space<hbm>> -> memref<2x512xf32, #tpu.memory_space<hbm>>
      tpu.wait_dma2 semaphore(%arg19 : memref<!tpu.dma_semaphore, #tpu.memory_space<semaphore_mem>>) src(%dma_wait3A_188 : memref<2x512xf32, #tpu.memory_space<hbm>>) dst(%arg9 : memref<2x512xf32, #tpu.memory_space<vmem>>)
      %dma_wait3A_189 = arith.constant 1 : i32
      %dma_wait3A_190 = arith.constant 0 : i32
      %dma_wait3A_191 = tpu.memref_slice %arg3[%select_n3A, %dma_wait3A_189, %add3A_181, %dma_wait3A_190] : memref<8x3x512x512xf32, #tpu.memory_space<hbm>> -> memref<1x1x2x512xf32, #tpu.memory_space<hbm>>
      %dma_wait3A_192 = tpu.memref_squeeze %dma_wait3A_191 : memref<1x1x2x512xf32, #tpu.memory_space<hbm>> -> memref<2x512xf32, #tpu.memory_space<hbm>>
      %dma_wait3A_193 = arith.constant 0 : i32
      %dma_wait3A_194 = tpu.memref_slice %arg3[%select_n3A, %dma_wait3A_189, %add3A_181, %dma_wait3A_193] : memref<8x3x512x512xf32, #tpu.memory_space<hbm>> -> memref<1x1x2x512xf32, #tpu.memory_space<hbm>>
      %dma_wait3A_195 = tpu.memref_squeeze %dma_wait3A_194 : memref<1x1x2x512xf32, #tpu.memory_space<hbm>> -> memref<2x512xf32, #tpu.memory_space<hbm>>
      tpu.wait_dma2 semaphore(%arg19 : memref<!tpu.dma_semaphore, #tpu.memory_space<semaphore_mem>>) src(%dma_wait3A_195 : memref<2x512xf32, #tpu.memory_space<hbm>>) dst(%arg10 : memref<2x512xf32, #tpu.memory_space<vmem>>)
      %dma_wait3A_196 = arith.constant 2 : i32
      %dma_wait3A_197 = arith.constant 0 : i32
      %dma_wait3A_198 = tpu.memref_slice %arg3[%select_n3A, %dma_wait3A_196, %add3A_181, %dma_wait3A_197] : memref<8x3x512x512xf32, #tpu.memory_space<hbm>> -> memref<1x1x2x512xf32, #tpu.memory_space<hbm>>
      %dma_wait3A_199 = tpu.memref_squeeze %dma_wait3A_198 : memref<1x1x2x512xf32, #tpu.memory_space<hbm>> -> memref<2x512xf32, #tpu.memory_space<hbm>>
      %dma_wait3A_200 = arith.constant 0 : i32
      %dma_wait3A_201 = tpu.memref_slice %arg3[%select_n3A, %dma_wait3A_196, %add3A_181, %dma_wait3A_200] : memref<8x3x512x512xf32, #tpu.memory_space<hbm>> -> memref<1x1x2x512xf32, #tpu.memory_space<hbm>>
      %dma_wait3A_202 = tpu.memref_squeeze %dma_wait3A_201 : memref<1x1x2x512xf32, #tpu.memory_space<hbm>> -> memref<2x512xf32, #tpu.memory_space<hbm>>
      tpu.wait_dma2 semaphore(%arg19 : memref<!tpu.dma_semaphore, #tpu.memory_space<semaphore_mem>>) src(%dma_wait3A_202 : memref<2x512xf32, #tpu.memory_space<hbm>>) dst(%arg11 : memref<2x512xf32, #tpu.memory_space<vmem>>)
      %ge3A_203 = arith.constant 2 : i32
      %ge3A_204 = arith.cmpi sge, %add3A_171, %ge3A_203 : i32
      %convert_element_type3A_205 = arith.extui %ge3A_204 : i1 to i32
      %cond3A_206 = arith.constant 0 : i32
      %cond3A_207 = arith.cmpi ne, %convert_element_type3A_205, %cond3A_206 : i32
      scf.if %cond3A_207 {
        %sub3A_235 = arith.constant 2 : i32
        %sub3A_236 = arith.subi %add3A_171, %sub3A_235 : i32
        %mul3A_237 = arith.constant 2 : i32
        %mul3A_238 = arith.muli %sub3A_236, %mul3A_237 : i32
        %add3A_239 = arith.addi %mul3A_32, %mul3A_238 : i32
        %dma_wait3A_240 = arith.constant 0 : i32
        %dma_wait3A_241 = arith.constant 0 : i32
        %dma_wait3A_242 = tpu.memref_slice %arg4[%select_n3A, %dma_wait3A_240, %add3A_239, %dma_wait3A_241] : memref<8x3x512x512xf32, #tpu.memory_space<hbm>> -> memref<1x1x2x512xf32, #tpu.memory_space<hbm>>
        %dma_wait3A_243 = tpu.memref_squeeze %dma_wait3A_242 : memref<1x1x2x512xf32, #tpu.memory_space<hbm>> -> memref<2x512xf32, #tpu.memory_space<hbm>>
        %dma_wait3A_244 = arith.constant 0 : i32
        %dma_wait3A_245 = tpu.memref_slice %arg4[%select_n3A, %dma_wait3A_240, %add3A_239, %dma_wait3A_244] : memref<8x3x512x512xf32, #tpu.memory_space<hbm>> -> memref<1x1x2x512xf32, #tpu.memory_space<hbm>>
        %dma_wait3A_246 = tpu.memref_squeeze %dma_wait3A_245 : memref<1x1x2x512xf32, #tpu.memory_space<hbm>> -> memref<2x512xf32, #tpu.memory_space<hbm>>
        tpu.wait_dma2 semaphore(%arg21 : memref<!tpu.dma_semaphore, #tpu.memory_space<semaphore_mem>>) src(%arg15 : memref<2x512xf32, #tpu.memory_space<vmem>>) dst(%dma_wait3A_246 : memref<2x512xf32, #tpu.memory_space<hbm>>)
        %dma_wait3A_247 = arith.constant 1 : i32
        %dma_wait3A_248 = arith.constant 0 : i32
        %dma_wait3A_249 = tpu.memref_slice %arg4[%select_n3A, %dma_wait3A_247, %add3A_239, %dma_wait3A_248] : memref<8x3x512x512xf32, #tpu.memory_space<hbm>> -> memref<1x1x2x512xf32, #tpu.memory_space<hbm>>
        %dma_wait3A_250 = tpu.memref_squeeze %dma_wait3A_249 : memref<1x1x2x512xf32, #tpu.memory_space<hbm>> -> memref<2x512xf32, #tpu.memory_space<hbm>>
        %dma_wait3A_251 = arith.constant 0 : i32
        %dma_wait3A_252 = tpu.memref_slice %arg4[%select_n3A, %dma_wait3A_247, %add3A_239, %dma_wait3A_251] : memref<8x3x512x512xf32, #tpu.memory_space<hbm>> -> memref<1x1x2x512xf32, #tpu.memory_space<hbm>>
        %dma_wait3A_253 = tpu.memref_squeeze %dma_wait3A_252 : memref<1x1x2x512xf32, #tpu.memory_space<hbm>> -> memref<2x512xf32, #tpu.memory_space<hbm>>
        tpu.wait_dma2 semaphore(%arg21 : memref<!tpu.dma_semaphore, #tpu.memory_space<semaphore_mem>>) src(%arg16 : memref<2x512xf32, #tpu.memory_space<vmem>>) dst(%dma_wait3A_253 : memref<2x512xf32, #tpu.memory_space<hbm>>)
        %dma_wait3A_254 = arith.constant 2 : i32
        %dma_wait3A_255 = arith.constant 0 : i32
        %dma_wait3A_256 = tpu.memref_slice %arg4[%select_n3A, %dma_wait3A_254, %add3A_239, %dma_wait3A_255] : memref<8x3x512x512xf32, #tpu.memory_space<hbm>> -> memref<1x1x2x512xf32, #tpu.memory_space<hbm>>
        %dma_wait3A_257 = tpu.memref_squeeze %dma_wait3A_256 : memref<1x1x2x512xf32, #tpu.memory_space<hbm>> -> memref<2x512xf32, #tpu.memory_space<hbm>>
        %dma_wait3A_258 = arith.constant 0 : i32
        %dma_wait3A_259 = tpu.memref_slice %arg4[%select_n3A, %dma_wait3A_254, %add3A_239, %dma_wait3A_258] : memref<8x3x512x512xf32, #tpu.memory_space<hbm>> -> memref<1x1x2x512xf32, #tpu.memory_space<hbm>>
        %dma_wait3A_260 = tpu.memref_squeeze %dma_wait3A_259 : memref<1x1x2x512xf32, #tpu.memory_space<hbm>> -> memref<2x512xf32, #tpu.memory_space<hbm>>
        tpu.wait_dma2 semaphore(%arg21 : memref<!tpu.dma_semaphore, #tpu.memory_space<semaphore_mem>>) src(%arg17 : memref<2x512xf32, #tpu.memory_space<vmem>>) dst(%dma_wait3A_260 : memref<2x512xf32, #tpu.memory_space<hbm>>)
      } else {
      }
      %parallel_loop3A_208 = arith.constant 0 : i32
      %parallel_loop3A_209 = arith.constant 512 : i32
      %parallel_loop3A_210 = arith.constant 16 : i32
      scf.for %parallel_loop3A_235 = %parallel_loop3A_208 to %parallel_loop3A_209 step %parallel_loop3A_210  : i32 {
        %parallel_loop3A_236 = arith.constant 0 : i32
        %parallel_loop3A_237 = arith.index_cast %parallel_loop3A_236 : i32 to index
        %parallel_loop3A_238 = arith.index_cast %parallel_loop3A_235 : i32 to index
        %parallel_loop3A_239 = tpu.vector_load %arg9[%parallel_loop3A_237, %parallel_loop3A_238] {strides = array<i32>} : memref<2x512xf32, #tpu.memory_space<vmem>>, vector<16xf32>,
        %parallel_loop3A_240 = arith.constant 0 : i32
        %parallel_loop3A_241 = arith.index_cast %parallel_loop3A_240 : i32 to index
        %parallel_loop3A_242 = arith.index_cast %parallel_loop3A_235 : i32 to index
        %parallel_loop3A_243 = tpu.vector_load %arg10[%parallel_loop3A_241, %parallel_loop3A_242] {strides = array<i32>} : memref<2x512xf32, #tpu.memory_space<vmem>>, vector<16xf32>,
        %parallel_loop3A_244 = arith.constant 0 : i32
        %parallel_loop3A_245 = arith.index_cast %parallel_loop3A_244 : i32 to index
        %parallel_loop3A_246 = arith.index_cast %parallel_loop3A_235 : i32 to index
        %parallel_loop3A_247 = tpu.vector_load %arg11[%parallel_loop3A_245, %parallel_loop3A_246] {strides = array<i32>} : memref<2x512xf32, #tpu.memory_space<vmem>>, vector<16xf32>,
        %parallel_loop3A_248 = arith.constant 31.9999676 : f32
        %parallel_loop3A_249 = vector.broadcast %parallel_loop3A_248 : f32 to vector<16xf32>
        %parallel_loop3A_250 = arith.mulf %parallel_loop3A_239, %parallel_loop3A_249 : vector<16xf32>
        %parallel_loop3A_251 = arith.constant 31.9999676 : f32
        %parallel_loop3A_252 = vector.broadcast %parallel_loop3A_251 : f32 to vector<16xf32>
        %parallel_loop3A_253 = arith.mulf %parallel_loop3A_243, %parallel_loop3A_252 : vector<16xf32>
        %parallel_loop3A_254 = arith.constant 31.9999676 : f32
        %parallel_loop3A_255 = vector.broadcast %parallel_loop3A_254 : f32 to vector<16xf32>
        %parallel_loop3A_256 = arith.mulf %parallel_loop3A_247, %parallel_loop3A_255 : vector<16xf32>
        %parallel_loop3A_257 = arith.fptosi %parallel_loop3A_250 : vector<16xf32> to vector<16xi32>
        %parallel_loop3A_258 = arith.fptosi %parallel_loop3A_253 : vector<16xf32> to vector<16xi32>
        %parallel_loop3A_259 = arith.fptosi %parallel_loop3A_256 : vector<16xf32> to vector<16xi32>
        %parallel_loop3A_260 = arith.sitofp %parallel_loop3A_257 : vector<16xi32> to vector<16xf32>
        %parallel_loop3A_261 = arith.subf %parallel_loop3A_250, %parallel_loop3A_260 : vector<16xf32>
        %parallel_loop3A_262 = arith.sitofp %parallel_loop3A_258 : vector<16xi32> to vector<16xf32>
        %parallel_loop3A_263 = arith.subf %parallel_loop3A_253, %parallel_loop3A_262 : vector<16xf32>
        %parallel_loop3A_264 = arith.sitofp %parallel_loop3A_259 : vector<16xi32> to vector<16xf32>
        %parallel_loop3A_265 = arith.subf %parallel_loop3A_256, %parallel_loop3A_264 : vector<16xf32>
        %parallel_loop3A_266 = arith.constant 33 : i32
        %parallel_loop3A_267 = vector.broadcast %parallel_loop3A_266 : i32 to vector<16xi32>
        %parallel_loop3A_268 = arith.muli %parallel_loop3A_258, %parallel_loop3A_267 : vector<16xi32>
        %parallel_loop3A_269 = arith.addi %parallel_loop3A_257, %parallel_loop3A_268 : vector<16xi32>
        %parallel_loop3A_270 = arith.constant 1089 : i32
        %parallel_loop3A_271 = vector.broadcast %parallel_loop3A_270 : i32 to vector<16xi32>
        %parallel_loop3A_272 = arith.muli %parallel_loop3A_259, %parallel_loop3A_271 : vector<16xi32>
        %parallel_loop3A_273 = arith.addi %parallel_loop3A_269, %parallel_loop3A_272 : vector<16xi32>
        %parallel_loop3A_274 = arith.constant 1 : i32
        %parallel_loop3A_275 = vector.broadcast %parallel_loop3A_274 : i32 to vector<16xi32>
        %parallel_loop3A_276 = arith.addi %parallel_loop3A_273, %parallel_loop3A_275 : vector<16xi32>
        %parallel_loop3A_277 = arith.constant 2 : i32
        %parallel_loop3A_278 = vector.broadcast %parallel_loop3A_277 : i32 to vector<16xi32>
        %parallel_loop3A_279 = arith.addi %parallel_loop3A_273, %parallel_loop3A_278 : vector<16xi32>
        %parallel_loop3A_280 = arith.constant 1.000000e+00 : f32
        %parallel_loop3A_281 = vector.broadcast %parallel_loop3A_280 : f32 to vector<16xf32>
        %parallel_loop3A_282 = arith.subf %parallel_loop3A_281, %parallel_loop3A_261 : vector<16xf32>
        %parallel_loop3A_283 = arith.constant 1.000000e+00 : f32
        %parallel_loop3A_284 = vector.broadcast %parallel_loop3A_283 : f32 to vector<16xf32>
        %parallel_loop3A_285 = arith.subf %parallel_loop3A_284, %parallel_loop3A_263 : vector<16xf32>
        %parallel_loop3A_286 = arith.constant 1.000000e+00 : f32
        %parallel_loop3A_287 = vector.broadcast %parallel_loop3A_286 : f32 to vector<16xf32>
        %parallel_loop3A_288 = arith.subf %parallel_loop3A_287, %parallel_loop3A_265 : vector<16xf32>
        %parallel_loop3A_289 = arith.mulf %parallel_loop3A_285, %parallel_loop3A_288 : vector<16xf32>
        %parallel_loop3A_290 = arith.mulf %parallel_loop3A_263, %parallel_loop3A_288 : vector<16xf32>
        %parallel_loop3A_291 = arith.mulf %parallel_loop3A_285, %parallel_loop3A_265 : vector<16xf32>
        %parallel_loop3A_292 = arith.mulf %parallel_loop3A_263, %parallel_loop3A_265 : vector<16xf32>
        %parallel_loop3A_293 = tpu.pack_subelements %parallel_loop3A_282, %parallel_loop3A_261 {pack_format = #tpu.pack_format<interleaved>, positions = array<i32: 0, 1>} : vector<16xf32>, vector<16xf32> -> vector<32xbf16>
        %parallel_loop3A_294 = tpu.pack_subelements %parallel_loop3A_289, %parallel_loop3A_289 {pack_format = #tpu.pack_format<interleaved>, positions = array<i32: 0, 1>} : vector<16xf32>, vector<16xf32> -> vector<32xbf16>
        %parallel_loop3A_295 = arith.mulf %parallel_loop3A_293, %parallel_loop3A_294 : vector<32xbf16>
        %parallel_loop3A_296 = tpu.pack_subelements %parallel_loop3A_290, %parallel_loop3A_290 {pack_format = #tpu.pack_format<interleaved>, positions = array<i32: 0, 1>} : vector<16xf32>, vector<16xf32> -> vector<32xbf16>
        %parallel_loop3A_297 = arith.mulf %parallel_loop3A_293, %parallel_loop3A_296 : vector<32xbf16>
        %parallel_loop3A_298 = tpu.pack_subelements %parallel_loop3A_291, %parallel_loop3A_291 {pack_format = #tpu.pack_format<interleaved>, positions = array<i32: 0, 1>} : vector<16xf32>, vector<16xf32> -> vector<32xbf16>
        %parallel_loop3A_299 = arith.mulf %parallel_loop3A_293, %parallel_loop3A_298 : vector<32xbf16>
        %parallel_loop3A_300 = tpu.pack_subelements %parallel_loop3A_292, %parallel_loop3A_292 {pack_format = #tpu.pack_format<interleaved>, positions = array<i32: 0, 1>} : vector<16xf32>, vector<16xf32> -> vector<32xbf16>
        %parallel_loop3A_301 = arith.mulf %parallel_loop3A_293, %parallel_loop3A_300 : vector<32xbf16>
        %parallel_loop3A_302 = arith.constant 0 : i32
        %parallel_loop3A_303 = tpu.memref_slice %arg5[%parallel_loop3A_302] : memref<107832xi32, #tpu.memory_space<vmem>> -> memref<107832xi32, #tpu.memory_space<vmem>>
        %parallel_loop3A_304 = tpu.vector_load_idx %parallel_loop3A_303[%parallel_loop3A_273] : memref<107832xi32, #tpu.memory_space<vmem>>[vector<16xi32>], vector<16xi32>,
        %parallel_loop3A_305 = vector.bitcast %parallel_loop3A_304 : vector<16xi32> to vector<32xbf16>
        %parallel_loop3A_306 = arith.mulf %parallel_loop3A_295, %parallel_loop3A_305 : vector<32xbf16>
        %parallel_loop3A_307 = arith.constant 32 : i32
        %parallel_loop3A_308 = tpu.memref_slice %arg5[%parallel_loop3A_307] : memref<107832xi32, #tpu.memory_space<vmem>> -> memref<107800xi32, #tpu.memory_space<vmem>>
        %parallel_loop3A_309 = tpu.vector_load_idx %parallel_loop3A_308[%parallel_loop3A_276] : memref<107800xi32, #tpu.memory_space<vmem>>[vector<16xi32>], vector<16xi32>,
        %parallel_loop3A_310 = vector.bitcast %parallel_loop3A_309 : vector<16xi32> to vector<32xbf16>
        %parallel_loop3A_311 = arith.mulf %parallel_loop3A_297, %parallel_loop3A_310 : vector<32xbf16>
        %parallel_loop3A_312 = arith.addf %parallel_loop3A_306, %parallel_loop3A_311 : vector<32xbf16>
        %parallel_loop3A_313 = arith.constant 1088 : i32
        %parallel_loop3A_314 = tpu.memref_slice %arg5[%parallel_loop3A_313] : memref<107832xi32, #tpu.memory_space<vmem>> -> memref<106744xi32, #tpu.memory_space<vmem>>
        %parallel_loop3A_315 = tpu.vector_load_idx %parallel_loop3A_314[%parallel_loop3A_276] : memref<106744xi32, #tpu.memory_space<vmem>>[vector<16xi32>], vector<16xi32>,
        %parallel_loop3A_316 = vector.bitcast %parallel_loop3A_315 : vector<16xi32> to vector<32xbf16>
        %parallel_loop3A_317 = arith.mulf %parallel_loop3A_299, %parallel_loop3A_316 : vector<32xbf16>
        %parallel_loop3A_318 = arith.constant 1120 : i32
        %parallel_loop3A_319 = tpu.memref_slice %arg5[%parallel_loop3A_318] : memref<107832xi32, #tpu.memory_space<vmem>> -> memref<106712xi32, #tpu.memory_space<vmem>>
        %parallel_loop3A_320 = tpu.vector_load_idx %parallel_loop3A_319[%parallel_loop3A_279] : memref<106712xi32, #tpu.memory_space<vmem>>[vector<16xi32>], vector<16xi32>,
        %parallel_loop3A_321 = vector.bitcast %parallel_loop3A_320 : vector<16xi32> to vector<32xbf16>
        %parallel_loop3A_322 = arith.mulf %parallel_loop3A_301, %parallel_loop3A_321 : vector<32xbf16>
        %parallel_loop3A_323 = arith.addf %parallel_loop3A_317, %parallel_loop3A_322 : vector<32xbf16>
        %parallel_loop3A_324 = arith.addf %parallel_loop3A_312, %parallel_loop3A_323 : vector<32xbf16>
        %parallel_loop3A_325 = vector.bitcast %parallel_loop3A_324 : vector<32xbf16> to vector<16xi32>
        %parallel_loop3A_326 = arith.constant 16 : i32
        %parallel_loop3A_327 = vector.broadcast %parallel_loop3A_326 : i32 to vector<16xi32>
        %parallel_loop3A_328 = arith.shli %parallel_loop3A_325, %parallel_loop3A_327 : vector<16xi32>
        %parallel_loop3A_329 = vector.bitcast %parallel_loop3A_328 : vector<16xi32> to vector<16xf32>
        %parallel_loop3A_330 = vector.bitcast %parallel_loop3A_325 : vector<16xi32> to vector<16xf32>
        %parallel_loop3A_331 = arith.addf %parallel_loop3A_329, %parallel_loop3A_330 : vector<16xf32>
        %parallel_loop3A_332 = arith.constant 35944 : i32
        %parallel_loop3A_333 = tpu.memref_slice %arg5[%parallel_loop3A_332] : memref<107832xi32, #tpu.memory_space<vmem>> -> memref<71888xi32, #tpu.memory_space<vmem>>
        %parallel_loop3A_334 = tpu.vector_load_idx %parallel_loop3A_333[%parallel_loop3A_273] : memref<71888xi32, #tpu.memory_space<vmem>>[vector<16xi32>], vector<16xi32>,
        %parallel_loop3A_335 = vector.bitcast %parallel_loop3A_334 : vector<16xi32> to vector<32xbf16>
        %parallel_loop3A_336 = arith.mulf %parallel_loop3A_295, %parallel_loop3A_335 : vector<32xbf16>
        %parallel_loop3A_337 = arith.constant 35976 : i32
        %parallel_loop3A_338 = tpu.memref_slice %arg5[%parallel_loop3A_337] : memref<107832xi32, #tpu.memory_space<vmem>> -> memref<71856xi32, #tpu.memory_space<vmem>>
        %parallel_loop3A_339 = tpu.vector_load_idx %parallel_loop3A_338[%parallel_loop3A_276] : memref<71856xi32, #tpu.memory_space<vmem>>[vector<16xi32>], vector<16xi32>,
        %parallel_loop3A_340 = vector.bitcast %parallel_loop3A_339 : vector<16xi32> to vector<32xbf16>
        %parallel_loop3A_341 = arith.mulf %parallel_loop3A_297, %parallel_loop3A_340 : vector<32xbf16>
        %parallel_loop3A_342 = arith.addf %parallel_loop3A_336, %parallel_loop3A_341 : vector<32xbf16>
        %parallel_loop3A_343 = arith.constant 37032 : i32
        %parallel_loop3A_344 = tpu.memref_slice %arg5[%parallel_loop3A_343] : memref<107832xi32, #tpu.memory_space<vmem>> -> memref<70800xi32, #tpu.memory_space<vmem>>
        %parallel_loop3A_345 = tpu.vector_load_idx %parallel_loop3A_344[%parallel_loop3A_276] : memref<70800xi32, #tpu.memory_space<vmem>>[vector<16xi32>], vector<16xi32>,
        %parallel_loop3A_346 = vector.bitcast %parallel_loop3A_345 : vector<16xi32> to vector<32xbf16>
        %parallel_loop3A_347 = arith.mulf %parallel_loop3A_299, %parallel_loop3A_346 : vector<32xbf16>
        %parallel_loop3A_348 = arith.constant 37064 : i32
        %parallel_loop3A_349 = tpu.memref_slice %arg5[%parallel_loop3A_348] : memref<107832xi32, #tpu.memory_space<vmem>> -> memref<70768xi32, #tpu.memory_space<vmem>>
        %parallel_loop3A_350 = tpu.vector_load_idx %parallel_loop3A_349[%parallel_loop3A_279] : memref<70768xi32, #tpu.memory_space<vmem>>[vector<16xi32>], vector<16xi32>,
        %parallel_loop3A_351 = vector.bitcast %parallel_loop3A_350 : vector<16xi32> to vector<32xbf16>
        %parallel_loop3A_352 = arith.mulf %parallel_loop3A_301, %parallel_loop3A_351 : vector<32xbf16>
        %parallel_loop3A_353 = arith.addf %parallel_loop3A_347, %parallel_loop3A_352 : vector<32xbf16>
        %parallel_loop3A_354 = arith.addf %parallel_loop3A_342, %parallel_loop3A_353 : vector<32xbf16>
        %parallel_loop3A_355 = vector.bitcast %parallel_loop3A_354 : vector<32xbf16> to vector<16xi32>
        %parallel_loop3A_356 = arith.constant 16 : i32
        %parallel_loop3A_357 = vector.broadcast %parallel_loop3A_356 : i32 to vector<16xi32>
        %parallel_loop3A_358 = arith.shli %parallel_loop3A_355, %parallel_loop3A_357 : vector<16xi32>
        %parallel_loop3A_359 = vector.bitcast %parallel_loop3A_358 : vector<16xi32> to vector<16xf32>
        %parallel_loop3A_360 = vector.bitcast %parallel_loop3A_355 : vector<16xi32> to vector<16xf32>
        %parallel_loop3A_361 = arith.addf %parallel_loop3A_359, %parallel_loop3A_360 : vector<16xf32>
        %parallel_loop3A_362 = arith.constant 71888 : i32
        %parallel_loop3A_363 = tpu.memref_slice %arg5[%parallel_loop3A_362] : memref<107832xi32, #tpu.memory_space<vmem>> -> memref<35944xi32, #tpu.memory_space<vmem>>
        %parallel_loop3A_364 = tpu.vector_load_idx %parallel_loop3A_363[%parallel_loop3A_273] : memref<35944xi32, #tpu.memory_space<vmem>>[vector<16xi32>], vector<16xi32>,
        %parallel_loop3A_365 = vector.bitcast %parallel_loop3A_364 : vector<16xi32> to vector<32xbf16>
        %parallel_loop3A_366 = arith.mulf %parallel_loop3A_295, %parallel_loop3A_365 : vector<32xbf16>
        %parallel_loop3A_367 = arith.constant 71920 : i32
        %parallel_loop3A_368 = tpu.memref_slice %arg5[%parallel_loop3A_367] : memref<107832xi32, #tpu.memory_space<vmem>> -> memref<35912xi32, #tpu.memory_space<vmem>>
        %parallel_loop3A_369 = tpu.vector_load_idx %parallel_loop3A_368[%parallel_loop3A_276] : memref<35912xi32, #tpu.memory_space<vmem>>[vector<16xi32>], vector<16xi32>,
        %parallel_loop3A_370 = vector.bitcast %parallel_loop3A_369 : vector<16xi32> to vector<32xbf16>
        %parallel_loop3A_371 = arith.mulf %parallel_loop3A_297, %parallel_loop3A_370 : vector<32xbf16>
        %parallel_loop3A_372 = arith.addf %parallel_loop3A_366, %parallel_loop3A_371 : vector<32xbf16>
        %parallel_loop3A_373 = arith.constant 72976 : i32
        %parallel_loop3A_374 = tpu.memref_slice %arg5[%parallel_loop3A_373] : memref<107832xi32, #tpu.memory_space<vmem>> -> memref<34856xi32, #tpu.memory_space<vmem>>
        %parallel_loop3A_375 = tpu.vector_load_idx %parallel_loop3A_374[%parallel_loop3A_276] : memref<34856xi32, #tpu.memory_space<vmem>>[vector<16xi32>], vector<16xi32>,
        %parallel_loop3A_376 = vector.bitcast %parallel_loop3A_375 : vector<16xi32> to vector<32xbf16>
        %parallel_loop3A_377 = arith.mulf %parallel_loop3A_299, %parallel_loop3A_376 : vector<32xbf16>
        %parallel_loop3A_378 = arith.constant 73008 : i32
        %parallel_loop3A_379 = tpu.memref_slice %arg5[%parallel_loop3A_378] : memref<107832xi32, #tpu.memory_space<vmem>> -> memref<34824xi32, #tpu.memory_space<vmem>>
        %parallel_loop3A_380 = tpu.vector_load_idx %parallel_loop3A_379[%parallel_loop3A_279] : memref<34824xi32, #tpu.memory_space<vmem>>[vector<16xi32>], vector<16xi32>,
        %parallel_loop3A_381 = vector.bitcast %parallel_loop3A_380 : vector<16xi32> to vector<32xbf16>
        %parallel_loop3A_382 = arith.mulf %parallel_loop3A_301, %parallel_loop3A_381 : vector<32xbf16>
        %parallel_loop3A_383 = arith.addf %parallel_loop3A_377, %parallel_loop3A_382 : vector<32xbf16>
        %parallel_loop3A_384 = arith.addf %parallel_loop3A_372, %parallel_loop3A_383 : vector<32xbf16>
        %parallel_loop3A_385 = vector.bitcast %parallel_loop3A_384 : vector<32xbf16> to vector<16xi32>
        %parallel_loop3A_386 = arith.constant 16 : i32
        %parallel_loop3A_387 = vector.broadcast %parallel_loop3A_386 : i32 to vector<16xi32>
        %parallel_loop3A_388 = arith.shli %parallel_loop3A_385, %parallel_loop3A_387 : vector<16xi32>
        %parallel_loop3A_389 = vector.bitcast %parallel_loop3A_388 : vector<16xi32> to vector<16xf32>
        %parallel_loop3A_390 = vector.bitcast %parallel_loop3A_385 : vector<16xi32> to vector<16xf32>
        %parallel_loop3A_391 = arith.addf %parallel_loop3A_389, %parallel_loop3A_390 : vector<16xf32>
        %parallel_loop3A_392 = arith.constant 0 : i32
        %parallel_loop3A_393 = arith.index_cast %parallel_loop3A_392 : i32 to index
        %parallel_loop3A_394 = arith.index_cast %parallel_loop3A_235 : i32 to index
        %parallel_loop3A_395 = tpu.vector_load %arg15[%parallel_loop3A_393, %parallel_loop3A_394] {strides = array<i32>} : memref<2x512xf32, #tpu.memory_space<vmem>>, vector<16xf32>,
        tpu.vector_store %arg15[%parallel_loop3A_393, %parallel_loop3A_394], %parallel_loop3A_331 {strides = array<i32>} : memref<2x512xf32, #tpu.memory_space<vmem>>, vector<16xf32>,
        %parallel_loop3A_396 = arith.constant 0 : i32
        %parallel_loop3A_397 = arith.index_cast %parallel_loop3A_396 : i32 to index
        %parallel_loop3A_398 = arith.index_cast %parallel_loop3A_235 : i32 to index
        %parallel_loop3A_399 = tpu.vector_load %arg16[%parallel_loop3A_397, %parallel_loop3A_398] {strides = array<i32>} : memref<2x512xf32, #tpu.memory_space<vmem>>, vector<16xf32>,
        tpu.vector_store %arg16[%parallel_loop3A_397, %parallel_loop3A_398], %parallel_loop3A_361 {strides = array<i32>} : memref<2x512xf32, #tpu.memory_space<vmem>>, vector<16xf32>,
        %parallel_loop3A_400 = arith.constant 0 : i32
        %parallel_loop3A_401 = arith.index_cast %parallel_loop3A_400 : i32 to index
        %parallel_loop3A_402 = arith.index_cast %parallel_loop3A_235 : i32 to index
        %parallel_loop3A_403 = tpu.vector_load %arg17[%parallel_loop3A_401, %parallel_loop3A_402] {strides = array<i32>} : memref<2x512xf32, #tpu.memory_space<vmem>>, vector<16xf32>,
        tpu.vector_store %arg17[%parallel_loop3A_401, %parallel_loop3A_402], %parallel_loop3A_391 {strides = array<i32>} : memref<2x512xf32, #tpu.memory_space<vmem>>, vector<16xf32>,
        %parallel_loop3A_404 = arith.constant 1 : i32
        %parallel_loop3A_405 = arith.index_cast %parallel_loop3A_404 : i32 to index
        %parallel_loop3A_406 = arith.index_cast %parallel_loop3A_235 : i32 to index
        %parallel_loop3A_407 = tpu.vector_load %arg9[%parallel_loop3A_405, %parallel_loop3A_406] {strides = array<i32>} : memref<2x512xf32, #tpu.memory_space<vmem>>, vector<16xf32>,
        %parallel_loop3A_408 = arith.constant 1 : i32
        %parallel_loop3A_409 = arith.index_cast %parallel_loop3A_408 : i32 to index
        %parallel_loop3A_410 = arith.index_cast %parallel_loop3A_235 : i32 to index
        %parallel_loop3A_411 = tpu.vector_load %arg10[%parallel_loop3A_409, %parallel_loop3A_410] {strides = array<i32>} : memref<2x512xf32, #tpu.memory_space<vmem>>, vector<16xf32>,
        %parallel_loop3A_412 = arith.constant 1 : i32
        %parallel_loop3A_413 = arith.index_cast %parallel_loop3A_412 : i32 to index
        %parallel_loop3A_414 = arith.index_cast %parallel_loop3A_235 : i32 to index
        %parallel_loop3A_415 = tpu.vector_load %arg11[%parallel_loop3A_413, %parallel_loop3A_414] {strides = array<i32>} : memref<2x512xf32, #tpu.memory_space<vmem>>, vector<16xf32>,
        %parallel_loop3A_416 = arith.constant 31.9999676 : f32
        %parallel_loop3A_417 = vector.broadcast %parallel_loop3A_416 : f32 to vector<16xf32>
        %parallel_loop3A_418 = arith.mulf %parallel_loop3A_407, %parallel_loop3A_417 : vector<16xf32>
        %parallel_loop3A_419 = arith.constant 31.9999676 : f32
        %parallel_loop3A_420 = vector.broadcast %parallel_loop3A_419 : f32 to vector<16xf32>
        %parallel_loop3A_421 = arith.mulf %parallel_loop3A_411, %parallel_loop3A_420 : vector<16xf32>
        %parallel_loop3A_422 = arith.constant 31.9999676 : f32
        %parallel_loop3A_423 = vector.broadcast %parallel_loop3A_422 : f32 to vector<16xf32>
        %parallel_loop3A_424 = arith.mulf %parallel_loop3A_415, %parallel_loop3A_423 : vector<16xf32>
        %parallel_loop3A_425 = arith.fptosi %parallel_loop3A_418 : vector<16xf32> to vector<16xi32>
        %parallel_loop3A_426 = arith.fptosi %parallel_loop3A_421 : vector<16xf32> to vector<16xi32>
        %parallel_loop3A_427 = arith.fptosi %parallel_loop3A_424 : vector<16xf32> to vector<16xi32>
        %parallel_loop3A_428 = arith.sitofp %parallel_loop3A_425 : vector<16xi32> to vector<16xf32>
        %parallel_loop3A_429 = arith.subf %parallel_loop3A_418, %parallel_loop3A_428 : vector<16xf32>
        %parallel_loop3A_430 = arith.sitofp %parallel_loop3A_426 : vector<16xi32> to vector<16xf32>
        %parallel_loop3A_431 = arith.subf %parallel_loop3A_421, %parallel_loop3A_430 : vector<16xf32>
        %parallel_loop3A_432 = arith.sitofp %parallel_loop3A_427 : vector<16xi32> to vector<16xf32>
        %parallel_loop3A_433 = arith.subf %parallel_loop3A_424, %parallel_loop3A_432 : vector<16xf32>
        %parallel_loop3A_434 = arith.constant 33 : i32
        %parallel_loop3A_435 = vector.broadcast %parallel_loop3A_434 : i32 to vector<16xi32>
        %parallel_loop3A_436 = arith.muli %parallel_loop3A_426, %parallel_loop3A_435 : vector<16xi32>
        %parallel_loop3A_437 = arith.addi %parallel_loop3A_425, %parallel_loop3A_436 : vector<16xi32>
        %parallel_loop3A_438 = arith.constant 1089 : i32
        %parallel_loop3A_439 = vector.broadcast %parallel_loop3A_438 : i32 to vector<16xi32>
        %parallel_loop3A_440 = arith.muli %parallel_loop3A_427, %parallel_loop3A_439 : vector<16xi32>
        %parallel_loop3A_441 = arith.addi %parallel_loop3A_437, %parallel_loop3A_440 : vector<16xi32>
        %parallel_loop3A_442 = arith.constant 1 : i32
        %parallel_loop3A_443 = vector.broadcast %parallel_loop3A_442 : i32 to vector<16xi32>
        %parallel_loop3A_444 = arith.addi %parallel_loop3A_441, %parallel_loop3A_443 : vector<16xi32>
        %parallel_loop3A_445 = arith.constant 2 : i32
        %parallel_loop3A_446 = vector.broadcast %parallel_loop3A_445 : i32 to vector<16xi32>
        %parallel_loop3A_447 = arith.addi %parallel_loop3A_441, %parallel_loop3A_446 : vector<16xi32>
        %parallel_loop3A_448 = arith.constant 1.000000e+00 : f32
        %parallel_loop3A_449 = vector.broadcast %parallel_loop3A_448 : f32 to vector<16xf32>
        %parallel_loop3A_450 = arith.subf %parallel_loop3A_449, %parallel_loop3A_429 : vector<16xf32>
        %parallel_loop3A_451 = arith.constant 1.000000e+00 : f32
        %parallel_loop3A_452 = vector.broadcast %parallel_loop3A_451 : f32 to vector<16xf32>
        %parallel_loop3A_453 = arith.subf %parallel_loop3A_452, %parallel_loop3A_431 : vector<16xf32>
        %parallel_loop3A_454 = arith.constant 1.000000e+00 : f32
        %parallel_loop3A_455 = vector.broadcast %parallel_loop3A_454 : f32 to vector<16xf32>
        %parallel_loop3A_456 = arith.subf %parallel_loop3A_455, %parallel_loop3A_433 : vector<16xf32>
        %parallel_loop3A_457 = arith.mulf %parallel_loop3A_453, %parallel_loop3A_456 : vector<16xf32>
        %parallel_loop3A_458 = arith.mulf %parallel_loop3A_431, %parallel_loop3A_456 : vector<16xf32>
        %parallel_loop3A_459 = arith.mulf %parallel_loop3A_453, %parallel_loop3A_433 : vector<16xf32>
        %parallel_loop3A_460 = arith.mulf %parallel_loop3A_431, %parallel_loop3A_433 : vector<16xf32>
        %parallel_loop3A_461 = tpu.pack_subelements %parallel_loop3A_450, %parallel_loop3A_429 {pack_format = #tpu.pack_format<interleaved>, positions = array<i32: 0, 1>} : vector<16xf32>, vector<16xf32> -> vector<32xbf16>
        %parallel_loop3A_462 = tpu.pack_subelements %parallel_loop3A_457, %parallel_loop3A_457 {pack_format = #tpu.pack_format<interleaved>, positions = array<i32: 0, 1>} : vector<16xf32>, vector<16xf32> -> vector<32xbf16>
        %parallel_loop3A_463 = arith.mulf %parallel_loop3A_461, %parallel_loop3A_462 : vector<32xbf16>
        %parallel_loop3A_464 = tpu.pack_subelements %parallel_loop3A_458, %parallel_loop3A_458 {pack_format = #tpu.pack_format<interleaved>, positions = array<i32: 0, 1>} : vector<16xf32>, vector<16xf32> -> vector<32xbf16>
        %parallel_loop3A_465 = arith.mulf %parallel_loop3A_461, %parallel_loop3A_464 : vector<32xbf16>
        %parallel_loop3A_466 = tpu.pack_subelements %parallel_loop3A_459, %parallel_loop3A_459 {pack_format = #tpu.pack_format<interleaved>, positions = array<i32: 0, 1>} : vector<16xf32>, vector<16xf32> -> vector<32xbf16>
        %parallel_loop3A_467 = arith.mulf %parallel_loop3A_461, %parallel_loop3A_466 : vector<32xbf16>
        %parallel_loop3A_468 = tpu.pack_subelements %parallel_loop3A_460, %parallel_loop3A_460 {pack_format = #tpu.pack_format<interleaved>, positions = array<i32: 0, 1>} : vector<16xf32>, vector<16xf32> -> vector<32xbf16>
        %parallel_loop3A_469 = arith.mulf %parallel_loop3A_461, %parallel_loop3A_468 : vector<32xbf16>
        %parallel_loop3A_470 = arith.constant 0 : i32
        %parallel_loop3A_471 = tpu.memref_slice %arg5[%parallel_loop3A_470] : memref<107832xi32, #tpu.memory_space<vmem>> -> memref<107832xi32, #tpu.memory_space<vmem>>
        %parallel_loop3A_472 = tpu.vector_load_idx %parallel_loop3A_471[%parallel_loop3A_441] : memref<107832xi32, #tpu.memory_space<vmem>>[vector<16xi32>], vector<16xi32>,
        %parallel_loop3A_473 = vector.bitcast %parallel_loop3A_472 : vector<16xi32> to vector<32xbf16>
        %parallel_loop3A_474 = arith.mulf %parallel_loop3A_463, %parallel_loop3A_473 : vector<32xbf16>
        %parallel_loop3A_475 = arith.constant 32 : i32
        %parallel_loop3A_476 = tpu.memref_slice %arg5[%parallel_loop3A_475] : memref<107832xi32, #tpu.memory_space<vmem>> -> memref<107800xi32, #tpu.memory_space<vmem>>
        %parallel_loop3A_477 = tpu.vector_load_idx %parallel_loop3A_476[%parallel_loop3A_444] : memref<107800xi32, #tpu.memory_space<vmem>>[vector<16xi32>], vector<16xi32>,
        %parallel_loop3A_478 = vector.bitcast %parallel_loop3A_477 : vector<16xi32> to vector<32xbf16>
        %parallel_loop3A_479 = arith.mulf %parallel_loop3A_465, %parallel_loop3A_478 : vector<32xbf16>
        %parallel_loop3A_480 = arith.addf %parallel_loop3A_474, %parallel_loop3A_479 : vector<32xbf16>
        %parallel_loop3A_481 = arith.constant 1088 : i32
        %parallel_loop3A_482 = tpu.memref_slice %arg5[%parallel_loop3A_481] : memref<107832xi32, #tpu.memory_space<vmem>> -> memref<106744xi32, #tpu.memory_space<vmem>>
        %parallel_loop3A_483 = tpu.vector_load_idx %parallel_loop3A_482[%parallel_loop3A_444] : memref<106744xi32, #tpu.memory_space<vmem>>[vector<16xi32>], vector<16xi32>,
        %parallel_loop3A_484 = vector.bitcast %parallel_loop3A_483 : vector<16xi32> to vector<32xbf16>
        %parallel_loop3A_485 = arith.mulf %parallel_loop3A_467, %parallel_loop3A_484 : vector<32xbf16>
        %parallel_loop3A_486 = arith.constant 1120 : i32
        %parallel_loop3A_487 = tpu.memref_slice %arg5[%parallel_loop3A_486] : memref<107832xi32, #tpu.memory_space<vmem>> -> memref<106712xi32, #tpu.memory_space<vmem>>
        %parallel_loop3A_488 = tpu.vector_load_idx %parallel_loop3A_487[%parallel_loop3A_447] : memref<106712xi32, #tpu.memory_space<vmem>>[vector<16xi32>], vector<16xi32>,
        %parallel_loop3A_489 = vector.bitcast %parallel_loop3A_488 : vector<16xi32> to vector<32xbf16>
        %parallel_loop3A_490 = arith.mulf %parallel_loop3A_469, %parallel_loop3A_489 : vector<32xbf16>
        %parallel_loop3A_491 = arith.addf %parallel_loop3A_485, %parallel_loop3A_490 : vector<32xbf16>
        %parallel_loop3A_492 = arith.addf %parallel_loop3A_480, %parallel_loop3A_491 : vector<32xbf16>
        %parallel_loop3A_493 = vector.bitcast %parallel_loop3A_492 : vector<32xbf16> to vector<16xi32>
        %parallel_loop3A_494 = arith.constant 16 : i32
        %parallel_loop3A_495 = vector.broadcast %parallel_loop3A_494 : i32 to vector<16xi32>
        %parallel_loop3A_496 = arith.shli %parallel_loop3A_493, %parallel_loop3A_495 : vector<16xi32>
        %parallel_loop3A_497 = vector.bitcast %parallel_loop3A_496 : vector<16xi32> to vector<16xf32>
        %parallel_loop3A_498 = vector.bitcast %parallel_loop3A_493 : vector<16xi32> to vector<16xf32>
        %parallel_loop3A_499 = arith.addf %parallel_loop3A_497, %parallel_loop3A_498 : vector<16xf32>
        %parallel_loop3A_500 = arith.constant 35944 : i32
        %parallel_loop3A_501 = tpu.memref_slice %arg5[%parallel_loop3A_500] : memref<107832xi32, #tpu.memory_space<vmem>> -> memref<71888xi32, #tpu.memory_space<vmem>>
        %parallel_loop3A_502 = tpu.vector_load_idx %parallel_loop3A_501[%parallel_loop3A_441] : memref<71888xi32, #tpu.memory_space<vmem>>[vector<16xi32>], vector<16xi32>,
        %parallel_loop3A_503 = vector.bitcast %parallel_loop3A_502 : vector<16xi32> to vector<32xbf16>
        %parallel_loop3A_504 = arith.mulf %parallel_loop3A_463, %parallel_loop3A_503 : vector<32xbf16>
        %parallel_loop3A_505 = arith.constant 35976 : i32
        %parallel_loop3A_506 = tpu.memref_slice %arg5[%parallel_loop3A_505] : memref<107832xi32, #tpu.memory_space<vmem>> -> memref<71856xi32, #tpu.memory_space<vmem>>
        %parallel_loop3A_507 = tpu.vector_load_idx %parallel_loop3A_506[%parallel_loop3A_444] : memref<71856xi32, #tpu.memory_space<vmem>>[vector<16xi32>], vector<16xi32>,
        %parallel_loop3A_508 = vector.bitcast %parallel_loop3A_507 : vector<16xi32> to vector<32xbf16>
        %parallel_loop3A_509 = arith.mulf %parallel_loop3A_465, %parallel_loop3A_508 : vector<32xbf16>
        %parallel_loop3A_510 = arith.addf %parallel_loop3A_504, %parallel_loop3A_509 : vector<32xbf16>
        %parallel_loop3A_511 = arith.constant 37032 : i32
        %parallel_loop3A_512 = tpu.memref_slice %arg5[%parallel_loop3A_511] : memref<107832xi32, #tpu.memory_space<vmem>> -> memref<70800xi32, #tpu.memory_space<vmem>>
        %parallel_loop3A_513 = tpu.vector_load_idx %parallel_loop3A_512[%parallel_loop3A_444] : memref<70800xi32, #tpu.memory_space<vmem>>[vector<16xi32>], vector<16xi32>,
        %parallel_loop3A_514 = vector.bitcast %parallel_loop3A_513 : vector<16xi32> to vector<32xbf16>
        %parallel_loop3A_515 = arith.mulf %parallel_loop3A_467, %parallel_loop3A_514 : vector<32xbf16>
        %parallel_loop3A_516 = arith.constant 37064 : i32
        %parallel_loop3A_517 = tpu.memref_slice %arg5[%parallel_loop3A_516] : memref<107832xi32, #tpu.memory_space<vmem>> -> memref<70768xi32, #tpu.memory_space<vmem>>
        %parallel_loop3A_518 = tpu.vector_load_idx %parallel_loop3A_517[%parallel_loop3A_447] : memref<70768xi32, #tpu.memory_space<vmem>>[vector<16xi32>], vector<16xi32>,
        %parallel_loop3A_519 = vector.bitcast %parallel_loop3A_518 : vector<16xi32> to vector<32xbf16>
        %parallel_loop3A_520 = arith.mulf %parallel_loop3A_469, %parallel_loop3A_519 : vector<32xbf16>
        %parallel_loop3A_521 = arith.addf %parallel_loop3A_515, %parallel_loop3A_520 : vector<32xbf16>
        %parallel_loop3A_522 = arith.addf %parallel_loop3A_510, %parallel_loop3A_521 : vector<32xbf16>
        %parallel_loop3A_523 = vector.bitcast %parallel_loop3A_522 : vector<32xbf16> to vector<16xi32>
        %parallel_loop3A_524 = arith.constant 16 : i32
        %parallel_loop3A_525 = vector.broadcast %parallel_loop3A_524 : i32 to vector<16xi32>
        %parallel_loop3A_526 = arith.shli %parallel_loop3A_523, %parallel_loop3A_525 : vector<16xi32>
        %parallel_loop3A_527 = vector.bitcast %parallel_loop3A_526 : vector<16xi32> to vector<16xf32>
        %parallel_loop3A_528 = vector.bitcast %parallel_loop3A_523 : vector<16xi32> to vector<16xf32>
        %parallel_loop3A_529 = arith.addf %parallel_loop3A_527, %parallel_loop3A_528 : vector<16xf32>
        %parallel_loop3A_530 = arith.constant 71888 : i32
        %parallel_loop3A_531 = tpu.memref_slice %arg5[%parallel_loop3A_530] : memref<107832xi32, #tpu.memory_space<vmem>> -> memref<35944xi32, #tpu.memory_space<vmem>>
        %parallel_loop3A_532 = tpu.vector_load_idx %parallel_loop3A_531[%parallel_loop3A_441] : memref<35944xi32, #tpu.memory_space<vmem>>[vector<16xi32>], vector<16xi32>,
        %parallel_loop3A_533 = vector.bitcast %parallel_loop3A_532 : vector<16xi32> to vector<32xbf16>
        %parallel_loop3A_534 = arith.mulf %parallel_loop3A_463, %parallel_loop3A_533 : vector<32xbf16>
        %parallel_loop3A_535 = arith.constant 71920 : i32
        %parallel_loop3A_536 = tpu.memref_slice %arg5[%parallel_loop3A_535] : memref<107832xi32, #tpu.memory_space<vmem>> -> memref<35912xi32, #tpu.memory_space<vmem>>
        %parallel_loop3A_537 = tpu.vector_load_idx %parallel_loop3A_536[%parallel_loop3A_444] : memref<35912xi32, #tpu.memory_space<vmem>>[vector<16xi32>], vector<16xi32>,
        %parallel_loop3A_538 = vector.bitcast %parallel_loop3A_537 : vector<16xi32> to vector<32xbf16>
        %parallel_loop3A_539 = arith.mulf %parallel_loop3A_465, %parallel_loop3A_538 : vector<32xbf16>
        %parallel_loop3A_540 = arith.addf %parallel_loop3A_534, %parallel_loop3A_539 : vector<32xbf16>
        %parallel_loop3A_541 = arith.constant 72976 : i32
        %parallel_loop3A_542 = tpu.memref_slice %arg5[%parallel_loop3A_541] : memref<107832xi32, #tpu.memory_space<vmem>> -> memref<34856xi32, #tpu.memory_space<vmem>>
        %parallel_loop3A_543 = tpu.vector_load_idx %parallel_loop3A_542[%parallel_loop3A_444] : memref<34856xi32, #tpu.memory_space<vmem>>[vector<16xi32>], vector<16xi32>,
        %parallel_loop3A_544 = vector.bitcast %parallel_loop3A_543 : vector<16xi32> to vector<32xbf16>
        %parallel_loop3A_545 = arith.mulf %parallel_loop3A_467, %parallel_loop3A_544 : vector<32xbf16>
        %parallel_loop3A_546 = arith.constant 73008 : i32
        %parallel_loop3A_547 = tpu.memref_slice %arg5[%parallel_loop3A_546] : memref<107832xi32, #tpu.memory_space<vmem>> -> memref<34824xi32, #tpu.memory_space<vmem>>
        %parallel_loop3A_548 = tpu.vector_load_idx %parallel_loop3A_547[%parallel_loop3A_447] : memref<34824xi32, #tpu.memory_space<vmem>>[vector<16xi32>], vector<16xi32>,
        %parallel_loop3A_549 = vector.bitcast %parallel_loop3A_548 : vector<16xi32> to vector<32xbf16>
        %parallel_loop3A_550 = arith.mulf %parallel_loop3A_469, %parallel_loop3A_549 : vector<32xbf16>
        %parallel_loop3A_551 = arith.addf %parallel_loop3A_545, %parallel_loop3A_550 : vector<32xbf16>
        %parallel_loop3A_552 = arith.addf %parallel_loop3A_540, %parallel_loop3A_551 : vector<32xbf16>
        %parallel_loop3A_553 = vector.bitcast %parallel_loop3A_552 : vector<32xbf16> to vector<16xi32>
        %parallel_loop3A_554 = arith.constant 16 : i32
        %parallel_loop3A_555 = vector.broadcast %parallel_loop3A_554 : i32 to vector<16xi32>
        %parallel_loop3A_556 = arith.shli %parallel_loop3A_553, %parallel_loop3A_555 : vector<16xi32>
        %parallel_loop3A_557 = vector.bitcast %parallel_loop3A_556 : vector<16xi32> to vector<16xf32>
        %parallel_loop3A_558 = vector.bitcast %parallel_loop3A_553 : vector<16xi32> to vector<16xf32>
        %parallel_loop3A_559 = arith.addf %parallel_loop3A_557, %parallel_loop3A_558 : vector<16xf32>
        %parallel_loop3A_560 = arith.constant 1 : i32
        %parallel_loop3A_561 = arith.index_cast %parallel_loop3A_560 : i32 to index
        %parallel_loop3A_562 = arith.index_cast %parallel_loop3A_235 : i32 to index
        %parallel_loop3A_563 = tpu.vector_load %arg15[%parallel_loop3A_561, %parallel_loop3A_562] {strides = array<i32>} : memref<2x512xf32, #tpu.memory_space<vmem>>, vector<16xf32>,
        tpu.vector_store %arg15[%parallel_loop3A_561, %parallel_loop3A_562], %parallel_loop3A_499 {strides = array<i32>} : memref<2x512xf32, #tpu.memory_space<vmem>>, vector<16xf32>,
        %parallel_loop3A_564 = arith.constant 1 : i32
        %parallel_loop3A_565 = arith.index_cast %parallel_loop3A_564 : i32 to index
        %parallel_loop3A_566 = arith.index_cast %parallel_loop3A_235 : i32 to index
        %parallel_loop3A_567 = tpu.vector_load %arg16[%parallel_loop3A_565, %parallel_loop3A_566] {strides = array<i32>} : memref<2x512xf32, #tpu.memory_space<vmem>>, vector<16xf32>,
        tpu.vector_store %arg16[%parallel_loop3A_565, %parallel_loop3A_566], %parallel_loop3A_529 {strides = array<i32>} : memref<2x512xf32, #tpu.memory_space<vmem>>, vector<16xf32>,
        %parallel_loop3A_568 = arith.constant 1 : i32
        %parallel_loop3A_569 = arith.index_cast %parallel_loop3A_568 : i32 to index
        %parallel_loop3A_570 = arith.index_cast %parallel_loop3A_235 : i32 to index
        %parallel_loop3A_571 = tpu.vector_load %arg17[%parallel_loop3A_569, %parallel_loop3A_570] {strides = array<i32>} : memref<2x512xf32, #tpu.memory_space<vmem>>, vector<16xf32>,
        tpu.vector_store %arg17[%parallel_loop3A_569, %parallel_loop3A_570], %parallel_loop3A_559 {strides = array<i32>} : memref<2x512xf32, #tpu.memory_space<vmem>>, vector<16xf32>,
      } {sc.loop_unroll_factor = 2 : i64, sc.parallel_access}
      %mul3A_211 = arith.constant 2 : i32
      %mul3A_212 = arith.muli %add3A_171, %mul3A_211 : i32
      %add3A_213 = arith.addi %mul3A_32, %mul3A_212 : i32
      %dma_start3A_214 = arith.constant 0 : i32
      %dma_start3A_215 = arith.constant 0 : i32
      %dma_start3A_216 = tpu.memref_slice %arg4[%select_n3A, %dma_start3A_214, %add3A_213, %dma_start3A_215] : memref<8x3x512x512xf32, #tpu.memory_space<hbm>> -> memref<1x1x2x512xf32, #tpu.memory_space<hbm>>
      %dma_start3A_217 = tpu.memref_squeeze %dma_start3A_216 : memref<1x1x2x512xf32, #tpu.memory_space<hbm>> -> memref<2x512xf32, #tpu.memory_space<hbm>>
      %dma_start3A_218 = arith.constant 0 : i32
      %dma_start3A_219 = tpu.memref_slice %arg4[%select_n3A, %dma_start3A_214, %add3A_213, %dma_start3A_218] : memref<8x3x512x512xf32, #tpu.memory_space<hbm>> -> memref<1x1x2x512xf32, #tpu.memory_space<hbm>>
      %dma_start3A_220 = tpu.memref_squeeze %dma_start3A_219 : memref<1x1x2x512xf32, #tpu.memory_space<hbm>> -> memref<2x512xf32, #tpu.memory_space<hbm>>
      tpu.enqueue_dma source(%arg15 : memref<2x512xf32, #tpu.memory_space<vmem>>) target(%dma_start3A_220 : memref<2x512xf32, #tpu.memory_space<hbm>>) target_semaphore(%arg21 : memref<!tpu.dma_semaphore, #tpu.memory_space<semaphore_mem>>)
      %dma_start3A_221 = arith.constant 1 : i32
      %dma_start3A_222 = arith.constant 0 : i32
      %dma_start3A_223 = tpu.memref_slice %arg4[%select_n3A, %dma_start3A_221, %add3A_213, %dma_start3A_222] : memref<8x3x512x512xf32, #tpu.memory_space<hbm>> -> memref<1x1x2x512xf32, #tpu.memory_space<hbm>>
      %dma_start3A_224 = tpu.memref_squeeze %dma_start3A_223 : memref<1x1x2x512xf32, #tpu.memory_space<hbm>> -> memref<2x512xf32, #tpu.memory_space<hbm>>
      %dma_start3A_225 = arith.constant 0 : i32
      %dma_start3A_226 = tpu.memref_slice %arg4[%select_n3A, %dma_start3A_221, %add3A_213, %dma_start3A_225] : memref<8x3x512x512xf32, #tpu.memory_space<hbm>> -> memref<1x1x2x512xf32, #tpu.memory_space<hbm>>
      %dma_start3A_227 = tpu.memref_squeeze %dma_start3A_226 : memref<1x1x2x512xf32, #tpu.memory_space<hbm>> -> memref<2x512xf32, #tpu.memory_space<hbm>>
      tpu.enqueue_dma source(%arg16 : memref<2x512xf32, #tpu.memory_space<vmem>>) target(%dma_start3A_227 : memref<2x512xf32, #tpu.memory_space<hbm>>) target_semaphore(%arg21 : memref<!tpu.dma_semaphore, #tpu.memory_space<semaphore_mem>>)
      %dma_start3A_228 = arith.constant 2 : i32
      %dma_start3A_229 = arith.constant 0 : i32
      %dma_start3A_230 = tpu.memref_slice %arg4[%select_n3A, %dma_start3A_228, %add3A_213, %dma_start3A_229] : memref<8x3x512x512xf32, #tpu.memory_space<hbm>> -> memref<1x1x2x512xf32, #tpu.memory_space<hbm>>
      %dma_start3A_231 = tpu.memref_squeeze %dma_start3A_230 : memref<1x1x2x512xf32, #tpu.memory_space<hbm>> -> memref<2x512xf32, #tpu.memory_space<hbm>>
      %dma_start3A_232 = arith.constant 0 : i32
      %dma_start3A_233 = tpu.memref_slice %arg4[%select_n3A, %dma_start3A_228, %add3A_213, %dma_start3A_232] : memref<8x3x512x512xf32, #tpu.memory_space<hbm>> -> memref<1x1x2x512xf32, #tpu.memory_space<hbm>>
      %dma_start3A_234 = tpu.memref_squeeze %dma_start3A_233 : memref<1x1x2x512xf32, #tpu.memory_space<hbm>> -> memref<2x512xf32, #tpu.memory_space<hbm>>
      tpu.enqueue_dma source(%arg17 : memref<2x512xf32, #tpu.memory_space<vmem>>) target(%dma_start3A_234 : memref<2x512xf32, #tpu.memory_space<hbm>>) target_semaphore(%arg21 : memref<!tpu.dma_semaphore, #tpu.memory_space<semaphore_mem>>)
    }
    %scan3A_58 = arith.constant 32 : i32
    %add3A_59 = arith.constant 124 : i32
    %add3A_60 = arith.addi %mul3A_32, %add3A_59 : i32
    %dma_wait3A = arith.constant 0 : i32
    %dma_wait3A_61 = arith.constant 0 : i32
    %dma_wait3A_62 = tpu.memref_slice %arg4[%select_n3A, %dma_wait3A, %add3A_60, %dma_wait3A_61] : memref<8x3x512x512xf32, #tpu.memory_space<hbm>> -> memref<1x1x2x512xf32, #tpu.memory_space<hbm>>
    %dma_wait3A_63 = tpu.memref_squeeze %dma_wait3A_62 : memref<1x1x2x512xf32, #tpu.memory_space<hbm>> -> memref<2x512xf32, #tpu.memory_space<hbm>>
    %dma_wait3A_64 = arith.constant 0 : i32
    %dma_wait3A_65 = tpu.memref_slice %arg4[%select_n3A, %dma_wait3A, %add3A_60, %dma_wait3A_64] : memref<8x3x512x512xf32, #tpu.memory_space<hbm>> -> memref<1x1x2x512xf32, #tpu.memory_space<hbm>>
    %dma_wait3A_66 = tpu.memref_squeeze %dma_wait3A_65 : memref<1x1x2x512xf32, #tpu.memory_space<hbm>> -> memref<2x512xf32, #tpu.memory_space<hbm>>
    tpu.wait_dma2 semaphore(%arg20 : memref<!tpu.dma_semaphore, #tpu.memory_space<semaphore_mem>>) src(%arg12 : memref<2x512xf32, #tpu.memory_space<vmem>>) dst(%dma_wait3A_66 : memref<2x512xf32, #tpu.memory_space<hbm>>)
    %dma_wait3A_67 = arith.constant 1 : i32
    %dma_wait3A_68 = arith.constant 0 : i32
    %dma_wait3A_69 = tpu.memref_slice %arg4[%select_n3A, %dma_wait3A_67, %add3A_60, %dma_wait3A_68] : memref<8x3x512x512xf32, #tpu.memory_space<hbm>> -> memref<1x1x2x512xf32, #tpu.memory_space<hbm>>
    %dma_wait3A_70 = tpu.memref_squeeze %dma_wait3A_69 : memref<1x1x2x512xf32, #tpu.memory_space<hbm>> -> memref<2x512xf32, #tpu.memory_space<hbm>>
    %dma_wait3A_71 = arith.constant 0 : i32
    %dma_wait3A_72 = tpu.memref_slice %arg4[%select_n3A, %dma_wait3A_67, %add3A_60, %dma_wait3A_71] : memref<8x3x512x512xf32, #tpu.memory_space<hbm>> -> memref<1x1x2x512xf32, #tpu.memory_space<hbm>>
    %dma_wait3A_73 = tpu.memref_squeeze %dma_wait3A_72 : memref<1x1x2x512xf32, #tpu.memory_space<hbm>> -> memref<2x512xf32, #tpu.memory_space<hbm>>
    tpu.wait_dma2 semaphore(%arg20 : memref<!tpu.dma_semaphore, #tpu.memory_space<semaphore_mem>>) src(%arg13 : memref<2x512xf32, #tpu.memory_space<vmem>>) dst(%dma_wait3A_73 : memref<2x512xf32, #tpu.memory_space<hbm>>)
    %dma_wait3A_74 = arith.constant 2 : i32
    %dma_wait3A_75 = arith.constant 0 : i32
    %dma_wait3A_76 = tpu.memref_slice %arg4[%select_n3A, %dma_wait3A_74, %add3A_60, %dma_wait3A_75] : memref<8x3x512x512xf32, #tpu.memory_space<hbm>> -> memref<1x1x2x512xf32, #tpu.memory_space<hbm>>
    %dma_wait3A_77 = tpu.memref_squeeze %dma_wait3A_76 : memref<1x1x2x512xf32, #tpu.memory_space<hbm>> -> memref<2x512xf32, #tpu.memory_space<hbm>>
    %dma_wait3A_78 = arith.constant 0 : i32
    %dma_wait3A_79 = tpu.memref_slice %arg4[%select_n3A, %dma_wait3A_74, %add3A_60, %dma_wait3A_78] : memref<8x3x512x512xf32, #tpu.memory_space<hbm>> -> memref<1x1x2x512xf32, #tpu.memory_space<hbm>>
    %dma_wait3A_80 = tpu.memref_squeeze %dma_wait3A_79 : memref<1x1x2x512xf32, #tpu.memory_space<hbm>> -> memref<2x512xf32, #tpu.memory_space<hbm>>
    tpu.wait_dma2 semaphore(%arg20 : memref<!tpu.dma_semaphore, #tpu.memory_space<semaphore_mem>>) src(%arg14 : memref<2x512xf32, #tpu.memory_space<vmem>>) dst(%dma_wait3A_80 : memref<2x512xf32, #tpu.memory_space<hbm>>)
    %add3A_81 = arith.constant 126 : i32
    %add3A_82 = arith.addi %mul3A_32, %add3A_81 : i32
    %dma_wait3A_83 = arith.constant 0 : i32
    %dma_wait3A_84 = arith.constant 0 : i32
    %dma_wait3A_85 = tpu.memref_slice %arg4[%select_n3A, %dma_wait3A_83, %add3A_82, %dma_wait3A_84] : memref<8x3x512x512xf32, #tpu.memory_space<hbm>> -> memref<1x1x2x512xf32, #tpu.memory_space<hbm>>
    %dma_wait3A_86 = tpu.memref_squeeze %dma_wait3A_85 : memref<1x1x2x512xf32, #tpu.memory_space<hbm>> -> memref<2x512xf32, #tpu.memory_space<hbm>>
    %dma_wait3A_87 = arith.constant 0 : i32
    %dma_wait3A_88 = tpu.memref_slice %arg4[%select_n3A, %dma_wait3A_83, %add3A_82, %dma_wait3A_87] : memref<8x3x512x512xf32, #tpu.memory_space<hbm>> -> memref<1x1x2x512xf32, #tpu.memory_space<hbm>>
    %dma_wait3A_89 = tpu.memref_squeeze %dma_wait3A_88 : memref<1x1x2x512xf32, #tpu.memory_space<hbm>> -> memref<2x512xf32, #tpu.memory_space<hbm>>
    tpu.wait_dma2 semaphore(%arg21 : memref<!tpu.dma_semaphore, #tpu.memory_space<semaphore_mem>>) src(%arg15 : memref<2x512xf32, #tpu.memory_space<vmem>>) dst(%dma_wait3A_89 : memref<2x512xf32, #tpu.memory_space<hbm>>)
    %dma_wait3A_90 = arith.constant 1 : i32
    %dma_wait3A_91 = arith.constant 0 : i32
    %dma_wait3A_92 = tpu.memref_slice %arg4[%select_n3A, %dma_wait3A_90, %add3A_82, %dma_wait3A_91] : memref<8x3x512x512xf32, #tpu.memory_space<hbm>> -> memref<1x1x2x512xf32, #tpu.memory_space<hbm>>
    %dma_wait3A_93 = tpu.memref_squeeze %dma_wait3A_92 : memref<1x1x2x512xf32, #tpu.memory_space<hbm>> -> memref<2x512xf32, #tpu.memory_space<hbm>>
    %dma_wait3A_94 = arith.constant 0 : i32
    %dma_wait3A_95 = tpu.memref_slice %arg4[%select_n3A, %dma_wait3A_90, %add3A_82, %dma_wait3A_94] : memref<8x3x512x512xf32, #tpu.memory_space<hbm>> -> memref<1x1x2x512xf32, #tpu.memory_space<hbm>>
    %dma_wait3A_96 = tpu.memref_squeeze %dma_wait3A_95 : memref<1x1x2x512xf32, #tpu.memory_space<hbm>> -> memref<2x512xf32, #tpu.memory_space<hbm>>
    tpu.wait_dma2 semaphore(%arg21 : memref<!tpu.dma_semaphore, #tpu.memory_space<semaphore_mem>>) src(%arg16 : memref<2x512xf32, #tpu.memory_space<vmem>>) dst(%dma_wait3A_96 : memref<2x512xf32, #tpu.memory_space<hbm>>)
    %dma_wait3A_97 = arith.constant 2 : i32
    %dma_wait3A_98 = arith.constant 0 : i32
    %dma_wait3A_99 = tpu.memref_slice %arg4[%select_n3A, %dma_wait3A_97, %add3A_82, %dma_wait3A_98] : memref<8x3x512x512xf32, #tpu.memory_space<hbm>> -> memref<1x1x2x512xf32, #tpu.memory_space<hbm>>
    %dma_wait3A_100 = tpu.memref_squeeze %dma_wait3A_99 : memref<1x1x2x512xf32, #tpu.memory_space<hbm>> -> memref<2x512xf32, #tpu.memory_space<hbm>>
    %dma_wait3A_101 = arith.constant 0 : i32
    %dma_wait3A_102 = tpu.memref_slice %arg4[%select_n3A, %dma_wait3A_97, %add3A_82, %dma_wait3A_101] : memref<8x3x512x512xf32, #tpu.memory_space<hbm>> -> memref<1x1x2x512xf32, #tpu.memory_space<hbm>>
    %dma_wait3A_103 = tpu.memref_squeeze %dma_wait3A_102 : memref<1x1x2x512xf32, #tpu.memory_space<hbm>> -> memref<2x512xf32, #tpu.memory_space<hbm>>
    tpu.wait_dma2 semaphore(%arg21 : memref<!tpu.dma_semaphore, #tpu.memory_space<semaphore_mem>>) src(%arg17 : memref<2x512xf32, #tpu.memory_space<vmem>>) dst(%dma_wait3A_103 : memref<2x512xf32, #tpu.memory_space<hbm>>)
    return
  }
}

</mosaic_0001>

<sc_bundles>
// kernel: kernel.3.cloned.1.call-start
scs
__scs_entry_jumppad:
0x0: {  	(pc) =	sbr.rel $0x88, $3  }
0x1: {  	(tag) =	ssettag $0x0;
	lr =	simm.s32 $0x1  }
0x2: {  	[smem:$0x3F9F] =	sst lr;
	_ =	strace $0xD0000000  }
0x3: {  	_ = 	snop  }
0x4: {  	_ = 	snop  }
0x5: {  	_ = 	snop  }
0x6: {  	_ = 	snop  }
0x7: {  	_ = 	snop  }
__scs_overlays_trampoline_lowered:
0x8: {  	[smem:$0x3FAE] =	sst s0  }
0x9: {  	[smem:$0x3FAF] =	sst s1  }
0xa: {  	[smem:$0x3FB0] =	sst s2  }
0xb: {  	[smem:$0x3FB1] =	sst s3  }
0xc: {  	[smem:$0x3FB2] =	sst s4  }
0xd: {  	[smem:$0x3FB3] =	sst s5  }
0xe: {  	[smem:$0x3FB4] =	sst s6  }
0xf: {  	[smem:$0x3FB5] =	sst s7  }
0x10: {  	[smem:$0x3FB6] =	sst s8  }
0x11: {  	[smem:$0x3FB7] =	sst s9;
	s0 =	simm.s32 @!p0 $0x0  }
0x12: {  	s1 =	sld [smem:$0x3F9D];
	s0 =	simm.s32 @p0 $0x1  }
0x13: {  	[smem:$0x3FB8] =	sst s0;
	s0 =	simm.s32 @!p1 $0x0  }
0x14: {  	s2 =	sld [smem:$0x3F9C];
	s0 =	simm.s32 @p1 $0x1  }
0x15: {  	[smem:$0x3FB9] =	sst s0;
	s0 =	simm.s32 @!p2 $0x0  }
0x16: {  	s3 =	sld [smem:$0x3FDB];
	s0 =	simm.s32 @p2 $0x1  }
0x17: {  	s4 =	simm.s32 $0x1BF5;
	[smem:$0x3FBB] =	sst s0  }
0x18: {  	s0 =	sld [smem:$0x3F9E];
	_ =	swait.ge [sflag:s4], $0x0  }
0x19: {  	s7 =	sld [smem:$0x3F9F]  }
0x1a: {  	s8 =	sadd.s32 $0xFFFFE003, lr  }
0x1b: {  	s9 =	sadd.s32 $0xFFFFFEF7, lr;
	s5 =	simm.s32 $0xFFFFFFFF;
	p2 =	slt.u32 s8, $0xFFFFF086  }
0x1c: {  	p1 =	slt.u32 s9, $0xF7A;
	s5 =	simm.s32 @!p2 $0x0  }
0x1d: {  	s5 =	simm.s32 @p1 $0x1;
	p0 =	seq.s32 s7, s2  }
0x1e: {  	s7 =	smul.u32 @!p0 $0xF7A, s2;
	p2 =	seq.s32 @!p0 s5, $0x0  }
0x1f: {  	s9 =	smul.u32 $0xF7A, s1;
	s8 =	simm.s32 @!p0 $0x1BF5;
	p2 =	por !p2, p0  }
0x20: {  	[sflag:s8] =	ssyncset.s32 @!p0 $0xFFFFF086;
	s6 =	sadd.s32 @!p0 s3, s7;
	s7 =	simm.s32 @!p0 $0x108  }
0x21: {  	s3 =	sadd.s32 s3, s9;
	s6 =	sadd.s32 @!p0 $0x88, s6;
	s7 =	simm.s32 @p2 $0x1082  }
0x22: {  	[simem:s7], [sflag:s8] =	dma.local @!p0 [hbm:s6], $0xF7A  }
0x23: {  	s9 =	sor.u32 $0xD0000000, s2;
	s6 =	simm.s32 $0x108;
	_ =	swait.ge @!p0 [sflag:s8], $0x0  }
0x24: {  	s3 =	sadd.s32 $0x88, s3;
	s6 =	simm.s32 @!p1 $0x1082;
	[sflag:s4] =	ssyncset.s32 $0xFFFFF086  }
0x25: {  	[simem:s6], [sflag:s4] =	dma.local [hbm:s3], $0xF7A  }
0x26: {  	[smem:$0x3F9F] =	sst s1;
	(tag) =	ssettag s2;
	_ =	strace s9  }
0x27: {  	s1 =	sld [smem:$0x3FAF]  }
0x28: {  	s2 =	sld [smem:$0x3FB0]  }
0x29: {  	s4 =	sld [smem:$0x3FB2]  }
0x2a: {  	p0 =	seq.s32 s5, $0x0;
	s5 =	sld [smem:$0x3FB3]  }
0x2b: {  	s6 =	sld [smem:$0x3FB4]  }
0x2c: {  	s7 =	sld [smem:$0x3FB5]  }
0x2d: {  	s3 =	simm.s32 $0x108;
	s8 =	sld [smem:$0x3FB6]  }
0x2e: {  	s3 =	simm.s32 @!p0 $0x1082;
	s9 =	sld [smem:$0x3FB7]  }
0x2f: {  	lr =	sadd.s32 s0, s3;
	s0 =	sld [smem:$0x3FAE]  }
0x30: {  	s3 =	sld [smem:$0x3FB1]  }
0x31: {  	[smem:$0x3FBA] =	sst s10  }
0x32: {  	s10 =	sld [smem:$0x3FB8];
	_ =	sdelay $0x3  }
0x33: {  	p0 =	seq.s32 s10, $0x1;
	s10 =	sld [smem:$0x3FBA];
	_ =	sdelay $0x3  }
0x34: {  	[smem:$0x3FBA] =	sst s10  }
0x35: {  	s10 =	sld [smem:$0x3FB9];
	_ =	sdelay $0x3  }
0x36: {  	p1 =	seq.s32 s10, $0x1;
	s10 =	sld [smem:$0x3FBA];
	_ =	sdelay $0x3  }
0x37: {  	[smem:$0x3FBA] =	sst s10  }
0x38: {  	s10 =	sld [smem:$0x3FBB]  }
0x39: {  	_ = 	snop;
	(pc) =	sbr.ind lr, $3  }
0x3a: {  	_ = 	snop  }
0x3b: {  	_ = 	snop  }
0x3c: {  	p2 =	seq.s32 s10, $0x1;
	s10 =	sld [smem:$0x3FBA]  }
0x3d: {  	_ =	shalt  }
0x3e: {  	_ =	shalt  }
0x3f: {  	_ =	shalt  }
0x40: {  	_ =	shalt  }
0x41: {  	_ =	shalt  }
0x42: {  	_ =	shalt  }
0x43: {  	_ =	shalt  }
0x44: {  	_ =	shalt  }
0x45: {  	_ =	shalt  }
0x46: {  	_ =	shalt  }
0x47: {  	_ =	shalt  }
0x48: {  	_ =	shalt  }
0x49: {  	_ =	shalt  }
0x4a: {  	_ =	shalt  }
0x4b: {  	_ =	shalt  }
0x4c: {  	_ =	shalt  }
0x4d: {  	_ =	shalt  }
0x4e: {  	_ =	shalt  }
0x4f: {  	_ =	shalt  }
0x50: {  	_ =	shalt  }
0x51: {  	_ =	shalt  }
0x52: {  	_ =	shalt  }
0x53: {  	_ =	shalt  }
0x54: {  	_ =	shalt  }
0x55: {  	_ =	shalt  }
0x56: {  	_ =	shalt  }
0x57: {  	_ =	shalt  }
0x58: {  	_ =	shalt  }
0x59: {  	_ =	shalt  }
0x5a: {  	_ =	shalt  }
0x5b: {  	_ =	shalt  }
0x5c: {  	_ =	shalt  }
0x5d: {  	_ =	shalt  }
0x5e: {  	_ =	shalt  }
0x5f: {  	_ =	shalt  }
0x60: {  	_ =	shalt  }
0x61: {  	_ =	shalt  }
0x62: {  	_ =	shalt  }
0x63: {  	_ =	shalt  }
0x64: {  	_ =	shalt  }
0x65: {  	_ =	shalt  }
0x66: {  	_ =	shalt  }
0x67: {  	_ =	shalt  }
0x68: {  	_ =	shalt  }
0x69: {  	_ =	shalt  }
0x6a: {  	_ =	shalt  }
0x6b: {  	_ =	shalt  }
0x6c: {  	_ =	shalt  }
0x6d: {  	_ =	shalt  }
0x6e: {  	_ =	shalt  }
0x6f: {  	_ =	shalt  }
0x70: {  	_ =	shalt  }
0x71: {  	_ =	shalt  }
0x72: {  	_ =	shalt  }
0x73: {  	_ =	shalt  }
0x74: {  	_ =	shalt  }
0x75: {  	_ =	shalt  }
0x76: {  	_ =	shalt  }
0x77: {  	_ =	shalt  }
0x78: {  	_ =	shalt  }
0x79: {  	_ =	shalt  }
0x7a: {  	_ =	shalt  }
0x7b: {  	_ =	shalt  }
0x7c: {  	_ =	shalt  }
0x7d: {  	_ =	shalt  }
0x7e: {  	_ =	shalt  }
0x7f: {  	_ =	shalt  }
0x80: {  	_ =	shalt  }
0x81: {  	_ =	shalt  }
0x82: {  	_ =	shalt  }
0x83: {  	_ =	shalt  }
0x84: {  	_ =	shalt  }
0x85: {  	_ =	shalt  }
0x86: {  	_ =	shalt  }
0x87: {  	_ =	shalt  }
.Lfunc_end0:
.L_simem_size_0:
called_computation_lowered:
.L_overlay_start_0:
0x88: {  	s2 =	sld [smem:$0x3FD9]  }
0x89: {  	s3 =	sld [smem:$0x3FFE];
	_ =	sdelay $0x1  }
0x8a: {  	s1 =	srdreg.scid  }
0x8b: {  	s0 =	sand.u32 $0x1, s1  }
0x8c: {  	s17 =	sshll.u32 s0, $0xA;
	s2 =	sadd.s32 s3, s2  }
0x8d: {  	s2 =	sadd.s32 s2, s17  }
0x8e: {  	[smem:$0x3FC6] =	sst s2  }
0x8f: {  	_ = 	snop  }
0x90: {  	s2 =	sld [smem:$0x3FC8]  }
0x91: {  	s18 =	sld [smem:$0x3FD0];
	(tm) =	ssettm $0x1  }
0x92: {  	s4 =	sld [smem:$0x3FFB];
	_ =	sdelay $0x3  }
0x93: {  	_ =	strace s4  }
0x94: {  	s4 =	sld [smem:$0x3FFC];
	_ =	sdelay $0x3  }
0x95: {  	_ =	strace s4  }
0x96: {  	s4 =	sld [smem:$0x3FFD];
	_ =	sdelay $0x3  }
0x97: {  	_ =	strace s4  }
0x98: {  	_ =	strace $0x8FFFFFFF  }
0x99: {  	s19 =	sld [smem:$0x3FDB];
	_ =	sdelay $0x1  }
0x9a: {  	s5 =	simm.s32 $_scs_section_size  }
0x9b: {  	s6 =	simm.s32 $_size__tile_overlayer_lowered;
	s7 =	simm.s32 $_tile_overlayer_lowered  }
0x9c: {  	s22 =	simm.s32 $0x1BFF;
	s21 =	sshll.u32 s7, $0x1;
	s4 =	sadd.s32 s5, s19  }
0x9d: {  	s8 =	simm.s32 $0x0;
	s20 =	sshll.u32 s6, $0x1;
	s6 =	sadd.s32 s21, s4  }
0x9e: {  	[timem:s8], [sflag:s22] =	dma.local [hbm:s6], s20  }
0x9f: {  	_ =	swait.ge [sflag:s22], s20  }
0xa0: {  	s5 =	ssub.s32 $0x0, s20;
	[sflag:s22] =	ssyncset.done $0x0  }
0xa1: {  	[sflag:s22] =	ssyncadd.s32 s5;
	_ =	sdelay $0x1  }
0xa2: {  	s23 =	simm.s32 $0x1B8B  }
0xa3: {  	_ =	swait.ge [sflag:s23], $0x1  }
0xa4: {  	[sflag:s23] =	ssyncset.done $0x0  }
0xa5: {  	s25 =	simm.s32 $0x1B8E;
	s24 =	sld [smem:$0x3FFE];
	[sflag:s23] =	ssyncadd.s32 $0xFFFFFFFF  }
0xa6: {  	s26 =	simm.s32 $execute0_lowered;
	[smem:$0x3FD2] =	sst s25  }
0xa7: {  	s6 =	sshll.u32 s26, $0x1;
	_ =	strace $0x80000046;
	[dreg:$0x1] =	wrdreg $0xFFFFFFFF  }
0xa8: {  	s28 =	simm.s32 $_size_execute0_lowered;
	s4 =	sadd.s32 s4, s6;
	[dreg:$0x0] =	wrdreg $0x0  }
0xa9: {  	s6 =	sshll.u32 s28, $0x1;
	[dreg:$0x2] =	wrdreg s4  }
0xaa: {  	[dreg:$0x3] =	wrdreg s6  }
0xab: {  	[dreg:$0x4] =	wrdreg $0xC0  }
0xac: {  	_ =	task [dreg:s8], $0x5FFFF  }
0xad: {  	[dreg:$0x1] =	wrdreg $0xFFFFFFFF  }
0xae: {  	[dreg:$0x0] =	wrdreg $0x60  }
0xaf: {  	[dreg:$0x2] =	wrdreg s24  }
0xb0: {  	[dreg:$0x3] =	wrdreg s2  }
0xb1: {  	[dreg:$0x4] =	wrdreg s18  }
0xb2: {  	[dreg:$0x5] =	wrdreg $0x9  }
0xb3: {  	_ =	task.clear_ibuf [dreg:s8], $0x6FFFF;
	_ =	strace $0x90000046  }
0xb4: {  	s29 =	simm.s32 $0x9;
	_ =	strace $0x80000048  }
0xb5: {  	_ =	swait.ge [sflag:s29], $0x1  }
0xb6: {  	[sflag:s29] =	ssyncadd.s32 $0xFFFFFFFF  }
0xb7: {  	_ =	strace $0x90000048  }
0xb8: {  	_ =	sfence  }
0xb9: {  	s30 =	sld [smem:$0x0];
	_ =	sdelay $0x2  }
0xba: {  	s31 =	sshll.u32 s1, $0xD;
	s1 =	sshrl.u32 s1, $0x2  }
0xbb: {  	s3 =	sand.u32 $0x4000, s31;
	s1 =	sadd.s32 s1, s30  }
0xbc: {  	s0 =	sor.u32 s3, s0;
	s1 =	sshll.u32 s1, $0x11  }
0xbd: {  	s0 =	sor.u32 s1, s0  }
0xbe: {  	s0 =	sadd.s32 $0x8F2B, s0  }
0xbf: {  	[sflag:s0] =	ssyncadd.remote.s32 $0x1  }
0xc0: {  	_ =	sfence.sel $0xFFFF  }
0xc1: {  	[dreg:$0x0] =	wrdreg $0xFFFFFFFF;
	(pc) =	sbr.abs _section_cstart, $3  }
0xc2: {  	[dreg:$0x1] =	wrdreg $0xFFFFFFFF  }
0xc3: {  	_ =	task.clear_ibuf [dreg:s8], $0x2FFFF;
	_ =	strace $0x9FFFFFFF  }
0xc4: {  	(tm) =	ssettm $0x7FFFFFFF  }
0xc5: {  	_ =	shalt  }
tec
execute0_lowered:
.L_overlay_start_1:
0x0: {  	(tag) =	ssettag $0x1  }
0x1: {  	s0 =	rddreg [dreg:$0x0]  }
0x2: {  	s1 =	rddreg [dreg:$0x1]  }
0x3: {  	s19 =	rddreg [dreg:$0x2];
	s4 =	simm.s32 $0x0;
	s3 =	srdreg.scid  }
0x4: {  	s2 =	stileid.u32;
	s14 =	simm.s32 $0x100;
	s15 =	simm.s32 $0x400  }
0x5: {  	s28 =	simm.s32 $0x8C68;
	s29 =	simm.s32 $0x8C88;
	s30 =	simm.s32 $0x90A8  }
0x6: {  	s31 =	simm.s32 $0x90C8;
	s16 =	simm.s32 $0x11D10;
	s17 =	simm.s32 $0x11D30  }
0x7: {  	s11 =	simm.s32 $0x2;
	[smem:$0x7FF] =	sst s4;
	s3 =	sand.u32 $0x1, s3  }
0x8: {  	s5 =	sshll.u32 s2, $0x1;
	s6 =	sshrl.u32 s2, $0x1;
	s0 =	sadd.s32 $0x400, s0  }
0x9: {  	_ =	strace $0x80000047;
	s7 =	ssub.s32 $0x2, s3;
	s5 =	sand.u32 $0x2, s5  }
0xa: {  	s2 =	smul.u32 $0xC0000, s6;
	s21 =	sshrl.u32 s7, $0x1;
	s3 =	sor.u32 s3, s5  }
0xb: {  	[dreg:$0x5] =	wrdreg s0;
	s0 =	ssub.s32 s7, s21;
	s22 =	sshll.u32 s3, $0x10  }
0xc: {  	s23 =	sadd.s32 $0x40000, s2;
	[dreg:$0x4] =	wrdreg s2;
	s3 =	sor.u32 s2, s22  }
0xd: {  	[dreg:$0x7] =	wrdreg s23;
	s5 =	sor.u32 s23, s22;
	s2 =	sadd.s32 $0x80000, s2  }
0xe: {  	[dreg:$0x6] =	wrdreg s22;
	s0 =	smax.u32 s0, $0x1;
	s23 =	simm.s32 $0x1  }
0xf: {  	s3 =	sshrl.u32 s3, $0x3;
	s5 =	sshrl.u32 s5, $0x3;
	[dreg:$0x8] =	wrdreg s2  }
0x10: {  	s6 =	sor.u32 s2, s22;
	[dreg:$0xc] =	wrdreg s0;
	s0 =	simm.s32 $0x118D0  }
0x11: {  	s24 =	sadd.s32 s1, s3;
	s25 =	sadd.s32 s1, s5;
	s26 =	sshrl.u32 s6, $0x3  }
0x12: {  	s3 =	simm.s32 $0x118F0;
	s5 =	simm.s32 $0x0;
	[dreg:$0x9] =	wrdreg s24  }
0x13: {  	[dreg:$0xa] =	wrdreg s25;
	s1 =	sadd.s32 s1, s26;
	s24 =	simm.s32 $0x20  }
0x14: {  	s25 =	simm.s32 $0x440;
	s26 =	simm.s32 $0x460;
	[dreg:$0xb] =	wrdreg s1  }
.LBB2_1:
0x15: {  	[dreg:$0xd] =	wrdreg s5  }
0x16: {  	s1 =	rddreg [dreg:$0x9];
	s2 =	simm.s32 $0x1A580  }
0x17: {  	[tilespmem:s2], [sflag:$0x1] =	stream.strided.gather [hbm4b:s1+s14], $0x400, s15, s14, $0x38;
	[tilespmem:$0x1D580] =	vst v63  }
0x18: {  	s12 =	rddreg [dreg:$0xa];
	s13 =	simm.s32 $0x1A980  }
0x19: {  	[tilespmem:s13], [sflag:$0x1] =	stream.strided.gather [hbm4b:s12+s14], $0x400, s15, s14, $0x38;
	[tilespmem:$0x1D580] =	vst v63  }
0x1a: {  	s18 =	rddreg [dreg:$0xb];
	s20 =	simm.s32 $0x1AD80  }
0x1b: {  	[tilespmem:s20], [sflag:$0x1] =	stream.strided.gather [hbm4b:s18+s14], $0x400, s15, s14, $0x38;
	[tilespmem:$0x1D580] =	vst v63  }
0x1c: {  	s21 =	rddreg [dreg:$0x5];
	s22 =	simm.s32 $0x5  }
0x1d: {  	[tilespmem:s4], [sflag:$0x5] =	stream.linear.gather [hbm4b:s21+s4], $0x1A580, $0x38;
	[tilespmem:$0x1D580] =	vst v63  }
0x1e: {  	_ =	swait.ge [sflag:s22], $0x1A580  }
0x1f: {  	[sflag:s22] =	ssyncset.done $0x0  }
0x20: {  	s20 =	simm.s32 $0x0;
	[sflag:s22] =	ssyncadd.s32 $0xFFFE5A80  }
.LBB2_2:
0x21: {  	s1 =	smov.u32 s19;
	s5 =	sshll.u32 s20, $0xB  }
0x22: {  	s6 =	sshll.u32 s20, $0x9;
	s2 =	rddreg [dreg:$0x6];
	s5 =	sand.u32 $0xF000, s5  }
0x23: {  	s12 =	rddreg [dreg:$0x4];
	s19 =	sand.u32 $0x200, s6;
	s7 =	sor.u32 s2, s5  }
0x24: {  	s6 =	sor.u32 $0x100, s19;
	s5 =	sor.u32 s12, s7  }
0x25: {  	s8 =	sor.u32 s6, s5  }
0x26: {  	s13 =	rddreg [dreg:$0x1];
	s21 =	sshrl.u32 s8, $0x3  }
0x27: {  	s9 =	simm.s32 $0x1B180;
	s18 =	rddreg [dreg:$0x7];
	s8 =	sadd.s32 s13, s21  }
0x28: {  	[tilespmem:s9], [sflag:$0x2] =	stream.strided.gather [hbm4b:s8+s14], $0x400, s15, s14, $0x38;
	[tilespmem:$0x1D580] =	vst v63  }
0x29: {  	s8 =	sor.u32 s18, s7  }
0x2a: {  	s22 =	sor.u32 s6, s8  }
0x2b: {  	s22 =	sshrl.u32 s22, $0x3  }
0x2c: {  	s10 =	simm.s32 $0x1B580;
	s9 =	sadd.s32 s13, s22  }
0x2d: {  	[tilespmem:s10], [sflag:$0x2] =	stream.strided.gather [hbm4b:s9+s14], $0x400, s15, s14, $0x38;
	[tilespmem:$0x1D580] =	vst v63  }
0x2e: {  	s10 =	rddreg [dreg:$0x8]  }
0x2f: {  	s7 =	sor.u32 s10, s7  }
0x30: {  	s6 =	sor.u32 s6, s7  }
0x31: {  	s18 =	sshrl.u32 s6, $0x3  }
0x32: {  	s12 =	simm.s32 $0x1B980;
	s6 =	sadd.s32 s13, s18  }
0x33: {  	[tilespmem:s12], [sflag:$0x2] =	stream.strided.gather [hbm4b:s6+s14], $0x400, s15, s14, $0x38;
	[tilespmem:$0x1D580] =	vst v63  }
0x34: {  	_ =	swait.ge [sflag:s23], $0x400  }
0x35: {  	[sflag:s23] =	ssyncset.done $0x0  }
0x36: {  	[sflag:s23] =	ssyncadd.s32 $0xFFFFFC00  }
0x37: {  	_ =	swait.ge [sflag:s23], $0x400  }
0x38: {  	[sflag:s23] =	ssyncset.done $0x0  }
0x39: {  	[sflag:s23] =	ssyncadd.s32 $0xFFFFFC00  }
0x3a: {  	_ =	swait.ge [sflag:s23], $0x400  }
0x3b: {  	p0 =	seq.s32 s20, $0x0;
	[sflag:s23] =	ssyncset.done $0x0  }
0x3c: {  	s6 =	simm.s32 @!p0 $0x3;
	[sflag:s23] =	ssyncadd.s32 $0xFFFFFC00  }
0x3d: {  	_ =	swait.ge @!p0 [sflag:s6], $0x400  }
0x3e: {  	[sflag:s6] =	ssyncset.done @!p0 $0x0  }
0x3f: {  	[sflag:s6] =	ssyncadd.s32 @!p0 $0xFFFFFC00  }
0x40: {  	_ =	swait.ge @!p0 [sflag:s6], $0x400  }
0x41: {  	[sflag:s6] =	ssyncset.done @!p0 $0x0  }
0x42: {  	[sflag:s6] =	ssyncadd.s32 @!p0 $0xFFFFFC00  }
0x43: {  	s2 =	simm.s32 $0x0;
	s13 =	simm.s32 $0x0;
	_ =	swait.ge @!p0 [sflag:s6], $0x400  }
0x44: {  	s10 =	sand.u32 $0x60, s2;
	s9 =	sand.u32 $0x300, s13;
	[sflag:s6] =	ssyncset.done @!p0 $0x0  }
0x45: {  	[sflag:s6] =	ssyncadd.s32 @!p0 $0xFFFFFC00;
	s6 =	sor.u32 s10, s9  }
0x46: {  	v0 =	vld [tilespmem:s6+$0x1A990]  }
0x47: {  	v1 =	vld [tilespmem:s6+$0x1AD90]  }
0x48: {  	v2 =	vld [tilespmem:s6+$0x1A590]  }
0x49: {  	v3 =	vld [tilespmem:s6+$0x1A980]  }
0x4a: {  	v5 =	vld [tilespmem:s6+$0x1A580];
	_ =	sdelay $0x2  }
0x4b: {  	v4 =	vmul.f32 $3.199996760e+01, v0;
	v1 =	vmul.f32 $3.199996760e+01, v1  }
0x4c: {  	v0 =	vld [tilespmem:s6+$0x1AD80];
	v2 =	vmul.f32 $3.199996760e+01, v2;
	v3 =	vmul.f32 $3.199996760e+01, v3  }
0x4d: {  	v15 =	vld [tilespmem:s6+$0x1A610];
	v5 =	vmul.f32 $3.199996760e+01, v5;
	v6 =	vtrunc.f32 v4  }
0x4e: {  	v7 =	vtrunc.f32 v1;
	v6 =	vcvt.f32.s32 v6  }
0x4f: {  	v8 =	vtrunc.f32 v2;
	v7 =	vcvt.f32.s32 v7  }
0x50: {  	v12 =	vtrunc.f32 v3;
	v8 =	vcvt.f32.s32 v8;
	v10 =	vmul.u32 $0x21, v6  }
0x51: {  	v9 =	vld [tilespmem:s6+$0x1AA00];
	v12 =	vcvt.f32.s32 v12;
	v11 =	vmul.f32 $3.199996760e+01, v0;
	v0 =	vmul.u32 $0x441, v7  }
0x52: {  	v15 =	vmul.f32 $3.199996760e+01, v15;
	v10 =	vadd.s32 v8, v10  }
0x53: {  	v18 =	vld [tilespmem:s6+$0x1AA10];
	v14 =	vtrunc.f32 v5;
	v16 =	vcvt.s32.f32 v12;
	v10 =	vadd.s32 v0, v10  }
0x54: {  	v12 =	vmul.u32 $0x21, v12;
	v6 =	vcvt.s32.f32 v6;
	v7 =	vcvt.s32.f32 v7  }
0x55: {  	v13 =	vtrunc.f32 v11;
	v3 =	vsub.f32 v3, v16;
	v8 =	vcvt.s32.f32 v8  }
0x56: {  	v0 =	vmul.f32 $3.199996760e+01, v9;
	v9 =	vcvt.f32.s32 v14;
	v14 =	vld [tilespmem:s6+$0x1AE10];
	v19 =	vadd.s32 $0x1, v10  }
0x57: {  	v4 =	vsub.f32 v4, v6;
	v1 =	vsub.f32 v1, v7;
	v13 =	vcvt.f32.s32 v13  }
0x58: {  	v16 =	vadd.s32 $0x2, v10;
	v2 =	vsub.f32 v2, v8;
	v8 =	vmul.f32 $3.199996760e+01, v18;
	v21 =	vld.idx.msk [tilespmem:v10+s4+$0x0], $0xffff  }
0x59: {  	v18 =	vsub.f32 $1.000000000e+00, v4;
	v23 =	vsub.f32 $1.000000000e+00, v1;
	v17 =	vcvt.s32.f32 v13;
	v22 =	vld.idx.msk [tilespmem:v10+s28+$0x0], $0xffff  }
0x5a: {  	v13 =	vmul.u32 $0x441, v13;
	v20 =	vcvt.s32.f32 v9;
	v25 =	vtrunc.f32 v8;
	v7 =	vld.idx.msk [tilespmem:v10+s0+$0x0], $0xffff  }
0x5b: {  	v9 =	vadd.s32 v9, v12;
	v28 =	vmul.f32 v23, v18;
	v6 =	vmul.f32 $3.199996760e+01, v14;
	v14 =	vld.idx.msk [tilespmem:v19+s24+$0x0], $0xffff  }
0x5c: {  	v27 =	vsub.f32 $1.000000000e+00, v2;
	v23 =	vmul.f32 v23, v4;
	v4 =	vmul.f32 v1, v4;
	v12 =	vld.idx.msk [tilespmem:v19+s25+$0x0], $0xffff  }
0x5d: {  	v1 =	vmul.f32 v1, v18;
	v25 =	vcvt.f32.s32 v25;
	v11 =	vsub.f32 v11, v17;
	v26 =	vld.idx.msk [tilespmem:v16+s26+$0x0], $0xffff  }
0x5e: {  	v10 =	vtrunc.f32 v15;
	v2 =	vpack.i.f32.bf16 v2, v27;
	v18 =	vpack.i.f32.bf16 v28, v28;
	v17 =	vld.idx.msk [tilespmem:v19+s29+$0x0], $0xffff  }
0x5f: {  	v23 =	vpack.i.f32.bf16 v23, v23;
	v4 =	vpack.i.f32.bf16 v4, v4;
	v10 =	vcvt.f32.s32 v10;
	v29 =	vld.idx.msk [tilespmem:v19+s30+$0x0], $0xffff  }
0x60: {  	v1 =	vpack.i.f32.bf16 v1, v1;
	v27 =	vld.idx.msk [tilespmem:v16+s31+$0x0], $0xffff;
	v18 =	vmul.bf16 v18, v2;
	v23 =	vmul.bf16 v23, v2  }
0x61: {  	v9 =	vadd.s32 v13, v9;
	v4 =	vmul.bf16 v4, v2;
	v13 =	vld.idx.msk [tilespmem:v19+s16+$0x0], $0xffff;
	v1 =	vmul.bf16 v1, v2  }
0x62: {  	v16 =	vld.idx.msk [tilespmem:v16+s17+$0x0], $0xffff;
	v24 =	vtrunc.f32 v6;
	v2 =	vmul.bf16 v21, v18  }
0x63: {  	v28 =	vld.idx.msk [tilespmem:v19+s3+$0x0], $0xffff;
	v21 =	vmul.bf16 v22, v18;
	v7 =	vmul.bf16 v7, v18  }
0x64: {  	v5 =	vsub.f32 v5, v20;
	v14 =	vmul.bf16 v14, v23;
	v12 =	vmul.bf16 v12, v1  }
0x65: {  	v19 =	vsub.f32 $1.000000000e+00, v3;
	v20 =	vmul.bf16 v26, v4;
	v17 =	vmul.bf16 v17, v23  }
0x66: {  	v18 =	vsub.f32 $1.000000000e+00, v11;
	v22 =	vmul.bf16 v29, v1;
	v26 =	vmul.bf16 v27, v4  }
0x67: {  	v1 =	vmul.bf16 v13, v1;
	v4 =	vmul.bf16 v16, v4;
	v2 =	vadd.bf16 v14, v2  }
0x68: {  	v14 =	vmul.bf16 v28, v23;
	v12 =	vadd.bf16 v20, v12;
	v13 =	vadd.bf16 v17, v21  }
0x69: {  	v16 =	vadd.bf16 v26, v22;
	v1 =	vadd.bf16 v4, v1;
	v4 =	vmul.u32 $0x21, v25  }
0x6a: {  	v7 =	vadd.bf16 v14, v7;
	v14 =	vcvt.f32.s32 v24;
	v2 =	vadd.bf16 v12, v2  }
0x6b: {  	v12 =	vadd.bf16 v16, v13;
	v13 =	vadd.s32 $0x1, v9;
	v4 =	vadd.s32 v10, v4  }
0x6c: {  	v10 =	vcvt.s32.f32 v10;
	v16 =	vmul.u32 $0x441, v14;
	v17 =	vshll.u32 v2, $0x10  }
0x6d: {  	v1 =	vadd.bf16 v1, v7;
	v7 =	vshll.u32 v12, $0x10;
	v14 =	vcvt.s32.f32 v14  }
0x6e: {  	v2 =	vadd.f32 v17, v2;
	v7 =	vadd.f32 v7, v12;
	v4 =	vadd.s32 v16, v4  }
0x6f: {  	v12 =	vshll.u32 v1, $0x10;
	v16 =	vcvt.s32.f32 v25;
	v6 =	vsub.f32 v6, v14  }
0x70: {  	v20 =	vld [tilespmem:s6+$0x1AE00];
	v14 =	vmul.f32 v18, v3;
	v3 =	vmul.f32 v11, v3;
	v21 =	vadd.s32 $0x1, v4  }
0x71: {  	v17 =	vld.idx.msk [tilespmem:v9+s4+$0x0], $0xffff;
	v1 =	vadd.f32 v12, v1;
	v12 =	vadd.s32 $0x2, v9;
	[tilespmem:s6+$0x1BD90] =	vst v2;
	v2 =	vsub.f32 v8, v16  }
0x72: {  	v22 =	vld.idx.msk [tilespmem:v13+s24+$0x0], $0xffff;
	v8 =	vmul.f32 v18, v19;
	v18 =	vsub.f32 $1.000000000e+00, v5;
	v19 =	vmul.f32 v11, v19  }
0x73: {  	[tilespmem:s6+$0x1C190] =	vst v7;
	v7 =	vsub.f32 v15, v10;
	v10 =	vld.idx.msk [tilespmem:v13+s25+$0x0], $0xffff;
	v16 =	vsub.f32 $1.000000000e+00, v6;
	v14 =	vpack.i.f32.bf16 v14, v14  }
0x74: {  	v3 =	vpack.i.f32.bf16 v3, v3;
	[tilespmem:s6+$0x1C590] =	vst v1;
	v19 =	vpack.i.f32.bf16 v19, v19;
	v5 =	vpack.i.f32.bf16 v5, v18  }
0x75: {  	v8 =	vpack.i.f32.bf16 v8, v8;
	v11 =	vld.idx.msk [tilespmem:v4+s0+$0x0], $0xffff;
	v14 =	vmul.bf16 v14, v5;
	v19 =	vmul.bf16 v19, v5  }
0x76: {  	v1 =	vsub.f32 $1.000000000e+00, v2;
	v8 =	vmul.bf16 v8, v5;
	v3 =	vmul.bf16 v3, v5;
	v5 =	vld.idx.msk [tilespmem:v9+s28+$0x0], $0xffff  }
0x77: {  	v15 =	vmul.f32 $3.199996760e+01, v20;
	v20 =	vld.idx.msk [tilespmem:v21+s3+$0x0], $0xffff  }
0x78: {  	v23 =	vsub.f32 $1.000000000e+00, v7;
	v24 =	vmul.f32 v16, v1;
	v25 =	vld.idx.msk [tilespmem:v21+s16+$0x0], $0xffff  }
0x79: {  	v16 =	vmul.f32 v16, v2;
	v1 =	vmul.f32 v6, v1;
	v26 =	vld.idx.msk [tilespmem:v12+s26+$0x0], $0xffff  }
0x7a: {  	v2 =	vmul.f32 v6, v2;
	v6 =	vpack.i.f32.bf16 v7, v23;
	v23 =	vld.idx.msk [tilespmem:v13+s29+$0x0], $0xffff  }
0x7b: {  	v7 =	vpack.i.f32.bf16 v24, v24;
	v16 =	vpack.i.f32.bf16 v16, v16;
	v1 =	vpack.i.f32.bf16 v1, v1;
	v24 =	vld.idx.msk [tilespmem:v13+s30+$0x0], $0xffff  }
0x7c: {  	v2 =	vpack.i.f32.bf16 v2, v2;
	v7 =	vmul.bf16 v7, v6;
	v27 =	vmul.bf16 v1, v6;
	v1 =	vld.idx.msk [tilespmem:v12+s31+$0x0], $0xffff  }
0x7d: {  	v16 =	vmul.bf16 v16, v6;
	v6 =	vmul.bf16 v2, v6;
	v2 =	vld.idx.msk [tilespmem:v13+s3+$0x0], $0xffff  }
0x7e: {  	v22 =	vmul.bf16 v22, v14;
	v10 =	vmul.bf16 v10, v19;
	v13 =	vld.idx.msk [tilespmem:v13+s16+$0x0], $0xffff  }
0x7f: {  	v12 =	vld.idx.msk [tilespmem:v12+s17+$0x0], $0xffff;
	v5 =	vmul.bf16 v5, v8;
	v18 =	vmul.bf16 v20, v16  }
0x80: {  	v9 =	vld.idx.msk [tilespmem:v9+s0+$0x0], $0xffff;
	v20 =	vmul.bf16 v25, v27;
	v25 =	vmul.bf16 v26, v3  }
0x81: {  	v11 =	vmul.bf16 v11, v7;
	v23 =	vmul.bf16 v23, v14  }
0x82: {  	v26 =	vld [tilespmem:s6+$0x1A600];
	v24 =	vmul.bf16 v24, v19;
	v10 =	vadd.bf16 v25, v10;
	v1 =	vmul.bf16 v1, v3  }
0x83: {  	v5 =	vadd.bf16 v23, v5;
	v2 =	vmul.bf16 v2, v14;
	v13 =	vmul.bf16 v13, v19  }
0x84: {  	s12 =	simm.s32 $0x20;
	s13 =	simm.s32 $0x40;
	v11 =	vadd.bf16 v18, v11;
	v3 =	vmul.bf16 v12, v3;
	v12 =	vmul.bf16 v17, v8  }
0x85: {  	s2 =	sand.u32 $0x300, s13;
	s10 =	sand.u32 $0x60, s12;
	v14 =	vadd.s32 $0x2, v4;
	v8 =	vmul.bf16 v9, v8;
	v9 =	vtrunc.f32 v0  }
0x86: {  	s10 =	sor.u32 s10, s2;
	v19 =	vtrunc.f32 v15;
	v1 =	vadd.bf16 v1, v24;
	v12 =	vadd.bf16 v22, v12  }
0x87: {  	v29 =	vld [tilespmem:s10+$0x1A610];
	v17 =	vmul.f32 $3.199996760e+01, v26;
	v2 =	vadd.bf16 v2, v8;
	v3 =	vadd.bf16 v3, v13  }
0x88: {  	v25 =	vld.idx.msk [tilespmem:v21+s25+$0x0], $0xffff;
	v8 =	vcvt.f32.s32 v9;
	v13 =	vcvt.f32.s32 v19;
	v10 =	vadd.bf16 v10, v12  }
0x89: {  	v22 =	vld.idx.msk [tilespmem:v21+s24+$0x0], $0xffff;
	v9 =	vtrunc.f32 v17;
	v1 =	vadd.bf16 v1, v5;
	v3 =	vadd.bf16 v3, v2  }
0x8a: {  	v2 =	vcvt.s32.f32 v8;
	v8 =	vmul.u32 $0x21, v8;
	v12 =	vld.idx.msk [tilespmem:v14+s17+$0x0], $0xffff;
	v5 =	vcvt.f32.s32 v9  }
0x8b: {  	v19 =	vcvt.s32.f32 v13;
	v13 =	vmul.u32 $0x441, v13;
	v9 =	vld.idx.msk [tilespmem:v4+s4+$0x0], $0xffff;
	v23 =	vshll.u32 v10, $0x10  }
0x8c: {  	v0 =	vsub.f32 v0, v2;
	v2 =	vadd.s32 v5, v8;
	v8 =	vadd.f32 v23, v10;
	v10 =	vld.idx.msk [tilespmem:v4+s28+$0x0], $0xffff  }
0x8d: {  	v24 =	vshll.u32 v1, $0x10;
	v26 =	vshll.u32 v3, $0x10;
	v4 =	vsub.f32 v15, v19;
	v15 =	vld.idx.msk [tilespmem:v21+s29+$0x0], $0xffff  }
0x8e: {  	v28 =	vld.idx.msk [tilespmem:v14+s26+$0x0], $0xffff;
	v5 =	vcvt.s32.f32 v5;
	v2 =	vadd.s32 v13, v2;
	v13 =	vadd.f32 v24, v1  }
0x8f: {  	v3 =	vadd.f32 v26, v3;
	v21 =	vld.idx.msk [tilespmem:v21+s30+$0x0], $0xffff;
	v22 =	vmul.bf16 v22, v16;
	v1 =	vadd.s32 $0x1, v2  }
0x90: {  	v19 =	vsub.f32 $1.000000000e+00, v0;
	v23 =	vsub.f32 $1.000000000e+00, v4;
	v12 =	vmul.bf16 v12, v6;
	[tilespmem:s6+$0x1C180] =	vst v13;
	v13 =	vld.idx.msk [tilespmem:v14+s31+$0x0], $0xffff  }
0x91: {  	[tilespmem:s6+$0x1BD80] =	vst v8;
	v5 =	vsub.f32 v17, v5;
	v9 =	vmul.bf16 v9, v7;
	v7 =	vmul.bf16 v10, v7;
	v10 =	vld [tilespmem:s10+$0x1A990]  }
0x92: {  	v8 =	vadd.s32 $0x2, v2;
	[tilespmem:s6+$0x1C580] =	vst v3;
	v12 =	vadd.bf16 v12, v20;
	v15 =	vmul.bf16 v15, v16;
	v16 =	vld [tilespmem:s10+$0x1AD90]  }
0x93: {  	v29 =	vmul.f32 $3.199996760e+01, v29;
	v3 =	vmul.f32 v23, v19;
	v14 =	vsub.f32 $1.000000000e+00, v5;
	v17 =	vld.idx.msk [tilespmem:v2+s4+$0x0], $0xffff  }
0x94: {  	v18 =	vmul.f32 v4, v19;
	v4 =	vmul.f32 v4, v0;
	v11 =	vadd.bf16 v12, v11;
	v19 =	vld.idx.msk [tilespmem:v1+s24+$0x0], $0xffff  }
0x95: {  	v12 =	vmul.f32 v23, v0;
	v0 =	vpack.i.f32.bf16 v3, v3;
	v3 =	vpack.i.f32.bf16 v5, v14;
	v14 =	vld.idx.msk [tilespmem:v1+s25+$0x0], $0xffff  }
0x96: {  	v24 =	vmul.bf16 v25, v27;
	v20 =	vpack.i.f32.bf16 v4, v4;
	v9 =	vadd.bf16 v22, v9;
	v25 =	vld.idx.msk [tilespmem:v1+s30+$0x0], $0xffff  }
0x97: {  	v0 =	vmul.bf16 v0, v3;
	v5 =	vpack.i.f32.bf16 v12, v12;
	v12 =	vpack.i.f32.bf16 v18, v18;
	v18 =	vld.idx.msk [tilespmem:v8+s26+$0x0], $0xffff  }
0x98: {  	v23 =	vshll.u32 v11, $0x10;
	v4 =	vmul.bf16 v5, v3;
	v5 =	vmul.bf16 v12, v3;
	v12 =	vld.idx.msk [tilespmem:v2+s28+$0x0], $0xffff  }
0x99: {  	v3 =	vmul.bf16 v20, v3;
	v20 =	vld.idx.msk [tilespmem:v1+s29+$0x0], $0xffff;
	v11 =	vadd.f32 v23, v11;
	v23 =	vmul.bf16 v28, v6  }
0x9a: {  	v26 =	vld.idx.msk [tilespmem:v8+s31+$0x0], $0xffff;
	v7 =	vadd.bf16 v15, v7;
	v17 =	vmul.bf16 v17, v0;
	v19 =	vmul.bf16 v19, v4  }
0x9b: {  	v13 =	vmul.bf16 v13, v6;
	v10 =	vmul.f32 $3.199996760e+01, v10;
	v22 =	vadd.bf16 v23, v24;
	v23 =	vld [tilespmem:s10+$0x1A580]  }
0x9c: {  	v14 =	vmul.bf16 v14, v5;
	v17 =	vadd.bf16 v19, v17;
	v18 =	vmul.bf16 v18, v3  }
0x9d: {  	v19 =	vmul.bf16 v21, v27;
	v21 =	vld [tilespmem:s10+$0x1A590];
	v6 =	vadd.bf16 v22, v9;
	v22 =	vmul.f32 $3.199996760e+01, v16  }
0x9e: {  	v12 =	vmul.bf16 v12, v0;
	v15 =	vmul.bf16 v20, v4;
	v14 =	vadd.bf16 v18, v14  }
0x9f: {  	v20 =	vld [tilespmem:s10+$0x1A980];
	v18 =	vmul.bf16 v25, v5;
	v9 =	vadd.bf16 v13, v19;
	v19 =	vmul.bf16 v26, v3  }
0xa0: {  	v16 =	vtrunc.f32 v10;
	v13 =	vld [tilespmem:s10+$0x1AD80];
	v12 =	vadd.bf16 v15, v12;
	v23 =	vmul.f32 $3.199996760e+01, v23  }
0xa1: {  	v9 =	vadd.bf16 v9, v7;
	v7 =	vadd.bf16 v19, v18;
	v19 =	vcvt.f32.s32 v16  }
0xa2: {  	v15 =	vadd.bf16 v14, v17;
	v16 =	vtrunc.f32 v22;
	v14 =	vmul.f32 $3.199996760e+01, v21  }
0xa3: {  	v24 =	vcvt.f32.s32 v16;
	v28 =	vtrunc.f32 v23  }
0xa4: {  	v16 =	vadd.bf16 v7, v12;
	v7 =	vmul.f32 $3.199996760e+01, v20;
	v18 =	vtrunc.f32 v14  }
0xa5: {  	v21 =	vld [tilespmem:s10+$0x1AA00];
	v20 =	vmul.f32 $3.199996760e+01, v13;
	v13 =	vmul.u32 $0x441, v24;
	v24 =	vcvt.s32.f32 v24  }
0xa6: {  	v12 =	vcvt.f32.s32 v18;
	v18 =	vmul.u32 $0x21, v19;
	v25 =	vtrunc.f32 v7  }
0xa7: {  	v19 =	vcvt.s32.f32 v19;
	v26 =	vtrunc.f32 v20  }
0xa8: {  	v32 =	vld [tilespmem:s10+$0x1AA10];
	v25 =	vcvt.f32.s32 v25;
	v18 =	vadd.s32 v12, v18;
	v26 =	vcvt.f32.s32 v26  }
0xa9: {  	v12 =	vcvt.s32.f32 v12;
	v10 =	vsub.f32 v10, v19;
	v27 =	vadd.s32 v13, v18  }
0xaa: {  	v19 =	vsub.f32 v22, v24;
	v13 =	vmul.f32 $3.199996760e+01, v21;
	v21 =	vcvt.f32.s32 v28  }
0xab: {  	v30 =	vcvt.s32.f32 v25;
	v25 =	vmul.u32 $0x21, v25;
	v31 =	vcvt.s32.f32 v26  }
0xac: {  	v28 =	vld [tilespmem:s10+$0x1AE10];
	v26 =	vmul.u32 $0x441, v26;
	v33 =	vadd.s32 $0x1, v27;
	v12 =	vsub.f32 v14, v12  }
0xad: {  	v14 =	vmul.f32 $3.199996760e+01, v32;
	v45 =	vsub.f32 $1.000000000e+00, v10;
	v37 =	vsub.f32 $1.000000000e+00, v19  }
0xae: {  	v34 =	vcvt.s32.f32 v21;
	v7 =	vsub.f32 v7, v30;
	v30 =	vadd.s32 $0x2, v27;
	v35 =	vld.idx.msk [tilespmem:v27+s4+$0x0], $0xffff  }
0xaf: {  	v21 =	vadd.s32 v21, v25;
	v39 =	vtrunc.f32 v14;
	v42 =	vmul.f32 v37, v45;
	v36 =	vld.idx.msk [tilespmem:v27+s28+$0x0], $0xffff  }
0xb0: {  	v41 =	vsub.f32 $1.000000000e+00, v12;
	v37 =	vmul.f32 v37, v10;
	v10 =	vmul.f32 v19, v10;
	v24 =	vld.idx.msk [tilespmem:v27+s0+$0x0], $0xffff  }
0xb1: {  	v20 =	vsub.f32 v20, v31;
	v19 =	vmul.f32 v19, v45;
	v22 =	vmul.f32 $3.199996760e+01, v28;
	v28 =	vld.idx.msk [tilespmem:v33+s24+$0x0], $0xffff  }
0xb2: {  	v21 =	vadd.s32 v26, v21;
	v39 =	vcvt.f32.s32 v39;
	v49 =	vsub.f32 $1.000000000e+00, v7;
	v25 =	vld.idx.msk [tilespmem:v33+s25+$0x0], $0xffff  }
0xb3: {  	v27 =	vtrunc.f32 v29;
	v12 =	vpack.i.f32.bf16 v12, v41;
	v46 =	vpack.i.f32.bf16 v42, v42;
	v31 =	vld.idx.msk [tilespmem:v33+s29+$0x0], $0xffff  }
0xb4: {  	v37 =	vpack.i.f32.bf16 v37, v37;
	v10 =	vpack.i.f32.bf16 v10, v10;
	v27 =	vcvt.f32.s32 v27;
	v43 =	vld.idx.msk [tilespmem:v33+s30+$0x0], $0xffff  }
0xb5: {  	v19 =	vpack.i.f32.bf16 v19, v19;
	v32 =	vmul.bf16 v46, v12;
	v37 =	vmul.bf16 v37, v12;
	v26 =	vld.idx.msk [tilespmem:v33+s16+$0x0], $0xffff  }
0xb6: {  	v51 =	vsub.f32 $1.000000000e+00, v20;
	v10 =	vmul.bf16 v10, v12;
	v12 =	vmul.bf16 v19, v12;
	v40 =	vld.idx.msk [tilespmem:v30+s26+$0x0], $0xffff  }
0xb7: {  	v57 =	vcvt.s32.f32 v39;
	v38 =	vtrunc.f32 v22;
	v47 =	vld.idx.msk [tilespmem:v30+s31+$0x0], $0xffff  }
0xb8: {  	v17 =	vshll.u32 v15, $0x10;
	v30 =	vld.idx.msk [tilespmem:v30+s17+$0x0], $0xffff;
	v59 =	vmul.f32 v51, v49;
	v19 =	vmul.bf16 v35, v32  }
0xb9: {  	v15 =	vadd.f32 v17, v15;
	v48 =	vld.idx.msk [tilespmem:v33+s3+$0x0], $0xffff;
	v50 =	vmul.bf16 v36, v32;
	v24 =	vmul.bf16 v24, v32  }
0xba: {  	v18 =	vshll.u32 v16, $0x10;
	v28 =	vmul.bf16 v28, v37;
	v25 =	vmul.bf16 v25, v12  }
0xbb: {  	v23 =	vsub.f32 v23, v34;
	v31 =	vmul.bf16 v31, v37;
	v54 =	vmul.bf16 v43, v12  }
0xbc: {  	v53 =	vadd.s32 $0x1, v21;
	v12 =	vmul.bf16 v26, v12;
	v52 =	vmul.bf16 v40, v10  }
0xbd: {  	v41 =	vmul.bf16 v47, v10;
	v10 =	vmul.bf16 v30, v10;
	v19 =	vadd.bf16 v28, v19  }
0xbe: {  	v28 =	vmul.bf16 v48, v37;
	v26 =	vadd.bf16 v31, v50;
	v25 =	vadd.bf16 v52, v25  }
0xbf: {  	v30 =	vadd.s32 $0x2, v21;
	v31 =	vadd.bf16 v41, v54;
	v10 =	vadd.bf16 v10, v12  }
0xc0: {  	v12 =	vmul.u32 $0x21, v39;
	v24 =	vadd.bf16 v28, v24;
	v28 =	vcvt.f32.s32 v38  }
0xc1: {  	v38 =	vpack.i.f32.bf16 v59, v59;
	v19 =	vadd.bf16 v25, v19;
	v25 =	vsub.f32 $1.000000000e+00, v23  }
0xc2: {  	v26 =	vadd.bf16 v31, v26;
	v12 =	vadd.s32 v27, v12;
	v31 =	vmul.u32 $0x441, v28  }
0xc3: {  	v58 =	vld.idx.msk [tilespmem:v21+s4+$0x0], $0xffff;
	v10 =	vadd.bf16 v10, v24;
	v28 =	vcvt.s32.f32 v28;
	v55 =	vshll.u32 v19, $0x10  }
0xc4: {  	v24 =	vld [tilespmem:s10+$0x1AE00];
	v56 =	vshll.u32 v26, $0x10;
	v23 =	vpack.i.f32.bf16 v23, v25;
	v19 =	vadd.f32 v55, v19  }
0xc5: {  	v36 =	vld.idx.msk [tilespmem:v53+s16+$0x0], $0xffff;
	v31 =	vadd.s32 v31, v12;
	v12 =	vadd.f32 v56, v26;
	v26 =	vshll.u32 v10, $0x10  }
0xc6: {  	v50 =	vld.idx.msk [tilespmem:v53+s30+$0x0], $0xffff;
	v38 =	vmul.bf16 v38, v23;
	v34 =	vadd.s32 $0x1, v31;
	[tilespmem:s10+$0x1BD90] =	vst v19;
	v19 =	vcvt.s32.f32 v27  }
0xc7: {  	[tilespmem:s10+$0x1C190] =	vst v12;
	v12 =	vsub.f32 v14, v57;
	v14 =	vsub.f32 v22, v28;
	v28 =	vmul.f32 v51, v7  }
0xc8: {  	v10 =	vadd.f32 v26, v10;
	v56 =	vmul.bf16 v58, v38;
	v58 =	vld.idx.msk [tilespmem:v8+s17+$0x0], $0xffff;
	v8 =	vtrunc.f32 v13  }
0xc9: {  	v48 =	vld.idx.msk [tilespmem:v30+s26+$0x0], $0xffff;
	v27 =	vadd.s32 $0x2, v31;
	v24 =	vmul.f32 $3.199996760e+01, v24;
	v8 =	vcvt.f32.s32 v8  }
0xca: {  	v26 =	vld.idx.msk [tilespmem:v53+s24+$0x0], $0xffff;
	[tilespmem:s10+$0x1C590] =	vst v10;
	v10 =	vsub.f32 v29, v19;
	v19 =	vmul.f32 v20, v49;
	v60 =	vsub.f32 $1.000000000e+00, v12  }
0xcb: {  	v22 =	vld.idx.msk [tilespmem:v53+s25+$0x0], $0xffff;
	v61 =	vsub.f32 $1.000000000e+00, v14;
	v20 =	vmul.f32 v20, v7;
	v28 =	vpack.i.f32.bf16 v28, v28  }
0xcc: {  	v51 =	vld.idx.msk [tilespmem:v30+s31+$0x0], $0xffff;
	v63 =	vmul.f32 v14, v12;
	v28 =	vmul.bf16 v28, v23;
	v7 =	vsub.f32 $1.000000000e+00, v10  }
0xcd: {  	v30 =	vld.idx.msk [tilespmem:v30+s17+$0x0], $0xffff;
	v46 =	vmul.f32 v61, v60;
	v12 =	vmul.f32 v61, v12;
	v19 =	vpack.i.f32.bf16 v19, v19  }
0xce: {  	v29 =	vld.idx.msk [tilespmem:v31+s0+$0x0], $0xffff;
	v32 =	vmul.f32 v14, v60;
	v20 =	vpack.i.f32.bf16 v20, v20;
	v19 =	vmul.bf16 v19, v23  }
0xcf: {  	v62 =	vld.idx.msk [tilespmem:v34+s3+$0x0], $0xffff;
	v20 =	vmul.bf16 v20, v23;
	v7 =	vpack.i.f32.bf16 v10, v7;
	v10 =	vpack.i.f32.bf16 v46, v46  }
0xd0: {  	v45 =	vld.idx.msk [tilespmem:v34+s16+$0x0], $0xffff;
	v23 =	vmul.bf16 v26, v28;
	v12 =	vpack.i.f32.bf16 v12, v12;
	v14 =	vmul.bf16 v10, v7  }
0xd1: {  	v16 =	vadd.f32 v18, v16;
	v47 =	vld.idx.msk [tilespmem:v27+s17+$0x0], $0xffff;
	v12 =	vmul.bf16 v12, v7;
	v17 =	vmul.bf16 v22, v19  }
0xd2: {  	v26 =	vld [tilespmem:s10+$0x1A600];
	v10 =	vpack.i.f32.bf16 v32, v32;
	v54 =	vmul.bf16 v48, v20;
	v32 =	vmul.bf16 v50, v19  }
0xd3: {  	v57 =	vld.idx.msk [tilespmem:v1+s16+$0x0], $0xffff;
	v39 =	vpack.i.f32.bf16 v63, v63;
	v18 =	vmul.bf16 v51, v20;
	v19 =	vmul.bf16 v36, v19  }
0xd4: {  	v44 =	vshll.u32 v9, $0x10;
	v49 =	vld.idx.msk [tilespmem:v53+s29+$0x0], $0xffff;
	v10 =	vmul.bf16 v10, v7;
	v7 =	vmul.bf16 v39, v7  }
0xd5: {  	v9 =	vadd.f32 v44, v9;
	v52 =	vld.idx.msk [tilespmem:v53+s3+$0x0], $0xffff;
	v25 =	vmul.bf16 v29, v14;
	v29 =	vmul.bf16 v62, v12  }
0xd6: {  	v53 =	vshll.u32 v6, $0x10;
	v40 =	vmul.bf16 v45, v10;
	v33 =	vmul.bf16 v47, v7  }
0xd7: {  	v20 =	vmul.bf16 v30, v20;
	v26 =	vmul.f32 $3.199996760e+01, v26;
	v25 =	vadd.bf16 v29, v25;
	v29 =	vld.idx.msk [tilespmem:v21+s28+$0x0], $0xffff  }
0xd8: {  	v60 =	vtrunc.f32 v24;
	v5 =	vmul.bf16 v57, v5;
	v21 =	vld.idx.msk [tilespmem:v21+s0+$0x0], $0xffff;
	v33 =	vadd.bf16 v33, v40  }
0xd9: {  	v22 =	vmul.bf16 v49, v28;
	v19 =	vadd.bf16 v20, v19;
	v20 =	vtrunc.f32 v26  }
0xda: {  	v2 =	vld.idx.msk [tilespmem:v2+s0+$0x0], $0xffff;
	v28 =	vmul.bf16 v52, v28;
	v61 =	vcvt.f32.s32 v20;
	v25 =	vadd.bf16 v33, v25  }
0xdb: {  	v59 =	vld.idx.msk [tilespmem:v31+s4+$0x0], $0xffff;
	v36 =	vcvt.f32.s32 v60;
	v17 =	vadd.bf16 v54, v17;
	v18 =	vadd.bf16 v18, v32  }
0xdc: {  	v30 =	vld.idx.msk [tilespmem:v1+s3+$0x0], $0xffff;
	[tilespmem:s6+$0x1BE00] =	vst v15;
	v15 =	vcvt.s32.f32 v61;
	v55 =	vshll.u32 v25, $0x10;
	v1 =	vmul.bf16 v29, v38  }
0xdd: {  	v20 =	vld.idx.msk [tilespmem:v34+s29+$0x0], $0xffff;
	v21 =	vmul.bf16 v21, v38;
	v29 =	vadd.bf16 v23, v56;
	v25 =	vadd.f32 v55, v25  }
0xde: {  	[tilespmem:s6+$0x1C610] =	vst v11;
	v11 =	vmul.u32 $0x441, v36;
	v23 =	vld.idx.msk [tilespmem:v34+s25+$0x0], $0xffff;
	v26 =	vsub.f32 v26, v15;
	v1 =	vadd.bf16 v22, v1  }
0xdf: {  	v28 =	vadd.bf16 v28, v21;
	v21 =	vld.idx.msk [tilespmem:v34+s24+$0x0], $0xffff;
	v29 =	vadd.bf16 v17, v29;
	v17 =	vcvt.s32.f32 v8  }
0xe0: {  	v22 =	vld.idx.msk [tilespmem:v27+s26+$0x0], $0xffff;
	v8 =	vmul.u32 $0x21, v8;
	v1 =	vadd.bf16 v18, v1;
	v18 =	vcvt.s32.f32 v36  }
0xe1: {  	v28 =	vadd.bf16 v19, v28;
	v19 =	vld.idx.msk [tilespmem:v31+s28+$0x0], $0xffff;
	v31 =	vshll.u32 v29, $0x10;
	v13 =	vsub.f32 v13, v17  }
0xe2: {  	v17 =	vld.idx.msk [tilespmem:v34+s30+$0x0], $0xffff;
	v8 =	vadd.s32 v61, v8;
	v29 =	vadd.f32 v31, v29;
	v31 =	vsub.f32 v24, v18  }
0xe3: {  	v62 =	vshll.u32 v1, $0x10;
	v18 =	vld.idx.msk [tilespmem:v27+s31+$0x0], $0xffff;
	[tilespmem:s10+$0x1C610] =	vst v25;
	v25 =	vadd.s32 v11, v8;
	v8 =	vsub.f32 $1.000000000e+00, v13  }
0xe4: {  	[tilespmem:s6+$0x1C200] =	vst v16;
	v63 =	vshll.u32 v28, $0x10;
	v1 =	vadd.f32 v62, v1;
	v11 =	vsub.f32 $1.000000000e+00, v31  }
0xe5: {  	v16 =	vadd.f32 v63, v28;
	v15 =	vadd.s32 $0x1, v25;
	[tilespmem:s10+$0x1BD80] =	vst v29;
	v29 =	vmul.bf16 v30, v4  }
0xe6: {  	v28 =	vmul.f32 v31, v13;
	[tilespmem:s10+$0x1C180] =	vst v1;
	v1 =	vsub.f32 $1.000000000e+00, v26;
	v27 =	vmul.f32 v11, v8  }
0xe7: {  	v24 =	vadd.s32 $0x2, v25;
	[tilespmem:s10+$0x1C580] =	vst v16;
	v11 =	vmul.f32 v11, v13;
	v8 =	vmul.f32 v31, v8  }
0xe8: {  	v13 =	vmul.bf16 v2, v0;
	v26 =	vpack.i.f32.bf16 v26, v1;
	v4 =	vld.idx.msk [tilespmem:v25+s28+$0x0], $0xffff;
	v16 =	vpack.i.f32.bf16 v27, v27  }
0xe9: {  	v11 =	vpack.i.f32.bf16 v11, v11;
	v1 =	vpack.i.f32.bf16 v8, v8;
	v8 =	vpack.i.f32.bf16 v28, v28;
	v28 =	vld.idx.msk [tilespmem:v25+s4+$0x0], $0xffff  }
0xea: {  	v27 =	vld.idx.msk [tilespmem:v15+s24+$0x0], $0xffff;
	v2 =	vmul.bf16 v16, v26;
	v0 =	vmul.bf16 v11, v26;
	v11 =	vadd.f32 v53, v6  }
0xeb: {  	s8 =	sor.u32 s19, s8;
	[tilespmem:s6+$0x1C210] =	vst v9;
	v1 =	vmul.bf16 v1, v26;
	v6 =	vmul.bf16 v8, v26;
	v26 =	vld.idx.msk [tilespmem:v15+s25+$0x0], $0xffff  }
0xec: {  	s7 =	sor.u32 s19, s7;
	s9 =	sor.u32 s19, s5;
	s5 =	sshll.u32 s20, $0x1;
	v3 =	vmul.bf16 v58, v3;
	v16 =	vld.idx.msk [tilespmem:v24+s26+$0x0], $0xffff;
	v8 =	vmul.bf16 v59, v14;
	[tilespmem:s6+$0x1BE10] =	vst v11  }
.LBB2_3:
0xed: {  	s12 =	sadd.s32 $0x20, s12;
	v9 =	vld.idx.msk [tilespmem:v15+s29+$0x0], $0xffff;
	v11 =	vmul.bf16 v21, v12;
	v21 =	vmul.bf16 v23, v10;
	s13 =	sadd.s32 $0x40, s13;
	v13 =	vadd.bf16 v29, v13  }
0xee: {  	v23 =	vmul.bf16 v28, v2;
	v22 =	vmul.bf16 v22, v7;
	s19 =	sand.u32 $0x60, s12;
	s2 =	sand.u32 $0x300, s13;
	p1 =	slt.u32 s12, $0x1E0;
	v28 =	vld.idx.msk [tilespmem:v15+s30+$0x0], $0xffff;
	v5 =	vadd.bf16 v3, v5  }
0xef: {  	v27 =	vmul.bf16 v27, v0;
	s19 =	sor.u32 s19, s2;
	v29 =	vld.idx.msk [tilespmem:v24+s31+$0x0], $0xffff;
	v8 =	vadd.bf16 v11, v8;
	v11 =	vmul.bf16 v19, v14  }
0xf0: {  	v12 =	vmul.bf16 v20, v12;
	v3 =	vmovc v6;
	v19 =	vmul.bf16 v26, v1;
	v21 =	vadd.bf16 v22, v21;
	v14 =	vld [tilespmem:s19+$0x1A990]  }
0xf1: {  	v10 =	vmul.bf16 v17, v10;
	v22 =	vadd.bf16 v27, v23;
	v6 =	vmul.bf16 v16, v3;
	v20 =	vld [tilespmem:s19+$0x1AD90]  }
0xf2: {  	v7 =	vmul.bf16 v18, v7;
	v17 =	vmul.bf16 v4, v2;
	v11 =	vadd.bf16 v12, v11;
	v16 =	vld [tilespmem:s19+$0x1A590]  }
0xf3: {  	v18 =	vadd.bf16 v6, v19;
	v9 =	vmul.bf16 v9, v0;
	v6 =	vadd.bf16 v5, v13;
	v12 =	vld [tilespmem:s19+$0x1A980]  }
0xf4: {  	v4 =	vadd.bf16 v21, v8;
	v5 =	vadd.bf16 v7, v10;
	v13 =	vmul.bf16 v28, v1;
	v23 =	vld [tilespmem:s19+$0x1AD80]  }
0xf5: {  	v8 =	vadd.bf16 v9, v17;
	v9 =	vmul.bf16 v29, v3;
	v10 =	vld [tilespmem:s19+$0x1A580];
	v21 =	vmul.f32 $3.199996760e+01, v14  }
0xf6: {  	v17 =	vadd.bf16 v18, v22;
	v5 =	vadd.bf16 v5, v11;
	v14 =	vld [tilespmem:s19+$0x1AA00];
	v26 =	vmul.f32 $3.199996760e+01, v20  }
0xf7: {  	v9 =	vadd.bf16 v9, v13;
	v7 =	vld [tilespmem:s19+$0x1AE00];
	v22 =	vmul.f32 $3.199996760e+01, v16;
	v11 =	vtrunc.f32 v21  }
0xf8: {  	v19 =	vshll.u32 v17, $0x10;
	v16 =	vld [tilespmem:s19+$0x1A600];
	v27 =	vcvt.f32.s32 v11;
	v11 =	vtrunc.f32 v26  }
0xf9: {  	v18 =	vadd.bf16 v9, v8;
	v20 =	vtrunc.f32 v22;
	v28 =	vcvt.f32.s32 v11;
	v13 =	vld.idx.msk [tilespmem:v25+s0+$0x0], $0xffff  }
0xfa: {  	v12 =	vmul.f32 $3.199996760e+01, v12;
	v25 =	vcvt.f32.s32 v20;
	v9 =	vmul.u32 $0x21, v27;
	v8 =	vld.idx.msk [tilespmem:v15+s3+$0x0], $0xffff  }
0xfb: {  	v23 =	vmul.f32 $3.199996760e+01, v23;
	v29 =	vmul.f32 $3.199996760e+01, v10;
	v10 =	vmul.u32 $0x441, v28;
	v11 =	vld.idx.msk [tilespmem:v15+s16+$0x0], $0xffff  }
0xfc: {  	v20 =	vtrunc.f32 v12;
	v15 =	vmul.f32 $3.199996760e+01, v14;
	v14 =	vadd.s32 v25, v9;
	v9 =	vld.idx.msk [tilespmem:v24+s17+$0x0], $0xffff  }
0xfd: {  	v24 =	vcvt.f32.s32 v20;
	v20 =	vtrunc.f32 v23;
	v30 =	vadd.s32 v10, v14  }
0xfe: {  	v10 =	vtrunc.f32 v29;
	v14 =	vcvt.f32.s32 v20;
	v20 =	vshll.u32 v18, $0x10;
	v31 =	vld [tilespmem:s19+$0x1A610]  }
0xff: {  	v32 =	vcvt.f32.s32 v10;
	v10 =	vcvt.s32.f32 v24;
	v24 =	vmul.u32 $0x21, v24;
	v33 =	vld [tilespmem:s19+$0x1AE10]  }
0x100: {  	v36 =	vadd.s32 $0x1, v30;
	v34 =	vcvt.s32.f32 v14;
	v35 =	vmul.u32 $0x441, v14;
	v37 =	vld [tilespmem:s19+$0x1AA10]  }
0x101: {  	v38 =	vcvt.s32.f32 v32;
	v10 =	vsub.f32 v12, v10;
	v24 =	vadd.s32 v32, v24  }
0x102: {  	v27 =	vcvt.s32.f32 v27;
	v28 =	vcvt.s32.f32 v28;
	v32 =	vadd.s32 $0x2, v30;
	v39 =	vld.idx.msk [tilespmem:v30+s4+$0x0], $0xffff  }
0x103: {  	v12 =	vsub.f32 v23, v34;
	v23 =	vcvt.s32.f32 v25;
	v25 =	vld.idx.msk [tilespmem:v30+s28+$0x0], $0xffff;
	v14 =	vmul.f32 $3.199996760e+01, v31  }
0x104: {  	v21 =	vsub.f32 v21, v27;
	v26 =	vsub.f32 v26, v28;
	v27 =	vld.idx.msk [tilespmem:v30+s0+$0x0], $0xffff;
	v28 =	vmul.f32 $3.199996760e+01, v33  }
0x105: {  	v22 =	vsub.f32 v22, v23;
	v23 =	vld.idx.msk [tilespmem:v36+s24+$0x0], $0xffff;
	v30 =	vmul.f32 $3.199996760e+01, v37;
	v31 =	vtrunc.f32 v14  }
0x106: {  	v34 =	vsub.f32 $1.000000000e+00, v26;
	v33 =	vsub.f32 $1.000000000e+00, v21;
	v37 =	vld.idx.msk [tilespmem:v36+s25+$0x0], $0xffff;
	v40 =	vtrunc.f32 v28  }
0x107: {  	v35 =	vadd.s32 v35, v24;
	v31 =	vcvt.f32.s32 v31;
	v41 =	vld.idx.msk [tilespmem:v32+s26+$0x0], $0xffff;
	v24 =	vtrunc.f32 v30  }
0x108: {  	v42 =	vsub.f32 $1.000000000e+00, v22;
	v43 =	vmul.f32 v34, v33;
	v44 =	vld.idx.msk [tilespmem:v36+s29+$0x0], $0xffff;
	v45 =	vcvt.f32.s32 v24  }
0x109: {  	v46 =	vsub.f32 $1.000000000e+00, v10;
	v24 =	vmul.f32 v34, v21;
	v21 =	vmul.f32 v26, v21;
	v34 =	vld.idx.msk [tilespmem:v36+s30+$0x0], $0xffff  }
0x10a: {  	v22 =	vpack.i.f32.bf16 v22, v42;
	v26 =	vmul.f32 v26, v33;
	v33 =	vpack.i.f32.bf16 v43, v43;
	v42 =	vld.idx.msk [tilespmem:v32+s31+$0x0], $0xffff  }
0x10b: {  	v33 =	vmul.bf16 v33, v22;
	v24 =	vpack.i.f32.bf16 v24, v24;
	v21 =	vpack.i.f32.bf16 v21, v21;
	v43 =	vld.idx.msk [tilespmem:v36+s3+$0x0], $0xffff  }
0x10c: {  	v47 =	vmul.bf16 v24, v22;
	v24 =	vpack.i.f32.bf16 v26, v26;
	v21 =	vmul.bf16 v21, v22;
	v36 =	vld.idx.msk [tilespmem:v36+s16+$0x0], $0xffff  }
0x10d: {  	v48 =	vsub.f32 $1.000000000e+00, v12;
	v39 =	vmul.bf16 v39, v33;
	v22 =	vmul.bf16 v24, v22;
	v32 =	vld.idx.msk [tilespmem:v32+s17+$0x0], $0xffff  }
0x10e: {  	v29 =	vsub.f32 v29, v38;
	v38 =	vmul.bf16 v25, v33;
	v27 =	vmul.bf16 v27, v33;
	v24 =	vld.idx.msk [tilespmem:v35+s4+$0x0], $0xffff  }
0x10f: {  	v33 =	vadd.s32 $0x1, v35;
	v23 =	vmul.bf16 v23, v47;
	v37 =	vmul.bf16 v37, v22;
	v25 =	vld.idx.msk [tilespmem:v35+s28+$0x0], $0xffff  }
0x110: {  	v49 =	vadd.s32 $0x2, v35;
	v26 =	vld.idx.msk [tilespmem:v35+s0+$0x0], $0xffff;
	v35 =	vmul.bf16 v41, v21;
	v41 =	vmul.bf16 v44, v47  }
0x111: {  	v34 =	vmul.bf16 v34, v22;
	v42 =	vmul.bf16 v42, v21;
	v44 =	vsub.f32 $1.000000000e+00, v29  }
0x112: {  	v23 =	vadd.bf16 v23, v39;
	v39 =	vmul.bf16 v43, v47;
	v22 =	vmul.bf16 v36, v22  }
0x113: {  	v35 =	vadd.bf16 v35, v37;
	v36 =	vadd.bf16 v41, v38;
	v21 =	vmul.bf16 v32, v21  }
0x114: {  	v34 =	vadd.bf16 v42, v34;
	v27 =	vadd.bf16 v39, v27;
	v37 =	vcvt.f32.s32 v40;
	v32 =	vld.idx.msk [tilespmem:v33+s24+$0x0], $0xffff  }
0x115: {  	v23 =	vadd.bf16 v35, v23;
	v21 =	vadd.bf16 v21, v22;
	v22 =	vmul.u32 $0x21, v45;
	v38 =	vld.idx.msk [tilespmem:v33+s25+$0x0], $0xffff  }
0x116: {  	v35 =	vmul.f32 v48, v46;
	v34 =	vadd.bf16 v34, v36;
	v36 =	vmul.u32 $0x441, v37;
	v39 =	vld.idx.msk [tilespmem:v49+s26+$0x0], $0xffff  }
0x117: {  	v41 =	vshll.u32 v23, $0x10;
	v21 =	vadd.bf16 v21, v27;
	v22 =	vadd.s32 v31, v22;
	v40 =	vld.idx.msk [tilespmem:v33+s29+$0x0], $0xffff  }
0x118: {  	v23 =	vadd.f32 v41, v23;
	v41 =	vshll.u32 v34, $0x10;
	v36 =	vadd.s32 v36, v22;
	v27 =	vld.idx.msk [tilespmem:v33+s30+$0x0], $0xffff  }
0x119: {  	v22 =	vadd.f32 v41, v34;
	v34 =	vshll.u32 v21, $0x10;
	v41 =	vadd.s32 $0x1, v36;
	v42 =	vld.idx.msk [tilespmem:v49+s31+$0x0], $0xffff  }
0x11a: {  	v21 =	vadd.f32 v34, v21;
	v34 =	vcvt.s32.f32 v37;
	v43 =	vld.idx.msk [tilespmem:v33+s3+$0x0], $0xffff;
	[tilespmem:s19+$0x1BD90] =	vst v23;
	v23 =	vcvt.s32.f32 v45  }
0x11b: {  	v37 =	vmul.f32 v48, v10;
	v33 =	vld.idx.msk [tilespmem:v33+s16+$0x0], $0xffff;
	[tilespmem:s19+$0x1C190] =	vst v22;
	v22 =	vcvt.s32.f32 v31;
	v31 =	vadd.s32 $0x2, v36  }
0x11c: {  	v47 =	vmul.f32 $3.199996760e+01, v7;
	v45 =	vld.idx.msk [tilespmem:v49+s17+$0x0], $0xffff;
	[tilespmem:s19+$0x1C590] =	vst v21;
	v7 =	vsub.f32 v30, v23;
	v21 =	vsub.f32 v28, v34  }
0x11d: {  	v10 =	vmul.f32 v12, v10;
	v23 =	vmul.f32 v12, v46;
	v12 =	vsub.f32 v14, v22;
	v22 =	vld.idx.msk [tilespmem:v36+s0+$0x0], $0xffff  }
0x11e: {  	v28 =	vpack.i.f32.bf16 v35, v35;
	v14 =	vsub.f32 $1.000000000e+00, v7;
	v30 =	vsub.f32 $1.000000000e+00, v21;
	v34 =	vld.idx.msk [tilespmem:v41+s3+$0x0], $0xffff  }
0x11f: {  	v35 =	vpack.i.f32.bf16 v37, v37;
	v46 =	vmul.f32 v21, v7;
	v37 =	vsub.f32 $1.000000000e+00, v12;
	v48 =	vld.idx.msk [tilespmem:v41+s16+$0x0], $0xffff  }
0x120: {  	v23 =	vpack.i.f32.bf16 v23, v23;
	v49 =	vmul.f32 v30, v14;
	v7 =	vmul.f32 v30, v7;
	v30 =	vld.idx.msk [tilespmem:v31+s17+$0x0], $0xffff  }
0x121: {  	v29 =	vpack.i.f32.bf16 v29, v44;
	v21 =	vmul.f32 v21, v14;
	v37 =	vpack.i.f32.bf16 v12, v37  }
0x122: {  	v44 =	vpack.i.f32.bf16 v46, v46;
	v12 =	vpack.i.f32.bf16 v49, v49;
	v7 =	vpack.i.f32.bf16 v7, v7  }
0x123: {  	v14 =	vmul.bf16 v12, v37;
	v12 =	vmul.bf16 v7, v37;
	v7 =	vpack.i.f32.bf16 v21, v21  }
0x124: {  	v21 =	vpack.i.f32.bf16 v10, v10;
	v10 =	vmul.bf16 v7, v37;
	v7 =	vmul.bf16 v44, v37  }
0x125: {  	v37 =	vshll.u32 v6, $0x10;
	v22 =	vmul.bf16 v22, v14;
	v34 =	vmul.bf16 v34, v12  }
0x126: {  	v46 =	vshll.u32 v4, $0x10;
	v44 =	vmul.bf16 v48, v10;
	v30 =	vmul.bf16 v30, v7  }
0x127: {  	v28 =	vmul.bf16 v28, v29;
	v35 =	vmul.bf16 v35, v29;
	v48 =	vshll.u32 v5, $0x10  }
0x128: {  	v49 =	vmul.bf16 v23, v29;
	v22 =	vadd.bf16 v34, v22;
	v50 =	vld.idx.msk [tilespmem:v36+s4+$0x0], $0xffff;
	v30 =	vadd.bf16 v30, v44  }
0x129: {  	v17 =	vadd.f32 v19, v17;
	v32 =	vmul.bf16 v32, v35;
	v29 =	vmul.bf16 v21, v29;
	v21 =	vld.idx.msk [tilespmem:v41+s24+$0x0], $0xffff  }
0x12a: {  	v34 =	vmul.bf16 v38, v49;
	v38 =	vmul.bf16 v40, v35;
	v23 =	vld.idx.msk [tilespmem:v41+s25+$0x0], $0xffff;
	v30 =	vadd.bf16 v30, v22  }
0x12b: {  	v27 =	vmul.bf16 v27, v49;
	v39 =	vmul.bf16 v39, v29;
	v40 =	vadd.f32 v20, v18;
	v22 =	vld.idx.msk [tilespmem:v31+s26+$0x0], $0xffff  }
0x12c: {  	v18 =	vmul.bf16 v42, v29;
	v35 =	vmul.bf16 v43, v35;
	v19 =	vld.idx.msk [tilespmem:v36+s28+$0x0], $0xffff;
	v36 =	vshll.u32 v30, $0x10;
	[tilespmem:s10+$0x1BE00] =	vst v17  }
0x12d: {  	v33 =	vmul.bf16 v33, v49;
	v29 =	vmul.bf16 v45, v29;
	v20 =	vld.idx.msk [tilespmem:v41+s29+$0x0], $0xffff;
	v30 =	vadd.f32 v36, v30  }
0x12e: {  	v24 =	vmul.bf16 v24, v28;
	v25 =	vmul.bf16 v25, v28;
	v34 =	vadd.bf16 v39, v34;
	v17 =	vld.idx.msk [tilespmem:v41+s30+$0x0], $0xffff  }
0x12f: {  	v26 =	vmul.bf16 v26, v28;
	v28 =	vtrunc.f32 v15;
	v27 =	vadd.bf16 v18, v27;
	v18 =	vld.idx.msk [tilespmem:v31+s31+$0x0], $0xffff;
	[tilespmem:s19+$0x1C610] =	vst v30  }
0x130: {  	v16 =	vmul.f32 $3.199996760e+01, v16;
	v24 =	vadd.bf16 v32, v24;
	v30 =	vtrunc.f32 v47;
	[tilespmem:s10+$0x1C200] =	vst v40  }
0x131: {  	v28 =	vcvt.f32.s32 v28;
	v25 =	vadd.bf16 v38, v25;
	v26 =	vadd.bf16 v35, v26  }
0x132: {  	v29 =	vadd.bf16 v29, v33;
	v31 =	vtrunc.f32 v16;
	v30 =	vcvt.f32.s32 v30  }
0x133: {  	v24 =	vadd.bf16 v34, v24;
	v25 =	vadd.bf16 v27, v25;
	v27 =	vcvt.f32.s32 v31  }
0x134: {  	v26 =	vadd.bf16 v29, v26;
	v29 =	vcvt.s32.f32 v28;
	v31 =	vcvt.s32.f32 v30  }
0x135: {  	v28 =	vmul.u32 $0x21, v28;
	v32 =	vshll.u32 v24, $0x10;
	v33 =	vshll.u32 v25, $0x10  }
0x136: {  	v34 =	vshll.u32 v26, $0x10;
	v29 =	vsub.f32 v15, v29;
	v15 =	vmul.u32 $0x441, v30  }
0x137: {  	v24 =	vadd.f32 v32, v24;
	v30 =	vcvt.s32.f32 v27;
	v31 =	vsub.f32 v47, v31  }
0x138: {  	v32 =	vadd.f32 v33, v25;
	v26 =	vadd.f32 v34, v26;
	v25 =	vadd.s32 v27, v28  }
0x139: {  	v27 =	vsub.f32 $1.000000000e+00, v29;
	v25 =	vadd.s32 v15, v25;
	v28 =	vsub.f32 $1.000000000e+00, v31;
	[tilespmem:s19+$0x1BD80] =	vst v24  }
0x13a: {  	v16 =	vsub.f32 v16, v30;
	v15 =	vadd.s32 $0x1, v25;
	v24 =	vadd.s32 $0x2, v25;
	[tilespmem:s19+$0x1C180] =	vst v32  }
0x13b: {  	v6 =	vadd.f32 v37, v6;
	[tilespmem:s19+$0x1C580] =	vst v26;
	v26 =	vmul.f32 v28, v27;
	v28 =	vmul.f32 v28, v29  }
0x13c: {  	v30 =	vsub.f32 $1.000000000e+00, v16;
	v27 =	vmul.f32 v31, v27;
	v29 =	vmul.f32 v31, v29  }
0x13d: {  	v13 =	vmul.bf16 v13, v2;
	v26 =	vpack.i.f32.bf16 v26, v26;
	v31 =	vpack.i.f32.bf16 v28, v28;
	[tilespmem:s6+$0x1C600] =	vst v6;
	s6 =	smov.u32 s10;
	s10 =	smov.u32 s19  }
.Ltmp0:
0x13e: {  	v6 =	vpack.i.f32.bf16 v16, v30;
	v16 =	vpack.i.f32.bf16 v27, v27;
	v29 =	vpack.i.f32.bf16 v29, v29;
	v28 =	vld.idx.msk [tilespmem:v25+s4+$0x0], $0xffff;
	(pc) =	sbr.rel @p1 .LBB2_3-.Ltmp0, $4  }
0x13f: {  	v4 =	vadd.f32 v46, v4;
	v2 =	vmul.bf16 v26, v6;
	v30 =	vmul.bf16 v31, v6;
	v27 =	vld.idx.msk [tilespmem:v15+s24+$0x0], $0xffff  }
0x140: {  	v32 =	vadd.f32 v48, v5;
	v31 =	vmul.bf16 v16, v6;
	v6 =	vmul.bf16 v29, v6;
	v26 =	vld.idx.msk [tilespmem:v15+s25+$0x0], $0xffff  }
0x141: {  	v5 =	vmul.bf16 v11, v1;
	v29 =	vmul.bf16 v8, v0;
	v0 =	vmov v30;
	v16 =	vld.idx.msk [tilespmem:v24+s26+$0x0], $0xffff;
	[tilespmem:s6+$0x1BE10] =	vst v4  }
0x142: {  	v3 =	vmul.bf16 v9, v3;
	v8 =	vmul.bf16 v50, v14;
	v1 =	vmov v31;
	v4 =	vld.idx.msk [tilespmem:v25+s28+$0x0], $0xffff;
	[tilespmem:s6+$0x1C210] =	vst v32  }
0x143: {  	_ =	sdelay $0x3  }
0x144: {  	v9 =	vld.idx.msk [tilespmem:v15+s29+$0x0], $0xffff;
	v11 =	vmul.bf16 v21, v12  }
0x145: {  	v21 =	vmul.bf16 v23, v10;
	v23 =	vmul.bf16 v28, v2;
	v28 =	vld.idx.msk [tilespmem:v15+s30+$0x0], $0xffff  }
0x146: {  	v13 =	vadd.bf16 v29, v13;
	v22 =	vmul.bf16 v22, v7;
	v29 =	vld.idx.msk [tilespmem:v24+s31+$0x0], $0xffff;
	v27 =	vmul.bf16 v27, v0  }
0x147: {  	v3 =	vadd.bf16 v3, v5;
	v5 =	vmul.bf16 v19, v14;
	v19 =	vld.idx.msk [tilespmem:v25+s0+$0x0], $0xffff;
	v14 =	vmul.bf16 v26, v1  }
0x148: {  	v8 =	vadd.bf16 v11, v8;
	v11 =	vmul.bf16 v20, v12;
	v12 =	vmul.bf16 v16, v6;
	v16 =	vld.idx.msk [tilespmem:v15+s3+$0x0], $0xffff  }
0x149: {  	v20 =	vadd.bf16 v22, v21;
	v21 =	vadd.bf16 v27, v23;
	v15 =	vld.idx.msk [tilespmem:v15+s16+$0x0], $0xffff;
	v4 =	vmul.bf16 v4, v2  }
0x14a: {  	v5 =	vadd.bf16 v11, v5;
	v11 =	vadd.bf16 v12, v14;
	v9 =	vmul.bf16 v9, v0;
	v12 =	vld.idx.msk [tilespmem:v24+s17+$0x0], $0xffff  }
0x14b: {  	v3 =	vadd.bf16 v3, v13;
	v13 =	vmul.bf16 v28, v1;
	v14 =	vmul.bf16 v29, v6  }
0x14c: {  	v10 =	vmul.bf16 v17, v10;
	v7 =	vmul.bf16 v18, v7;
	v11 =	vadd.bf16 v11, v21  }
0x14d: {  	v2 =	vmul.bf16 v19, v2;
	v4 =	vadd.bf16 v9, v4;
	v9 =	vadd.bf16 v14, v13  }
0x14e: {  	v7 =	vadd.bf16 v7, v10;
	v0 =	vmul.bf16 v16, v0;
	v1 =	vmul.bf16 v15, v1  }
0x14f: {  	v13 =	vshll.u32 v11, $0x10;
	v4 =	vadd.bf16 v9, v4;
	v6 =	vmul.bf16 v12, v6  }
0x150: {  	v8 =	vadd.bf16 v20, v8;
	v9 =	vadd.f32 v13, v11  }
0x151: {  	v0 =	vadd.bf16 v0, v2;
	v10 =	vshll.u32 v4, $0x10;
	v1 =	vadd.bf16 v6, v1  }
0x152: {  	v2 =	vadd.bf16 v7, v5;
	v5 =	vshll.u32 v3, $0x10;
	v4 =	vadd.f32 v10, v4  }
0x153: {  	v3 =	vadd.f32 v5, v3;
	v6 =	vshll.u32 v8, $0x10;
	[tilespmem:s10+$0x1BE00] =	vst v9;
	v0 =	vadd.bf16 v1, v0  }
0x154: {  	v1 =	vshll.u32 v2, $0x10;
	[tilespmem:s10+$0x1C200] =	vst v4;
	v4 =	vadd.f32 v6, v8  }
0x155: {  	[tilespmem:s6+$0x1C600] =	vst v3;
	v1 =	vadd.f32 v1, v2;
	v2 =	vshll.u32 v0, $0x10  }
0x156: {  	[tilespmem:s10+$0x1BE10] =	vst v4;
	v0 =	vadd.f32 v2, v0  }
0x157: {  	s2 =	sshrl.u32 s9, $0x3;
	s19 =	smov.u32 s1;
	[tilespmem:s10+$0x1C210] =	vst v1  }
0x158: {  	s12 =	sshrl.u32 s8, $0x3;
	s2 =	sadd.s32 s1, s2;
	[tilespmem:s10+$0x1C600] =	vst v0;
	s10 =	simm.s32 $0x1BD80  }
0x159: {  	[hbm4b:s2+s14] =	stream.strided.scatter [tilespmem:s10], [sflag:$0x3], $0x400, s15, s14, $0x38;
	[tilespmem:$0x1D580] =	vst v63  }
0x15a: {  	s13 =	simm.s32 $0x1C180;
	s1 =	sshrl.u32 s7, $0x3;
	s2 =	sadd.s32 s19, s12  }
0x15b: {  	[hbm4b:s2+s14] =	stream.strided.scatter [tilespmem:s13], [sflag:$0x3], $0x400, s15, s14, $0x38;
	[tilespmem:$0x1D580] =	vst v63  }
0x15c: {  	p1 =	seq.s32 s20, $0x1F;
	s6 =	simm.s32 $0x1C580;
	s2 =	sadd.s32 s19, s1  }
0x15d: {  	[hbm4b:s2+s14] =	stream.strided.scatter [tilespmem:s6], [sflag:$0x3], $0x400, s15, s14, $0x38;
	[tilespmem:$0x1D580] =	vst v63  }
0x15e: {  	s2 =	sadd.s32 @!p1 $0x2, s5  }
0x15f: {  	s1 =	rddreg [dreg:$0x6];
	s5 =	sshll.u32 @!p1 s2, $0xA  }
0x160: {  	s5 =	sadd.s32 @!p1 s1, s5  }
0x161: {  	s2 =	sshll.u32 @!p1 s2, $0x8;
	s1 =	rddreg [dreg:$0x4];
	s5 =	sand.u32 @!p1 $0x7F000, s5  }
0x162: {  	s2 =	sand.u32 @!p1 $0x200, s2;
	s6 =	sadd.s32 @!p1 s1, s5  }
0x163: {  	s6 =	sor.u32 @!p1 s2, s6  }
0x164: {  	s7 =	simm.s32 @!p1 $0x100;
	s1 =	rddreg [dreg:$0x1];
	s6 =	sshrl.u32 @!p1 s6, $0x3  }
0x165: {  	s8 =	simm.s32 @!p1 $0x400;
	s9 =	simm.s32 @!p1 $0x1A580;
	s6 =	sadd.s32 @!p1 s1, s6  }
0x166: {  	[tilespmem:s9], [sflag:$0x1] =	stream.strided.gather @!p1 [hbm4b:s6+s7], $0x400, s8, s7, $0x38;
	[tilespmem:$0x1D580] =	vst v63  }
0x167: {  	s6 =	rddreg [dreg:$0x7]  }
0x168: {  	s6 =	sadd.s32 @!p1 s6, s5  }
0x169: {  	s6 =	sor.u32 @!p1 s2, s6  }
0x16a: {  	s6 =	sshrl.u32 @!p1 s6, $0x3  }
0x16b: {  	s9 =	simm.s32 @!p1 $0x1A980;
	s6 =	sadd.s32 @!p1 s1, s6  }
0x16c: {  	[tilespmem:s9], [sflag:$0x1] =	stream.strided.gather @!p1 [hbm4b:s6+s7], $0x400, s8, s7, $0x38;
	[tilespmem:$0x1D580] =	vst v63  }
0x16d: {  	s6 =	rddreg [dreg:$0x8]  }
0x16e: {  	s5 =	sadd.s32 @!p1 s6, s5  }
0x16f: {  	s2 =	sor.u32 @!p1 s2, s5  }
0x170: {  	s2 =	sshrl.u32 @!p1 s2, $0x3  }
0x171: {  	s5 =	simm.s32 @!p1 $0x1AD80;
	s2 =	sadd.s32 @!p1 s1, s2  }
0x172: {  	[tilespmem:s5], [sflag:$0x1] =	stream.strided.gather @!p1 [hbm4b:s2+s7], $0x400, s8, s7, $0x38;
	[tilespmem:$0x1D580] =	vst v63  }
0x173: {  	_ =	swait.ge [sflag:s11], $0x400  }
0x174: {  	[sflag:s11] =	ssyncset.done $0x0  }
0x175: {  	[sflag:s11] =	ssyncadd.s32 $0xFFFFFC00  }
0x176: {  	_ =	swait.ge [sflag:s11], $0x400  }
0x177: {  	[sflag:s11] =	ssyncset.done $0x0  }
0x178: {  	[sflag:s11] =	ssyncadd.s32 $0xFFFFFC00  }
0x179: {  	_ =	swait.ge [sflag:s11], $0x400  }
0x17a: {  	[sflag:s11] =	ssyncset.done $0x0  }
0x17b: {  	s2 =	simm.s32 @!p0 $0x4;
	[sflag:s11] =	ssyncadd.s32 $0xFFFFFC00  }
0x17c: {  	_ =	swait.ge @!p0 [sflag:s2], $0x400  }
0x17d: {  	[sflag:s2] =	ssyncset.done @!p0 $0x0  }
0x17e: {  	[sflag:s2] =	ssyncadd.s32 @!p0 $0xFFFFFC00  }
0x17f: {  	_ =	swait.ge @!p0 [sflag:s2], $0x400  }
0x180: {  	[sflag:s2] =	ssyncset.done @!p0 $0x0  }
0x181: {  	[sflag:s2] =	ssyncadd.s32 @!p0 $0xFFFFFC00  }
0x182: {  	s7 =	simm.s32 $0x0;
	s8 =	simm.s32 $0x0;
	_ =	swait.ge @!p0 [sflag:s2], $0x400  }
0x183: {  	s6 =	sand.u32 $0x60, s8;
	s5 =	sand.u32 $0x300, s7;
	[sflag:s2] =	ssyncset.done @!p0 $0x0  }
0x184: {  	s6 =	sor.u32 s6, s5;
	[sflag:s2] =	ssyncadd.s32 @!p0 $0xFFFFFC00  }
0x185: {  	v0 =	vld [tilespmem:s6+$0x1B590]  }
0x186: {  	v1 =	vld [tilespmem:s6+$0x1B990]  }
0x187: {  	v2 =	vld [tilespmem:s6+$0x1B190]  }
0x188: {  	v3 =	vld [tilespmem:s6+$0x1B580]  }
0x189: {  	v5 =	vld [tilespmem:s6+$0x1B180];
	_ =	sdelay $0x2  }
0x18a: {  	v4 =	vmul.f32 $3.199996760e+01, v0;
	v1 =	vmul.f32 $3.199996760e+01, v1  }
0x18b: {  	v0 =	vld [tilespmem:s6+$0x1B980];
	v2 =	vmul.f32 $3.199996760e+01, v2;
	v3 =	vmul.f32 $3.199996760e+01, v3  }
0x18c: {  	v15 =	vld [tilespmem:s6+$0x1B210];
	v5 =	vmul.f32 $3.199996760e+01, v5;
	v6 =	vtrunc.f32 v4  }
0x18d: {  	v7 =	vtrunc.f32 v1;
	v6 =	vcvt.f32.s32 v6  }
0x18e: {  	v8 =	vtrunc.f32 v2;
	v7 =	vcvt.f32.s32 v7  }
0x18f: {  	v12 =	vtrunc.f32 v3;
	v8 =	vcvt.f32.s32 v8;
	v10 =	vmul.u32 $0x21, v6  }
0x190: {  	v9 =	vld [tilespmem:s6+$0x1B600];
	v12 =	vcvt.f32.s32 v12;
	v11 =	vmul.f32 $3.199996760e+01, v0;
	v0 =	vmul.u32 $0x441, v7  }
0x191: {  	v15 =	vmul.f32 $3.199996760e+01, v15;
	v10 =	vadd.s32 v8, v10  }
0x192: {  	v18 =	vld [tilespmem:s6+$0x1B610];
	v14 =	vtrunc.f32 v5;
	v16 =	vcvt.s32.f32 v12;
	v10 =	vadd.s32 v0, v10  }
0x193: {  	v12 =	vmul.u32 $0x21, v12;
	v6 =	vcvt.s32.f32 v6;
	v7 =	vcvt.s32.f32 v7  }
0x194: {  	v13 =	vtrunc.f32 v11;
	v3 =	vsub.f32 v3, v16;
	v8 =	vcvt.s32.f32 v8  }
0x195: {  	v0 =	vmul.f32 $3.199996760e+01, v9;
	v9 =	vcvt.f32.s32 v14;
	v14 =	vld [tilespmem:s6+$0x1BA10];
	v19 =	vadd.s32 $0x1, v10  }
0x196: {  	v4 =	vsub.f32 v4, v6;
	v1 =	vsub.f32 v1, v7;
	v13 =	vcvt.f32.s32 v13  }
0x197: {  	v16 =	vadd.s32 $0x2, v10;
	v2 =	vsub.f32 v2, v8;
	v8 =	vmul.f32 $3.199996760e+01, v18;
	v21 =	vld.idx.msk [tilespmem:v10+s4+$0x0], $0xffff  }
0x198: {  	v18 =	vsub.f32 $1.000000000e+00, v4;
	v23 =	vsub.f32 $1.000000000e+00, v1;
	v17 =	vcvt.s32.f32 v13;
	v22 =	vld.idx.msk [tilespmem:v10+s28+$0x0], $0xffff  }
0x199: {  	v13 =	vmul.u32 $0x441, v13;
	v20 =	vcvt.s32.f32 v9;
	v25 =	vtrunc.f32 v8;
	v7 =	vld.idx.msk [tilespmem:v10+s0+$0x0], $0xffff  }
0x19a: {  	v9 =	vadd.s32 v9, v12;
	v28 =	vmul.f32 v23, v18;
	v6 =	vmul.f32 $3.199996760e+01, v14;
	v14 =	vld.idx.msk [tilespmem:v19+s24+$0x0], $0xffff  }
0x19b: {  	v27 =	vsub.f32 $1.000000000e+00, v2;
	v23 =	vmul.f32 v23, v4;
	v4 =	vmul.f32 v1, v4;
	v12 =	vld.idx.msk [tilespmem:v19+s25+$0x0], $0xffff  }
0x19c: {  	v1 =	vmul.f32 v1, v18;
	v25 =	vcvt.f32.s32 v25;
	v11 =	vsub.f32 v11, v17;
	v26 =	vld.idx.msk [tilespmem:v16+s26+$0x0], $0xffff  }
0x19d: {  	v10 =	vtrunc.f32 v15;
	v2 =	vpack.i.f32.bf16 v2, v27;
	v18 =	vpack.i.f32.bf16 v28, v28;
	v17 =	vld.idx.msk [tilespmem:v19+s29+$0x0], $0xffff  }
0x19e: {  	v23 =	vpack.i.f32.bf16 v23, v23;
	v4 =	vpack.i.f32.bf16 v4, v4;
	v10 =	vcvt.f32.s32 v10;
	v29 =	vld.idx.msk [tilespmem:v19+s30+$0x0], $0xffff  }
0x19f: {  	v1 =	vpack.i.f32.bf16 v1, v1;
	v27 =	vld.idx.msk [tilespmem:v16+s31+$0x0], $0xffff;
	v18 =	vmul.bf16 v18, v2;
	v23 =	vmul.bf16 v23, v2  }
0x1a0: {  	v9 =	vadd.s32 v13, v9;
	v4 =	vmul.bf16 v4, v2;
	v13 =	vld.idx.msk [tilespmem:v19+s16+$0x0], $0xffff;
	v1 =	vmul.bf16 v1, v2  }
0x1a1: {  	v16 =	vld.idx.msk [tilespmem:v16+s17+$0x0], $0xffff;
	v24 =	vtrunc.f32 v6;
	v2 =	vmul.bf16 v21, v18  }
0x1a2: {  	v28 =	vld.idx.msk [tilespmem:v19+s3+$0x0], $0xffff;
	v21 =	vmul.bf16 v22, v18;
	v7 =	vmul.bf16 v7, v18  }
0x1a3: {  	v5 =	vsub.f32 v5, v20;
	v14 =	vmul.bf16 v14, v23;
	v12 =	vmul.bf16 v12, v1  }
0x1a4: {  	v19 =	vsub.f32 $1.000000000e+00, v3;
	v20 =	vmul.bf16 v26, v4;
	v17 =	vmul.bf16 v17, v23  }
0x1a5: {  	v18 =	vsub.f32 $1.000000000e+00, v11;
	v22 =	vmul.bf16 v29, v1;
	v26 =	vmul.bf16 v27, v4  }
0x1a6: {  	v1 =	vmul.bf16 v13, v1;
	v4 =	vmul.bf16 v16, v4;
	v2 =	vadd.bf16 v14, v2  }
0x1a7: {  	v14 =	vmul.bf16 v28, v23;
	v12 =	vadd.bf16 v20, v12;
	v13 =	vadd.bf16 v17, v21  }
0x1a8: {  	v16 =	vadd.bf16 v26, v22;
	v1 =	vadd.bf16 v4, v1;
	v4 =	vmul.u32 $0x21, v25  }
0x1a9: {  	v7 =	vadd.bf16 v14, v7;
	v14 =	vcvt.f32.s32 v24;
	v2 =	vadd.bf16 v12, v2  }
0x1aa: {  	v12 =	vadd.bf16 v16, v13;
	v13 =	vadd.s32 $0x1, v9;
	v4 =	vadd.s32 v10, v4  }
0x1ab: {  	v10 =	vcvt.s32.f32 v10;
	v16 =	vmul.u32 $0x441, v14;
	v17 =	vshll.u32 v2, $0x10  }
0x1ac: {  	v1 =	vadd.bf16 v1, v7;
	v7 =	vshll.u32 v12, $0x10;
	v14 =	vcvt.s32.f32 v14  }
0x1ad: {  	v2 =	vadd.f32 v17, v2;
	v7 =	vadd.f32 v7, v12;
	v4 =	vadd.s32 v16, v4  }
0x1ae: {  	v12 =	vshll.u32 v1, $0x10;
	v16 =	vcvt.s32.f32 v25;
	v6 =	vsub.f32 v6, v14  }
0x1af: {  	v20 =	vld [tilespmem:s6+$0x1BA00];
	v14 =	vmul.f32 v18, v3;
	v3 =	vmul.f32 v11, v3;
	v21 =	vadd.s32 $0x1, v4  }
0x1b0: {  	s12 =	simm.s32 $0x20;
	s13 =	simm.s32 $0x40;
	v17 =	vld.idx.msk [tilespmem:v9+s4+$0x0], $0xffff;
	v1 =	vadd.f32 v12, v1;
	v12 =	vadd.s32 $0x2, v9;
	[tilespmem:s6+$0x1C990] =	vst v2;
	v2 =	vsub.f32 v8, v16  }
0x1b1: {  	s10 =	sand.u32 $0x300, s13;
	s9 =	sand.u32 $0x60, s12;
	v22 =	vld.idx.msk [tilespmem:v13+s24+$0x0], $0xffff;
	v8 =	vmul.f32 v18, v19;
	v18 =	vsub.f32 $1.000000000e+00, v5;
	v19 =	vmul.f32 v11, v19  }
0x1b2: {  	s10 =	sor.u32 s9, s10;
	[tilespmem:s6+$0x1CD90] =	vst v7;
	v7 =	vsub.f32 v15, v10;
	v10 =	vld.idx.msk [tilespmem:v13+s25+$0x0], $0xffff;
	v16 =	vsub.f32 $1.000000000e+00, v6;
	v14 =	vpack.i.f32.bf16 v14, v14  }
0x1b3: {  	v29 =	vld [tilespmem:s10+$0x1B210];
	v3 =	vpack.i.f32.bf16 v3, v3;
	[tilespmem:s6+$0x1D190] =	vst v1;
	v19 =	vpack.i.f32.bf16 v19, v19;
	v5 =	vpack.i.f32.bf16 v5, v18  }
0x1b4: {  	v8 =	vpack.i.f32.bf16 v8, v8;
	v11 =	vld.idx.msk [tilespmem:v4+s0+$0x0], $0xffff;
	v14 =	vmul.bf16 v14, v5;
	v19 =	vmul.bf16 v19, v5  }
0x1b5: {  	v1 =	vsub.f32 $1.000000000e+00, v2;
	v8 =	vmul.bf16 v8, v5;
	v3 =	vmul.bf16 v3, v5;
	v5 =	vld.idx.msk [tilespmem:v9+s28+$0x0], $0xffff  }
0x1b6: {  	v15 =	vmul.f32 $3.199996760e+01, v20;
	v20 =	vld.idx.msk [tilespmem:v21+s3+$0x0], $0xffff  }
0x1b7: {  	v23 =	vsub.f32 $1.000000000e+00, v7;
	v24 =	vmul.f32 v16, v1;
	v25 =	vld.idx.msk [tilespmem:v21+s16+$0x0], $0xffff  }
0x1b8: {  	v16 =	vmul.f32 v16, v2;
	v1 =	vmul.f32 v6, v1;
	v26 =	vld.idx.msk [tilespmem:v12+s26+$0x0], $0xffff  }
0x1b9: {  	v2 =	vmul.f32 v6, v2;
	v6 =	vpack.i.f32.bf16 v7, v23;
	v23 =	vld.idx.msk [tilespmem:v13+s29+$0x0], $0xffff;
	v7 =	vpack.i.f32.bf16 v24, v24  }
0x1ba: {  	v29 =	vmul.f32 $3.199996760e+01, v29;
	v1 =	vpack.i.f32.bf16 v1, v1;
	v24 =	vmul.bf16 v7, v6;
	v7 =	vld.idx.msk [tilespmem:v13+s30+$0x0], $0xffff  }
0x1bb: {  	v16 =	vpack.i.f32.bf16 v16, v16;
	v2 =	vpack.i.f32.bf16 v2, v2;
	v27 =	vmul.bf16 v1, v6;
	v1 =	vld.idx.msk [tilespmem:v12+s31+$0x0], $0xffff  }
0x1bc: {  	v16 =	vmul.bf16 v16, v6;
	v6 =	vmul.bf16 v2, v6;
	v2 =	vld.idx.msk [tilespmem:v13+s3+$0x0], $0xffff  }
0x1bd: {  	v22 =	vmul.bf16 v22, v14;
	v10 =	vmul.bf16 v10, v19;
	v13 =	vld.idx.msk [tilespmem:v13+s16+$0x0], $0xffff  }
0x1be: {  	v12 =	vld.idx.msk [tilespmem:v12+s17+$0x0], $0xffff;
	v5 =	vmul.bf16 v5, v8;
	v18 =	vmul.bf16 v20, v16  }
0x1bf: {  	v9 =	vld.idx.msk [tilespmem:v9+s0+$0x0], $0xffff;
	v20 =	vmul.bf16 v25, v27;
	v25 =	vmul.bf16 v26, v3  }
0x1c0: {  	v11 =	vmul.bf16 v11, v24;
	v23 =	vmul.bf16 v23, v14;
	v26 =	vld [tilespmem:s6+$0x1B200]  }
0x1c1: {  	v10 =	vadd.bf16 v25, v10;
	v7 =	vmul.bf16 v7, v19;
	v1 =	vmul.bf16 v1, v3  }
0x1c2: {  	v5 =	vadd.bf16 v23, v5;
	v2 =	vmul.bf16 v2, v14;
	v13 =	vmul.bf16 v13, v19  }
0x1c3: {  	v14 =	vadd.s32 $0x2, v4;
	v3 =	vmul.bf16 v12, v3;
	v12 =	vmul.bf16 v17, v8  }
0x1c4: {  	v17 =	vtrunc.f32 v15;
	v1 =	vadd.bf16 v1, v7;
	v7 =	vmul.bf16 v9, v8  }
0x1c5: {  	v19 =	vld.idx.msk [tilespmem:v21+s24+$0x0], $0xffff;
	v8 =	vtrunc.f32 v0;
	v9 =	vadd.bf16 v22, v12;
	v12 =	vmul.f32 $3.199996760e+01, v26  }
0x1c6: {  	v3 =	vadd.bf16 v3, v13;
	v13 =	vcvt.f32.s32 v17;
	v2 =	vadd.bf16 v2, v7  }
0x1c7: {  	v7 =	vcvt.f32.s32 v8;
	v8 =	vtrunc.f32 v12;
	v9 =	vadd.bf16 v10, v9  }
0x1c8: {  	v1 =	vadd.bf16 v1, v5;
	v17 =	vcvt.s32.f32 v13;
	v13 =	vmul.u32 $0x441, v13  }
0x1c9: {  	v10 =	vld.idx.msk [tilespmem:v14+s17+$0x0], $0xffff;
	v5 =	vcvt.f32.s32 v8;
	v3 =	vadd.bf16 v3, v2;
	v2 =	vcvt.s32.f32 v7  }
0x1ca: {  	v8 =	vld.idx.msk [tilespmem:v4+s4+$0x0], $0xffff;
	v19 =	vmul.bf16 v19, v16;
	v7 =	vmul.u32 $0x21, v7;
	v22 =	vshll.u32 v9, $0x10  }
0x1cb: {  	v25 =	vld.idx.msk [tilespmem:v21+s25+$0x0], $0xffff;
	v23 =	vshll.u32 v1, $0x10;
	v26 =	vshll.u32 v3, $0x10;
	v0 =	vsub.f32 v0, v2  }
0x1cc: {  	v2 =	vadd.s32 v5, v7;
	v7 =	vadd.f32 v22, v9;
	v5 =	vcvt.s32.f32 v5;
	v9 =	vld.idx.msk [tilespmem:v4+s28+$0x0], $0xffff  }
0x1cd: {  	v4 =	vsub.f32 v15, v17;
	v15 =	vld.idx.msk [tilespmem:v21+s29+$0x0], $0xffff;
	v2 =	vadd.s32 v13, v2;
	v13 =	vadd.f32 v23, v1  }
0x1ce: {  	v28 =	vld.idx.msk [tilespmem:v14+s26+$0x0], $0xffff;
	v3 =	vadd.f32 v26, v3;
	v1 =	vadd.s32 $0x1, v2;
	v10 =	vmul.bf16 v10, v6  }
0x1cf: {  	v21 =	vld.idx.msk [tilespmem:v21+s30+$0x0], $0xffff;
	v17 =	vsub.f32 $1.000000000e+00, v0;
	v22 =	vsub.f32 $1.000000000e+00, v4;
	v8 =	vmul.bf16 v8, v24  }
0x1d0: {  	v11 =	vadd.bf16 v18, v11;
	[tilespmem:s6+$0x1C980] =	vst v7;
	v5 =	vsub.f32 v12, v5;
	v7 =	vadd.s32 $0x2, v2;
	v12 =	vld.idx.msk [tilespmem:v14+s31+$0x0], $0xffff  }
0x1d1: {  	[tilespmem:s6+$0x1D180] =	vst v3;
	v10 =	vadd.bf16 v10, v20;
	v3 =	vmul.f32 v22, v17;
	v8 =	vadd.bf16 v19, v8;
	v19 =	vld [tilespmem:s10+$0x1B590]  }
0x1d2: {  	[tilespmem:s6+$0x1CD80] =	vst v13;
	v13 =	vsub.f32 $1.000000000e+00, v5;
	v17 =	vmul.f32 v4, v17;
	v15 =	vmul.bf16 v15, v16;
	v16 =	vld [tilespmem:s10+$0x1B990]  }
0x1d3: {  	v4 =	vmul.f32 v4, v0;
	v14 =	vld.idx.msk [tilespmem:v2+s4+$0x0], $0xffff;
	v10 =	vadd.bf16 v10, v11;
	v11 =	vmul.f32 v22, v0  }
0x1d4: {  	v23 =	vmul.bf16 v25, v27;
	v9 =	vmul.bf16 v9, v24;
	v0 =	vpack.i.f32.bf16 v3, v3;
	v18 =	vld.idx.msk [tilespmem:v1+s24+$0x0], $0xffff  }
0x1d5: {  	v3 =	vpack.i.f32.bf16 v5, v13;
	v20 =	vpack.i.f32.bf16 v4, v4;
	v13 =	vld.idx.msk [tilespmem:v1+s25+$0x0], $0xffff;
	v5 =	vpack.i.f32.bf16 v11, v11  }
0x1d6: {  	v11 =	vpack.i.f32.bf16 v17, v17;
	v17 =	vld.idx.msk [tilespmem:v7+s26+$0x0], $0xffff;
	v22 =	vshll.u32 v10, $0x10;
	v4 =	vmul.bf16 v5, v3  }
0x1d7: {  	v5 =	vmul.bf16 v11, v3;
	v11 =	vld.idx.msk [tilespmem:v2+s28+$0x0], $0xffff;
	v10 =	vadd.f32 v22, v10;
	v22 =	vmul.bf16 v28, v6  }
0x1d8: {  	v0 =	vmul.bf16 v0, v3;
	v3 =	vmul.bf16 v20, v3;
	v20 =	vld.idx.msk [tilespmem:v1+s29+$0x0], $0xffff  }
0x1d9: {  	v25 =	vld.idx.msk [tilespmem:v1+s30+$0x0], $0xffff;
	v12 =	vmul.bf16 v12, v6;
	v19 =	vmul.f32 $3.199996760e+01, v19;
	v22 =	vadd.bf16 v22, v23  }
0x1da: {  	v26 =	vld.idx.msk [tilespmem:v7+s31+$0x0], $0xffff;
	v9 =	vadd.bf16 v15, v9;
	v14 =	vmul.bf16 v14, v0;
	v18 =	vmul.bf16 v18, v4  }
0x1db: {  	v23 =	vld [tilespmem:s10+$0x1B180];
	v13 =	vmul.bf16 v13, v5;
	v17 =	vmul.bf16 v17, v3;
	v6 =	vadd.bf16 v22, v8  }
0x1dc: {  	v22 =	vmul.f32 $3.199996760e+01, v16;
	v14 =	vadd.bf16 v18, v14;
	v18 =	vmul.bf16 v21, v27;
	v21 =	vld [tilespmem:s10+$0x1B190]  }
0x1dd: {  	v11 =	vmul.bf16 v11, v0;
	v15 =	vmul.bf16 v20, v4;
	v13 =	vadd.bf16 v17, v13  }
0x1de: {  	v20 =	vld [tilespmem:s10+$0x1B580];
	v17 =	vmul.bf16 v25, v5;
	v16 =	vtrunc.f32 v22;
	v8 =	vadd.bf16 v12, v18  }
0x1df: {  	v12 =	vld [tilespmem:s10+$0x1B980];
	v11 =	vadd.bf16 v15, v11;
	v18 =	vmul.bf16 v26, v3;
	v24 =	vcvt.f32.s32 v16  }
0x1e0: {  	v23 =	vmul.f32 $3.199996760e+01, v23;
	v15 =	vadd.bf16 v13, v14;
	v14 =	vtrunc.f32 v19  }
0x1e1: {  	v9 =	vadd.bf16 v8, v9;
	v8 =	vadd.bf16 v18, v17;
	v13 =	vmul.f32 $3.199996760e+01, v21  }
0x1e2: {  	v14 =	vcvt.f32.s32 v14;
	v28 =	vtrunc.f32 v23  }
0x1e3: {  	v16 =	vadd.bf16 v8, v11;
	v8 =	vmul.f32 $3.199996760e+01, v20;
	v18 =	vtrunc.f32 v13  }
0x1e4: {  	v21 =	vld [tilespmem:s10+$0x1B600];
	v20 =	vmul.f32 $3.199996760e+01, v12;
	v12 =	vmul.u32 $0x441, v24;
	v24 =	vcvt.s32.f32 v24  }
0x1e5: {  	v11 =	vcvt.f32.s32 v18;
	v18 =	vmul.u32 $0x21, v14;
	v25 =	vtrunc.f32 v8  }
0x1e6: {  	v14 =	vcvt.s32.f32 v14;
	v26 =	vtrunc.f32 v20  }
0x1e7: {  	v32 =	vld [tilespmem:s10+$0x1B610];
	v25 =	vcvt.f32.s32 v25;
	v18 =	vadd.s32 v11, v18;
	v26 =	vcvt.f32.s32 v26  }
0x1e8: {  	v11 =	vcvt.s32.f32 v11;
	v14 =	vsub.f32 v19, v14;
	v27 =	vadd.s32 v12, v18  }
0x1e9: {  	v19 =	vsub.f32 v22, v24;
	v12 =	vmul.f32 $3.199996760e+01, v21;
	v21 =	vcvt.f32.s32 v28  }
0x1ea: {  	v30 =	vcvt.s32.f32 v25;
	v25 =	vmul.u32 $0x21, v25;
	v31 =	vcvt.s32.f32 v26  }
0x1eb: {  	v28 =	vld [tilespmem:s10+$0x1BA10];
	v26 =	vmul.u32 $0x441, v26;
	v33 =	vadd.s32 $0x1, v27;
	v11 =	vsub.f32 v13, v11  }
0x1ec: {  	v13 =	vmul.f32 $3.199996760e+01, v32;
	v45 =	vsub.f32 $1.000000000e+00, v14;
	v37 =	vsub.f32 $1.000000000e+00, v19  }
0x1ed: {  	v34 =	vcvt.s32.f32 v21;
	v8 =	vsub.f32 v8, v30;
	v30 =	vadd.s32 $0x2, v27;
	v35 =	vld.idx.msk [tilespmem:v27+s4+$0x0], $0xffff  }
0x1ee: {  	v21 =	vadd.s32 v21, v25;
	v39 =	vtrunc.f32 v13;
	v42 =	vmul.f32 v37, v45;
	v36 =	vld.idx.msk [tilespmem:v27+s28+$0x0], $0xffff  }
0x1ef: {  	v41 =	vsub.f32 $1.000000000e+00, v11;
	v37 =	vmul.f32 v37, v14;
	v14 =	vmul.f32 v19, v14;
	v24 =	vld.idx.msk [tilespmem:v27+s0+$0x0], $0xffff  }
0x1f0: {  	v20 =	vsub.f32 v20, v31;
	v19 =	vmul.f32 v19, v45;
	v22 =	vmul.f32 $3.199996760e+01, v28;
	v28 =	vld.idx.msk [tilespmem:v33+s24+$0x0], $0xffff  }
0x1f1: {  	v21 =	vadd.s32 v26, v21;
	v39 =	vcvt.f32.s32 v39;
	v49 =	vsub.f32 $1.000000000e+00, v8;
	v25 =	vld.idx.msk [tilespmem:v33+s25+$0x0], $0xffff  }
0x1f2: {  	v27 =	vtrunc.f32 v29;
	v11 =	vpack.i.f32.bf16 v11, v41;
	v46 =	vpack.i.f32.bf16 v42, v42;
	v31 =	vld.idx.msk [tilespmem:v33+s29+$0x0], $0xffff  }
0x1f3: {  	v37 =	vpack.i.f32.bf16 v37, v37;
	v14 =	vpack.i.f32.bf16 v14, v14;
	v27 =	vcvt.f32.s32 v27;
	v43 =	vld.idx.msk [tilespmem:v33+s30+$0x0], $0xffff  }
0x1f4: {  	v19 =	vpack.i.f32.bf16 v19, v19;
	v32 =	vmul.bf16 v46, v11;
	v37 =	vmul.bf16 v37, v11;
	v26 =	vld.idx.msk [tilespmem:v33+s16+$0x0], $0xffff  }
0x1f5: {  	v51 =	vsub.f32 $1.000000000e+00, v20;
	v14 =	vmul.bf16 v14, v11;
	v11 =	vmul.bf16 v19, v11;
	v40 =	vld.idx.msk [tilespmem:v30+s26+$0x0], $0xffff  }
0x1f6: {  	v57 =	vcvt.s32.f32 v39;
	v38 =	vtrunc.f32 v22;
	v47 =	vld.idx.msk [tilespmem:v30+s31+$0x0], $0xffff  }
0x1f7: {  	v17 =	vshll.u32 v15, $0x10;
	v30 =	vld.idx.msk [tilespmem:v30+s17+$0x0], $0xffff;
	v59 =	vmul.f32 v51, v49;
	v19 =	vmul.bf16 v35, v32  }
0x1f8: {  	v15 =	vadd.f32 v17, v15;
	v48 =	vld.idx.msk [tilespmem:v33+s3+$0x0], $0xffff;
	v50 =	vmul.bf16 v36, v32;
	v24 =	vmul.bf16 v24, v32  }
0x1f9: {  	v18 =	vshll.u32 v16, $0x10;
	v28 =	vmul.bf16 v28, v37;
	v25 =	vmul.bf16 v25, v11  }
0x1fa: {  	v23 =	vsub.f32 v23, v34;
	v31 =	vmul.bf16 v31, v37;
	v54 =	vmul.bf16 v43, v11  }
0x1fb: {  	v53 =	vadd.s32 $0x1, v21;
	v11 =	vmul.bf16 v26, v11;
	v52 =	vmul.bf16 v40, v14  }
0x1fc: {  	v13 =	vsub.f32 v13, v57;
	v41 =	vmul.bf16 v47, v14;
	v14 =	vmul.bf16 v30, v14  }
0x1fd: {  	v19 =	vadd.bf16 v28, v19;
	v28 =	vmul.bf16 v48, v37;
	v26 =	vadd.bf16 v31, v50  }
0x1fe: {  	v30 =	vadd.s32 $0x2, v21;
	v25 =	vadd.bf16 v52, v25;
	v31 =	vadd.bf16 v41, v54  }
0x1ff: {  	v11 =	vadd.bf16 v14, v11;
	v14 =	vmul.u32 $0x21, v39;
	v24 =	vadd.bf16 v28, v24  }
0x200: {  	v28 =	vcvt.f32.s32 v38;
	v38 =	vpack.i.f32.bf16 v59, v59;
	v19 =	vadd.bf16 v25, v19  }
0x201: {  	v25 =	vsub.f32 $1.000000000e+00, v23;
	v26 =	vadd.bf16 v31, v26;
	v14 =	vadd.s32 v27, v14  }
0x202: {  	v58 =	vld.idx.msk [tilespmem:v21+s4+$0x0], $0xffff;
	v31 =	vmul.u32 $0x441, v28;
	v11 =	vadd.bf16 v11, v24;
	v55 =	vshll.u32 v19, $0x10  }
0x203: {  	v24 =	vld [tilespmem:s10+$0x1BA00];
	v28 =	vcvt.s32.f32 v28;
	v56 =	vshll.u32 v26, $0x10;
	v19 =	vadd.f32 v55, v19  }
0x204: {  	v23 =	vpack.i.f32.bf16 v23, v25;
	v31 =	vadd.s32 v31, v14;
	v14 =	vadd.f32 v56, v26  }
0x205: {  	v60 =	vsub.f32 $1.000000000e+00, v13;
	v36 =	vld.idx.msk [tilespmem:v53+s16+$0x0], $0xffff;
	v26 =	vshll.u32 v11, $0x10;
	v38 =	vmul.bf16 v38, v23;
	[tilespmem:s10+$0x1C990] =	vst v19  }
0x206: {  	v50 =	vld.idx.msk [tilespmem:v53+s30+$0x0], $0xffff;
	v19 =	vcvt.s32.f32 v27;
	[tilespmem:s10+$0x1CD90] =	vst v14;
	v14 =	vsub.f32 v22, v28;
	v28 =	vmul.f32 v51, v8  }
0x207: {  	v11 =	vadd.f32 v26, v11;
	v56 =	vmul.bf16 v58, v38;
	v58 =	vld.idx.msk [tilespmem:v7+s17+$0x0], $0xffff;
	v7 =	vtrunc.f32 v12  }
0x208: {  	v48 =	vld.idx.msk [tilespmem:v30+s26+$0x0], $0xffff;
	v34 =	vadd.s32 $0x1, v31;
	v24 =	vmul.f32 $3.199996760e+01, v24;
	v7 =	vcvt.f32.s32 v7  }
0x209: {  	v26 =	vld.idx.msk [tilespmem:v53+s24+$0x0], $0xffff;
	[tilespmem:s10+$0x1D190] =	vst v11;
	v11 =	vsub.f32 v29, v19;
	v19 =	vmul.f32 v20, v49;
	v61 =	vsub.f32 $1.000000000e+00, v14  }
0x20a: {  	v22 =	vld.idx.msk [tilespmem:v53+s25+$0x0], $0xffff;
	v20 =	vmul.f32 v20, v8;
	v63 =	vmul.f32 v14, v13;
	v28 =	vpack.i.f32.bf16 v28, v28  }
0x20b: {  	v27 =	vadd.s32 $0x2, v31;
	v51 =	vld.idx.msk [tilespmem:v30+s31+$0x0], $0xffff;
	v32 =	vmul.f32 v14, v60;
	v28 =	vmul.bf16 v28, v23  }
0x20c: {  	v30 =	vld.idx.msk [tilespmem:v30+s17+$0x0], $0xffff;
	v8 =	vsub.f32 $1.000000000e+00, v11;
	v46 =	vmul.f32 v61, v60;
	v19 =	vpack.i.f32.bf16 v19, v19  }
0x20d: {  	v29 =	vld.idx.msk [tilespmem:v31+s0+$0x0], $0xffff;
	v13 =	vmul.f32 v61, v13;
	v20 =	vpack.i.f32.bf16 v20, v20;
	v19 =	vmul.bf16 v19, v23  }
0x20e: {  	v62 =	vld.idx.msk [tilespmem:v34+s3+$0x0], $0xffff;
	v20 =	vmul.bf16 v20, v23;
	v8 =	vpack.i.f32.bf16 v11, v8;
	v11 =	vpack.i.f32.bf16 v46, v46  }
0x20f: {  	v45 =	vld.idx.msk [tilespmem:v34+s16+$0x0], $0xffff;
	v23 =	vmul.bf16 v26, v28;
	v13 =	vpack.i.f32.bf16 v13, v13;
	v14 =	vmul.bf16 v11, v8  }
0x210: {  	v16 =	vadd.f32 v18, v16;
	v47 =	vld.idx.msk [tilespmem:v27+s17+$0x0], $0xffff;
	v13 =	vmul.bf16 v13, v8;
	v17 =	vmul.bf16 v22, v19  }
0x211: {  	v26 =	vld [tilespmem:s10+$0x1B200];
	v11 =	vpack.i.f32.bf16 v32, v32;
	v54 =	vmul.bf16 v48, v20;
	v32 =	vmul.bf16 v50, v19  }
0x212: {  	v39 =	vpack.i.f32.bf16 v63, v63;
	v18 =	vmul.bf16 v51, v20;
	v19 =	vmul.bf16 v36, v19  }
0x213: {  	v44 =	vshll.u32 v9, $0x10;
	v49 =	vld.idx.msk [tilespmem:v53+s29+$0x0], $0xffff;
	v11 =	vmul.bf16 v11, v8;
	v8 =	vmul.bf16 v39, v8  }
0x214: {  	v9 =	vadd.f32 v44, v9;
	v52 =	vld.idx.msk [tilespmem:v53+s3+$0x0], $0xffff;
	v25 =	vmul.bf16 v29, v14;
	v29 =	vmul.bf16 v62, v13  }
0x215: {  	v53 =	vshll.u32 v6, $0x10;
	v40 =	vmul.bf16 v45, v11;
	v33 =	vmul.bf16 v47, v8  }
0x216: {  	v20 =	vmul.bf16 v30, v20;
	v26 =	vmul.f32 $3.199996760e+01, v26;
	v25 =	vadd.bf16 v29, v25;
	v29 =	vld.idx.msk [tilespmem:v21+s28+$0x0], $0xffff  }
0x217: {  	v60 =	vtrunc.f32 v24;
	v3 =	vmul.bf16 v58, v3;
	v21 =	vld.idx.msk [tilespmem:v21+s0+$0x0], $0xffff;
	v33 =	vadd.bf16 v33, v40  }
0x218: {  	v2 =	vld.idx.msk [tilespmem:v2+s0+$0x0], $0xffff;
	v22 =	vmul.bf16 v49, v28;
	v19 =	vadd.bf16 v20, v19;
	v20 =	vtrunc.f32 v26  }
0x219: {  	v57 =	vld.idx.msk [tilespmem:v1+s16+$0x0], $0xffff;
	v28 =	vmul.bf16 v52, v28;
	v61 =	vcvt.f32.s32 v20;
	v25 =	vadd.bf16 v33, v25  }
0x21a: {  	v59 =	vld.idx.msk [tilespmem:v31+s4+$0x0], $0xffff;
	v36 =	vcvt.f32.s32 v60;
	v17 =	vadd.bf16 v54, v17;
	v18 =	vadd.bf16 v18, v32  }
0x21b: {  	v30 =	vld.idx.msk [tilespmem:v1+s3+$0x0], $0xffff;
	[tilespmem:s6+$0x1CA00] =	vst v15;
	v15 =	vcvt.s32.f32 v61;
	v55 =	vshll.u32 v25, $0x10;
	v1 =	vmul.bf16 v29, v38  }
0x21c: {  	v20 =	vld.idx.msk [tilespmem:v34+s29+$0x0], $0xffff;
	v21 =	vmul.bf16 v21, v38;
	v29 =	vadd.bf16 v23, v56;
	v25 =	vadd.f32 v55, v25  }
0x21d: {  	[tilespmem:s6+$0x1D210] =	vst v10;
	v10 =	vmul.u32 $0x441, v36;
	v23 =	vld.idx.msk [tilespmem:v34+s25+$0x0], $0xffff;
	v26 =	vsub.f32 v26, v15;
	v1 =	vadd.bf16 v22, v1  }
0x21e: {  	v28 =	vadd.bf16 v28, v21;
	v21 =	vld.idx.msk [tilespmem:v34+s24+$0x0], $0xffff;
	v29 =	vadd.bf16 v17, v29;
	v17 =	vcvt.s32.f32 v7  }
0x21f: {  	v22 =	vld.idx.msk [tilespmem:v27+s26+$0x0], $0xffff;
	v7 =	vmul.u32 $0x21, v7;
	v1 =	vadd.bf16 v18, v1;
	v18 =	vcvt.s32.f32 v36  }
0x220: {  	v28 =	vadd.bf16 v19, v28;
	v19 =	vld.idx.msk [tilespmem:v31+s28+$0x0], $0xffff;
	v31 =	vshll.u32 v29, $0x10;
	v12 =	vsub.f32 v12, v17  }
0x221: {  	v17 =	vld.idx.msk [tilespmem:v34+s30+$0x0], $0xffff;
	v7 =	vadd.s32 v61, v7;
	v29 =	vadd.f32 v31, v29;
	v31 =	vsub.f32 v24, v18  }
0x222: {  	v62 =	vshll.u32 v1, $0x10;
	v18 =	vld.idx.msk [tilespmem:v27+s31+$0x0], $0xffff;
	[tilespmem:s10+$0x1D210] =	vst v25;
	v25 =	vadd.s32 v10, v7;
	v7 =	vsub.f32 $1.000000000e+00, v12  }
0x223: {  	[tilespmem:s6+$0x1CE00] =	vst v16;
	v63 =	vshll.u32 v28, $0x10;
	v1 =	vadd.f32 v62, v1;
	v10 =	vsub.f32 $1.000000000e+00, v31  }
0x224: {  	v16 =	vadd.f32 v63, v28;
	v15 =	vadd.s32 $0x1, v25;
	[tilespmem:s10+$0x1C980] =	vst v29;
	v29 =	vmul.bf16 v30, v4  }
0x225: {  	[tilespmem:s10+$0x1CD80] =	vst v1;
	v1 =	vsub.f32 $1.000000000e+00, v26;
	v27 =	vmul.f32 v10, v7;
	v10 =	vmul.f32 v10, v12  }
0x226: {  	v24 =	vadd.s32 $0x2, v25;
	[tilespmem:s10+$0x1D180] =	vst v16;
	v7 =	vmul.f32 v31, v7;
	v12 =	vmul.f32 v31, v12  }
0x227: {  	v16 =	vmul.bf16 v2, v0;
	v26 =	vpack.i.f32.bf16 v26, v1;
	v28 =	vld.idx.msk [tilespmem:v25+s4+$0x0], $0xffff;
	v27 =	vpack.i.f32.bf16 v27, v27  }
0x228: {  	v4 =	vld.idx.msk [tilespmem:v25+s28+$0x0], $0xffff;
	v10 =	vpack.i.f32.bf16 v10, v10;
	v1 =	vpack.i.f32.bf16 v7, v7;
	v7 =	vpack.i.f32.bf16 v12, v12  }
0x229: {  	v2 =	vmul.bf16 v27, v26;
	v0 =	vmul.bf16 v10, v26;
	v27 =	vld.idx.msk [tilespmem:v15+s24+$0x0], $0xffff;
	v10 =	vadd.f32 v53, v6  }
0x22a: {  	[tilespmem:s6+$0x1CE10] =	vst v9;
	v1 =	vmul.bf16 v1, v26;
	v6 =	vmul.bf16 v7, v26;
	v26 =	vld.idx.msk [tilespmem:v15+s25+$0x0], $0xffff  }
0x22b: {  	v12 =	vld.idx.msk [tilespmem:v24+s26+$0x0], $0xffff;
	v7 =	vmul.bf16 v57, v5;
	v5 =	vmul.bf16 v59, v14;
	[tilespmem:s6+$0x1CA10] =	vst v10  }
.LBB2_5:
0x22c: {  	s12 =	sadd.s32 $0x20, s12;
	v9 =	vld.idx.msk [tilespmem:v15+s29+$0x0], $0xffff;
	v10 =	vmul.bf16 v21, v13;
	v21 =	vmul.bf16 v23, v11;
	s13 =	sadd.s32 $0x40, s13;
	v16 =	vadd.bf16 v29, v16  }
0x22d: {  	v23 =	vmul.bf16 v28, v2;
	v22 =	vmul.bf16 v22, v8;
	s2 =	sand.u32 $0x60, s12;
	s5 =	sand.u32 $0x300, s13;
	p0 =	slt.u32 s12, $0x1E0;
	v28 =	vld.idx.msk [tilespmem:v15+s30+$0x0], $0xffff;
	v7 =	vadd.bf16 v3, v7  }
0x22e: {  	v27 =	vmul.bf16 v27, v0;
	s5 =	sor.u32 s2, s5;
	v29 =	vld.idx.msk [tilespmem:v24+s31+$0x0], $0xffff;
	v5 =	vadd.bf16 v10, v5;
	v10 =	vmul.bf16 v19, v14  }
0x22f: {  	v13 =	vmul.bf16 v20, v13;
	v3 =	vmovc v6;
	v19 =	vmul.bf16 v26, v1;
	v21 =	vadd.bf16 v22, v21;
	v14 =	vld [tilespmem:s5+$0x1B590]  }
0x230: {  	v11 =	vmul.bf16 v17, v11;
	v22 =	vadd.bf16 v27, v23;
	v6 =	vmul.bf16 v12, v3;
	v20 =	vld [tilespmem:s5+$0x1B990]  }
0x231: {  	v8 =	vmul.bf16 v18, v8;
	v17 =	vmul.bf16 v4, v2;
	v10 =	vadd.bf16 v13, v10;
	v12 =	vld [tilespmem:s5+$0x1B190]  }
0x232: {  	v18 =	vadd.bf16 v6, v19;
	v9 =	vmul.bf16 v9, v0;
	v6 =	vadd.bf16 v7, v16;
	v13 =	vld [tilespmem:s5+$0x1B580]  }
0x233: {  	v4 =	vadd.bf16 v21, v5;
	v5 =	vadd.bf16 v8, v11;
	v7 =	vmul.bf16 v28, v1;
	v23 =	vld [tilespmem:s5+$0x1B980]  }
0x234: {  	v9 =	vadd.bf16 v9, v17;
	v11 =	vld [tilespmem:s5+$0x1B180];
	v21 =	vmul.f32 $3.199996760e+01, v14;
	v14 =	vmul.bf16 v29, v3  }
0x235: {  	v5 =	vadd.bf16 v5, v10;
	v17 =	vadd.bf16 v18, v22;
	v26 =	vld [tilespmem:s5+$0x1B600];
	v27 =	vmul.f32 $3.199996760e+01, v20  }
0x236: {  	v8 =	vld [tilespmem:s5+$0x1BA00];
	v22 =	vmul.f32 $3.199996760e+01, v12;
	v10 =	vtrunc.f32 v21;
	v7 =	vadd.bf16 v14, v7  }
0x237: {  	v19 =	vshll.u32 v17, $0x10;
	v16 =	vld [tilespmem:s5+$0x1B200];
	v14 =	vcvt.f32.s32 v10;
	v10 =	vtrunc.f32 v27  }
0x238: {  	v20 =	vtrunc.f32 v22;
	v28 =	vcvt.f32.s32 v10;
	v18 =	vadd.bf16 v7, v9;
	v12 =	vld.idx.msk [tilespmem:v25+s0+$0x0], $0xffff  }
0x239: {  	v13 =	vmul.f32 $3.199996760e+01, v13;
	v25 =	vcvt.f32.s32 v20;
	v9 =	vmul.u32 $0x21, v14;
	v7 =	vld.idx.msk [tilespmem:v15+s3+$0x0], $0xffff  }
0x23a: {  	v23 =	vmul.f32 $3.199996760e+01, v23;
	v29 =	vmul.f32 $3.199996760e+01, v11;
	v11 =	vmul.u32 $0x441, v28;
	v10 =	vld.idx.msk [tilespmem:v15+s16+$0x0], $0xffff  }
0x23b: {  	v20 =	vtrunc.f32 v13;
	v15 =	vmul.f32 $3.199996760e+01, v26;
	v26 =	vadd.s32 v25, v9;
	v9 =	vld.idx.msk [tilespmem:v24+s17+$0x0], $0xffff  }
0x23c: {  	v24 =	vcvt.f32.s32 v20;
	v20 =	vtrunc.f32 v23;
	v26 =	vadd.s32 v11, v26  }
0x23d: {  	v11 =	vtrunc.f32 v29;
	v30 =	vcvt.f32.s32 v20;
	v20 =	vshll.u32 v18, $0x10;
	v31 =	vld [tilespmem:s5+$0x1B210]  }
0x23e: {  	v32 =	vcvt.f32.s32 v11;
	v11 =	vcvt.s32.f32 v24;
	v24 =	vmul.u32 $0x21, v24;
	v33 =	vld [tilespmem:s5+$0x1BA10]  }
0x23f: {  	v35 =	vadd.s32 $0x1, v26;
	v34 =	vcvt.s32.f32 v30;
	v30 =	vmul.u32 $0x441, v30;
	v36 =	vld [tilespmem:s5+$0x1B610]  }
0x240: {  	v37 =	vcvt.s32.f32 v32;
	v11 =	vsub.f32 v13, v11;
	v24 =	vadd.s32 v32, v24  }
0x241: {  	v28 =	vcvt.s32.f32 v28;
	v38 =	vadd.s32 $0x2, v26;
	v32 =	vcvt.s32.f32 v14;
	v39 =	vld.idx.msk [tilespmem:v26+s4+$0x0], $0xffff  }
0x242: {  	v13 =	vsub.f32 v23, v34;
	v23 =	vcvt.s32.f32 v25;
	v25 =	vld.idx.msk [tilespmem:v26+s28+$0x0], $0xffff;
	v14 =	vmul.f32 $3.199996760e+01, v31  }
0x243: {  	v27 =	vsub.f32 v27, v28;
	v21 =	vsub.f32 v21, v32;
	v26 =	vld.idx.msk [tilespmem:v26+s0+$0x0], $0xffff;
	v28 =	vmul.f32 $3.199996760e+01, v33  }
0x244: {  	v22 =	vsub.f32 v22, v23;
	v23 =	vld.idx.msk [tilespmem:v35+s24+$0x0], $0xffff;
	v31 =	vmul.f32 $3.199996760e+01, v36;
	v32 =	vtrunc.f32 v14  }
0x245: {  	v34 =	vsub.f32 $1.000000000e+00, v27;
	v33 =	vsub.f32 $1.000000000e+00, v21;
	v36 =	vld.idx.msk [tilespmem:v35+s25+$0x0], $0xffff;
	v40 =	vtrunc.f32 v28  }
0x246: {  	v30 =	vadd.s32 v30, v24;
	v32 =	vcvt.f32.s32 v32;
	v41 =	vld.idx.msk [tilespmem:v38+s26+$0x0], $0xffff;
	v24 =	vtrunc.f32 v31  }
0x247: {  	v42 =	vsub.f32 $1.000000000e+00, v22;
	v43 =	vmul.f32 v34, v33;
	v44 =	vld.idx.msk [tilespmem:v35+s29+$0x0], $0xffff;
	v45 =	vcvt.f32.s32 v24  }
0x248: {  	v46 =	vsub.f32 $1.000000000e+00, v11;
	v24 =	vmul.f32 v34, v21;
	v21 =	vmul.f32 v27, v21;
	v34 =	vld.idx.msk [tilespmem:v35+s30+$0x0], $0xffff  }
0x249: {  	v22 =	vpack.i.f32.bf16 v22, v42;
	v27 =	vmul.f32 v27, v33;
	v33 =	vpack.i.f32.bf16 v43, v43;
	v42 =	vld.idx.msk [tilespmem:v38+s31+$0x0], $0xffff  }
0x24a: {  	v33 =	vmul.bf16 v33, v22;
	v24 =	vpack.i.f32.bf16 v24, v24;
	v21 =	vpack.i.f32.bf16 v21, v21;
	v43 =	vld.idx.msk [tilespmem:v35+s3+$0x0], $0xffff  }
0x24b: {  	v47 =	vmul.bf16 v24, v22;
	v24 =	vpack.i.f32.bf16 v27, v27;
	v21 =	vmul.bf16 v21, v22;
	v27 =	vld.idx.msk [tilespmem:v35+s16+$0x0], $0xffff  }
0x24c: {  	v39 =	vmul.bf16 v39, v33;
	v35 =	vsub.f32 $1.000000000e+00, v13;
	v22 =	vmul.bf16 v24, v22;
	v38 =	vld.idx.msk [tilespmem:v38+s17+$0x0], $0xffff  }
0x24d: {  	v29 =	vsub.f32 v29, v37;
	v37 =	vmul.bf16 v25, v33;
	v33 =	vmul.bf16 v26, v33;
	v24 =	vld.idx.msk [tilespmem:v30+s4+$0x0], $0xffff  }
0x24e: {  	v48 =	vadd.s32 $0x1, v30;
	v23 =	vmul.bf16 v23, v47;
	v36 =	vmul.bf16 v36, v22;
	v25 =	vld.idx.msk [tilespmem:v30+s28+$0x0], $0xffff  }
0x24f: {  	v49 =	vadd.s32 $0x2, v30;
	v26 =	vld.idx.msk [tilespmem:v30+s0+$0x0], $0xffff;
	v30 =	vmul.bf16 v41, v21;
	v41 =	vmul.bf16 v44, v47  }
0x250: {  	v34 =	vmul.bf16 v34, v22;
	v42 =	vmul.bf16 v42, v21;
	v44 =	vsub.f32 $1.000000000e+00, v29  }
0x251: {  	v23 =	vadd.bf16 v23, v39;
	v39 =	vmul.bf16 v43, v47;
	v22 =	vmul.bf16 v27, v22  }
0x252: {  	v27 =	vadd.bf16 v30, v36;
	v30 =	vadd.bf16 v41, v37;
	v21 =	vmul.bf16 v38, v21  }
0x253: {  	v34 =	vadd.bf16 v42, v34;
	v33 =	vadd.bf16 v39, v33;
	v37 =	vcvt.f32.s32 v40;
	v36 =	vld.idx.msk [tilespmem:v48+s24+$0x0], $0xffff  }
0x254: {  	v23 =	vadd.bf16 v27, v23;
	v21 =	vadd.bf16 v21, v22;
	v22 =	vmul.u32 $0x21, v45;
	v38 =	vld.idx.msk [tilespmem:v48+s25+$0x0], $0xffff  }
0x255: {  	v27 =	vmul.f32 v35, v46;
	v30 =	vadd.bf16 v34, v30;
	v34 =	vmul.u32 $0x441, v37;
	v39 =	vld.idx.msk [tilespmem:v49+s26+$0x0], $0xffff  }
0x256: {  	v41 =	vshll.u32 v23, $0x10;
	v21 =	vadd.bf16 v21, v33;
	v22 =	vadd.s32 v32, v22;
	v40 =	vld.idx.msk [tilespmem:v48+s29+$0x0], $0xffff  }
0x257: {  	v23 =	vadd.f32 v41, v23;
	v41 =	vshll.u32 v30, $0x10;
	v34 =	vadd.s32 v34, v22;
	v33 =	vld.idx.msk [tilespmem:v48+s30+$0x0], $0xffff  }
0x258: {  	v22 =	vadd.f32 v41, v30;
	v30 =	vshll.u32 v21, $0x10;
	v41 =	vadd.s32 $0x1, v34;
	v42 =	vld.idx.msk [tilespmem:v49+s31+$0x0], $0xffff  }
0x259: {  	v21 =	vadd.f32 v30, v21;
	v30 =	vcvt.s32.f32 v37;
	v43 =	vld.idx.msk [tilespmem:v48+s3+$0x0], $0xffff;
	[tilespmem:s5+$0x1C990] =	vst v23;
	v23 =	vcvt.s32.f32 v45  }
0x25a: {  	v35 =	vmul.f32 v35, v11;
	v37 =	vld.idx.msk [tilespmem:v48+s16+$0x0], $0xffff;
	[tilespmem:s5+$0x1CD90] =	vst v22;
	v22 =	vcvt.s32.f32 v32;
	v32 =	vadd.s32 $0x2, v34  }
0x25b: {  	v47 =	vmul.f32 $3.199996760e+01, v8;
	v45 =	vld.idx.msk [tilespmem:v49+s17+$0x0], $0xffff;
	[tilespmem:s5+$0x1D190] =	vst v21;
	v8 =	vsub.f32 v31, v23;
	v21 =	vsub.f32 v28, v30  }
0x25c: {  	v11 =	vmul.f32 v13, v11;
	v23 =	vmul.f32 v13, v46;
	v13 =	vsub.f32 v14, v22;
	v22 =	vld.idx.msk [tilespmem:v34+s0+$0x0], $0xffff  }
0x25d: {  	v27 =	vpack.i.f32.bf16 v27, v27;
	v14 =	vsub.f32 $1.000000000e+00, v8;
	v28 =	vsub.f32 $1.000000000e+00, v21;
	v30 =	vld.idx.msk [tilespmem:v41+s3+$0x0], $0xffff  }
0x25e: {  	v31 =	vpack.i.f32.bf16 v35, v35;
	v46 =	vmul.f32 v21, v8;
	v35 =	vsub.f32 $1.000000000e+00, v13;
	v48 =	vld.idx.msk [tilespmem:v41+s16+$0x0], $0xffff  }
0x25f: {  	v23 =	vpack.i.f32.bf16 v23, v23;
	v49 =	vmul.f32 v28, v14;
	v8 =	vmul.f32 v28, v8;
	v28 =	vld.idx.msk [tilespmem:v32+s17+$0x0], $0xffff  }
0x260: {  	v29 =	vpack.i.f32.bf16 v29, v44;
	v21 =	vmul.f32 v21, v14;
	v35 =	vpack.i.f32.bf16 v13, v35  }
0x261: {  	v44 =	vpack.i.f32.bf16 v46, v46;
	v13 =	vpack.i.f32.bf16 v49, v49;
	v8 =	vpack.i.f32.bf16 v8, v8  }
0x262: {  	v14 =	vmul.bf16 v13, v35;
	v13 =	vmul.bf16 v8, v35;
	v8 =	vpack.i.f32.bf16 v21, v21  }
0x263: {  	v21 =	vpack.i.f32.bf16 v11, v11;
	v11 =	vmul.bf16 v8, v35;
	v8 =	vmul.bf16 v44, v35  }
0x264: {  	v35 =	vshll.u32 v6, $0x10;
	v22 =	vmul.bf16 v22, v14;
	v30 =	vmul.bf16 v30, v13  }
0x265: {  	v46 =	vshll.u32 v4, $0x10;
	v44 =	vmul.bf16 v48, v11;
	v28 =	vmul.bf16 v28, v8  }
0x266: {  	v27 =	vmul.bf16 v27, v29;
	v31 =	vmul.bf16 v31, v29;
	v48 =	vshll.u32 v5, $0x10  }
0x267: {  	v49 =	vmul.bf16 v23, v29;
	v22 =	vadd.bf16 v30, v22;
	v50 =	vld.idx.msk [tilespmem:v34+s4+$0x0], $0xffff;
	v28 =	vadd.bf16 v28, v44  }
0x268: {  	v17 =	vadd.f32 v19, v17;
	v29 =	vmul.bf16 v21, v29;
	v30 =	vmul.bf16 v36, v31;
	v21 =	vld.idx.msk [tilespmem:v41+s24+$0x0], $0xffff  }
0x269: {  	v36 =	vmul.bf16 v38, v49;
	v38 =	vmul.bf16 v40, v31;
	v23 =	vld.idx.msk [tilespmem:v41+s25+$0x0], $0xffff;
	v28 =	vadd.bf16 v28, v22  }
0x26a: {  	v33 =	vmul.bf16 v33, v49;
	v39 =	vmul.bf16 v39, v29;
	v40 =	vadd.f32 v20, v18;
	v22 =	vld.idx.msk [tilespmem:v32+s26+$0x0], $0xffff  }
0x26b: {  	v18 =	vmul.bf16 v42, v29;
	v31 =	vmul.bf16 v43, v31;
	v19 =	vld.idx.msk [tilespmem:v34+s28+$0x0], $0xffff;
	v34 =	vshll.u32 v28, $0x10;
	[tilespmem:s10+$0x1CA00] =	vst v17  }
0x26c: {  	v37 =	vmul.bf16 v37, v49;
	v29 =	vmul.bf16 v45, v29;
	v20 =	vld.idx.msk [tilespmem:v41+s29+$0x0], $0xffff;
	v28 =	vadd.f32 v34, v28  }
0x26d: {  	v24 =	vmul.bf16 v24, v27;
	v25 =	vmul.bf16 v25, v27;
	v34 =	vadd.bf16 v39, v36;
	v17 =	vld.idx.msk [tilespmem:v41+s30+$0x0], $0xffff  }
0x26e: {  	v26 =	vmul.bf16 v26, v27;
	v27 =	vtrunc.f32 v15;
	v33 =	vadd.bf16 v18, v33;
	v18 =	vld.idx.msk [tilespmem:v32+s31+$0x0], $0xffff;
	[tilespmem:s5+$0x1D210] =	vst v28  }
0x26f: {  	v16 =	vmul.f32 $3.199996760e+01, v16;
	v24 =	vadd.bf16 v30, v24;
	v28 =	vtrunc.f32 v47;
	[tilespmem:s10+$0x1CE00] =	vst v40  }
0x270: {  	v27 =	vcvt.f32.s32 v27;
	v25 =	vadd.bf16 v38, v25;
	v26 =	vadd.bf16 v31, v26  }
0x271: {  	v29 =	vadd.bf16 v29, v37;
	v30 =	vtrunc.f32 v16;
	v28 =	vcvt.f32.s32 v28  }
0x272: {  	v30 =	vcvt.f32.s32 v30;
	v25 =	vadd.bf16 v33, v25;
	v24 =	vadd.bf16 v34, v24  }
0x273: {  	v26 =	vadd.bf16 v29, v26;
	v29 =	vcvt.s32.f32 v27;
	v31 =	vcvt.s32.f32 v28  }
0x274: {  	v27 =	vmul.u32 $0x21, v27;
	v33 =	vshll.u32 v25, $0x10;
	v32 =	vshll.u32 v24, $0x10  }
0x275: {  	v29 =	vsub.f32 v15, v29;
	v34 =	vshll.u32 v26, $0x10;
	v15 =	vmul.u32 $0x441, v28  }
0x276: {  	v24 =	vadd.f32 v32, v24;
	v28 =	vcvt.s32.f32 v30;
	v31 =	vsub.f32 v47, v31  }
0x277: {  	v26 =	vadd.f32 v34, v26;
	v32 =	vadd.f32 v33, v25;
	v25 =	vadd.s32 v30, v27  }
0x278: {  	v27 =	vsub.f32 $1.000000000e+00, v29;
	v25 =	vadd.s32 v15, v25;
	v30 =	vsub.f32 $1.000000000e+00, v31;
	[tilespmem:s5+$0x1C980] =	vst v24  }
0x279: {  	v28 =	vsub.f32 v16, v28;
	v15 =	vadd.s32 $0x1, v25;
	v24 =	vadd.s32 $0x2, v25;
	[tilespmem:s5+$0x1CD80] =	vst v32  }
0x27a: {  	v6 =	vadd.f32 v35, v6;
	v16 =	vmul.f32 v30, v27;
	[tilespmem:s5+$0x1D180] =	vst v26;
	v26 =	vmul.f32 v30, v29  }
0x27b: {  	v27 =	vmul.f32 v31, v27;
	v30 =	vsub.f32 $1.000000000e+00, v28;
	v29 =	vmul.f32 v31, v29  }
0x27c: {  	v31 =	vpack.i.f32.bf16 v16, v16;
	v16 =	vmul.bf16 v12, v2;
	v26 =	vpack.i.f32.bf16 v26, v26;
	[tilespmem:s6+$0x1D200] =	vst v6;
	s6 =	smov.u32 s10;
	s10 =	smov.u32 s5  }
.Ltmp1:
0x27d: {  	v12 =	vpack.i.f32.bf16 v27, v27;
	v6 =	vpack.i.f32.bf16 v28, v30;
	v29 =	vpack.i.f32.bf16 v29, v29;
	v28 =	vld.idx.msk [tilespmem:v25+s4+$0x0], $0xffff;
	(pc) =	sbr.rel @p0 .LBB2_5-.Ltmp1, $4  }
0x27e: {  	v4 =	vadd.f32 v46, v4;
	v2 =	vmul.bf16 v31, v6;
	v30 =	vmul.bf16 v26, v6;
	v27 =	vld.idx.msk [tilespmem:v15+s24+$0x0], $0xffff  }
0x27f: {  	v32 =	vadd.f32 v48, v5;
	v31 =	vmul.bf16 v12, v6;
	v6 =	vmul.bf16 v29, v6;
	v26 =	vld.idx.msk [tilespmem:v15+s25+$0x0], $0xffff  }
0x280: {  	v29 =	vmul.bf16 v7, v0;
	v7 =	vmul.bf16 v10, v1;
	v0 =	vmov v30;
	v12 =	vld.idx.msk [tilespmem:v24+s26+$0x0], $0xffff;
	[tilespmem:s6+$0x1CA10] =	vst v4  }
0x281: {  	v3 =	vmul.bf16 v9, v3;
	v5 =	vmul.bf16 v50, v14;
	v1 =	vmov v31;
	v4 =	vld.idx.msk [tilespmem:v25+s28+$0x0], $0xffff;
	[tilespmem:s6+$0x1CE10] =	vst v32  }
0x282: {  	_ =	sdelay $0x3  }
0x283: {  	v9 =	vld.idx.msk [tilespmem:v15+s29+$0x0], $0xffff;
	v10 =	vmul.bf16 v21, v13;
	v32 =	vmul.bf16 v23, v11  }
0x284: {  	v33 =	vmul.bf16 v28, v2;
	v34 =	vld.idx.msk [tilespmem:v15+s30+$0x0], $0xffff;
	v22 =	vmul.bf16 v22, v8  }
0x285: {  	v35 =	vld.idx.msk [tilespmem:v24+s31+$0x0], $0xffff;
	v36 =	vmul.bf16 v19, v14;
	v39 =	vmul.bf16 v20, v13  }
0x286: {  	v16 =	vadd.bf16 v29, v16;
	v38 =	vld.idx.msk [tilespmem:v25+s0+$0x0], $0xffff;
	v48 =	vmul.bf16 v17, v11;
	v49 =	vmul.bf16 v18, v8  }
0x287: {  	v40 =	vld.idx.msk [tilespmem:v15+s3+$0x0], $0xffff;
	v27 =	vmul.bf16 v27, v0;
	v3 =	vadd.bf16 v3, v7;
	v5 =	vadd.bf16 v10, v5  }
0x288: {  	v43 =	vld.idx.msk [tilespmem:v15+s16+$0x0], $0xffff;
	v37 =	vmul.bf16 v26, v1;
	v41 =	vadd.bf16 v22, v32;
	v7 =	vadd.bf16 v39, v36  }
0x289: {  	v45 =	vld.idx.msk [tilespmem:v24+s17+$0x0], $0xffff;
	v8 =	vadd.bf16 v49, v48;
	v12 =	vmul.bf16 v12, v6;
	v42 =	vadd.bf16 v27, v33  }
0x28a: {  	v3 =	vadd.bf16 v3, v16;
	v4 =	vmul.bf16 v4, v2;
	v5 =	vadd.bf16 v41, v5  }
0x28b: {  	v58 =	vadd.bf16 v8, v7;
	v9 =	vmul.bf16 v9, v0;
	v46 =	vmul.bf16 v34, v1  }
0x28c: {  	v44 =	vadd.bf16 v12, v37;
	v47 =	vmul.bf16 v35, v6;
	v52 =	vmul.bf16 v38, v2  }
0x28d: {  	v53 =	vmul.bf16 v40, v0;
	v54 =	vmul.bf16 v43, v1;
	v59 =	vshll.u32 v3, $0x10  }
0x28e: {  	v55 =	vmul.bf16 v45, v6;
	v3 =	vadd.f32 v59, v3;
	v10 =	vadd.bf16 v44, v42  }
0x28f: {  	v4 =	vadd.bf16 v9, v4;
	v50 =	vadd.bf16 v47, v46  }
0x290: {  	v60 =	vshll.u32 v5, $0x10;
	v0 =	vadd.bf16 v53, v52;
	v1 =	vadd.bf16 v55, v54  }
0x291: {  	v61 =	vshll.u32 v58, $0x10;
	v62 =	vadd.f32 v60, v5;
	v4 =	vadd.bf16 v50, v4  }
0x292: {  	[tilespmem:s6+$0x1D200] =	vst v3;
	v51 =	vshll.u32 v10, $0x10;
	v0 =	vadd.bf16 v1, v0;
	v1 =	vadd.f32 v61, v58  }
0x293: {  	[tilespmem:s10+$0x1CA10] =	vst v62;
	v56 =	vadd.f32 v51, v10;
	v57 =	vshll.u32 v4, $0x10  }
0x294: {  	v63 =	vshll.u32 v0, $0x10;
	[tilespmem:s10+$0x1CE10] =	vst v1;
	v4 =	vadd.f32 v57, v4  }
0x295: {  	[tilespmem:s10+$0x1CA00] =	vst v56;
	v0 =	vadd.f32 v63, v0  }
0x296: {  	s20 =	sadd.s32 $0x1, s20;
	[tilespmem:s10+$0x1CE00] =	vst v4  }
0x297: {  	s2 =	sadd.s32 s19, s21;
	s1 =	simm.s32 $0x1C980;
	p0 =	sne.s32 s20, $0x20;
	[tilespmem:s10+$0x1D200] =	vst v0  }
0x298: {  	[hbm4b:s2+s14] =	stream.strided.scatter [tilespmem:s1], [sflag:$0x4], $0x400, s15, s14, $0x38;
	[tilespmem:$0x1D580] =	vst v63  }
.Ltmp2:
0x299: {  	_ = 	snop;
	(pc) =	sbr.rel @p0 .LBB2_2-.Ltmp2, $4  }
0x29a: {  	s12 =	sadd.s32 s19, s22;
	s13 =	simm.s32 $0x1CD80  }
0x29b: {  	[hbm4b:s12+s14] =	stream.strided.scatter [tilespmem:s13], [sflag:$0x4], $0x400, s15, s14, $0x38;
	[tilespmem:$0x1D580] =	vst v63  }
0x29c: {  	s21 =	sadd.s32 s19, s18;
	s22 =	simm.s32 $0x1D180  }
0x29d: {  	[hbm4b:s21+s14] =	stream.strided.scatter [tilespmem:s22], [sflag:$0x4], $0x400, s15, s14, $0x38;
	[tilespmem:$0x1D580] =	vst v63  }
0x29e: {  	s1 =	simm.s32 $0x3  }
0x29f: {  	_ =	swait.ge [sflag:s1], $0x400  }
0x2a0: {  	[sflag:s1] =	ssyncset.done $0x0  }
0x2a1: {  	[sflag:s1] =	ssyncadd.s32 $0xFFFFFC00  }
0x2a2: {  	_ =	swait.ge [sflag:s1], $0x400  }
0x2a3: {  	[sflag:s1] =	ssyncset.done $0x0  }
0x2a4: {  	[sflag:s1] =	ssyncadd.s32 $0xFFFFFC00  }
0x2a5: {  	_ =	swait.ge [sflag:s1], $0x400  }
0x2a6: {  	[sflag:s1] =	ssyncset.done $0x0  }
0x2a7: {  	s2 =	simm.s32 $0x4;
	[sflag:s1] =	ssyncadd.s32 $0xFFFFFC00  }
0x2a8: {  	_ =	swait.ge [sflag:s2], $0x400  }
0x2a9: {  	[sflag:s2] =	ssyncset.done $0x0  }
0x2aa: {  	[sflag:s2] =	ssyncadd.s32 $0xFFFFFC00  }
0x2ab: {  	_ =	swait.ge [sflag:s2], $0x400  }
0x2ac: {  	[sflag:s2] =	ssyncset.done $0x0  }
0x2ad: {  	[sflag:s2] =	ssyncadd.s32 $0xFFFFFC00  }
0x2ae: {  	_ =	swait.ge [sflag:s2], $0x400  }
0x2af: {  	s5 =	rddreg [dreg:$0xd]  }
0x2b0: {  	s22 =	rddreg [dreg:$0xc];
	s5 =	sadd.s32 $0x1, s5  }
0x2b1: {  	p0 =	sne.s32 s5, s22  }
.Ltmp3:
0x2b2: {  	_ = 	snop;
	(pc) =	sbr.rel @p0 .LBB2_1-.Ltmp3, $3  }
0x2b3: {  	_ =	sdelay $0x1  }
0x2b4: {  	[sflag:s2] =	ssyncset.done $0x0  }
0x2b5: {  	[sflag:s2] =	ssyncadd.s32 $0xFFFFFC00  }
0x2b6: {  	_ =	sfence.sel $0x180000  }
0x2b7: {  	[bflag:$0x0] =	sbarrier.arrive $0xFFFF  }
0x2b8: {  	_ =	strace $0x90000047  }
0x2b9: {  	s0 =	stileid.u32;
	[bflag:$0x2] =	sbarrier.arrive $0xFFFF  }
0x2ba: {  	p0 =	sne.s32 s0, $0x0;
	s0 =	rddreg [dreg:$0x3]  }
0x2bb: {  	s0 =	sadd.s32 @!p0 $0x100000, s0  }
0x2bc: {  	[sflag:s0] =	ssyncadd.tile.s32 @!p0 $0x1;
	_ =	shalt  }
.Lfunc_end2:
_tile_overlayer_lowered:
.L_overlay_start_2:
0x2bd: {  	(tag) =	ssettag $0x2  }
0x2be: {  	s0 =	rddreg [dreg:$0x0];
	s2 =	stileid.u32  }
0x2bf: {  	s1 =	rddreg [dreg:$0x1];
	p0 =	sne.s32 s2, $0x0  }
0x2c0: {  	s3 =	rddreg [dreg:$0x2];
	[bflag:$0x3] =	sbarrier.arrive $0xFFFF;
	s2 =	simm.s32 @!p0 $0x1C05  }
0x2c1: {  	[timem:s3], [sflag:s2] =	dma.local @!p0 [hbm:s0], s1  }
0x2c2: {  	s0 =	simm.s32 @!p0 $0x5  }
0x2c3: {  	_ =	swait.ge @!p0 [sflag:s0], s1  }
0x2c4: {  	s1 =	ssub.s32 @!p0 $0x0, s1;
	[sflag:s0] =	ssyncset.done @!p0 $0x0  }
0x2c5: {  	[sflag:s0] =	ssyncadd.s32 @!p0 s1  }
0x2c6: {  	[bflag:$0x3] =	sbarrier.arrive $0xFFFF  }
0x2c7: {  	_ =	shalt  }

</sc_bundles>
